<compile_context>
chip_gen: v7x
topology: tpu7x:2x2x1
jax: 0.10.2.dev20260603
libtpu: 0.0.44.dev20260713+nightly
codegen_flags: <defaults>
</compile_context>

<pallas_src>
import functools

import jax
import jax.numpy as jnp
from jax import lax
from jax.experimental import pallas as pl
from jax.experimental.pallas import tpu as pltpu
from jax.experimental.pallas import tpu_sc as plsc

N = 10000
E = 320000
D_IN = 128
HIDDEN = 128
NUM_CLASSES = 10
NG = 64

NC = 2
NS = 16
TILES = NC * NS
RPT = 80
ROWS = TILES * RPT
NPAD = 10240
SPT = 3
CH = RPT + SPT
CN = NG * N


def _sc_mesh():
    return plsc.VectorSubcoreMesh(core_axis_name="c", subcore_axis_name="s")


def _sc_degree(er3):
    @functools.partial(
        pl.kernel,
        mesh=_sc_mesh(),
        compiler_params=pltpu.CompilerParams(needs_layout_passes=False),
        out_type=jax.ShapeDtypeStruct((NC * NPAD,), jnp.float32),
        scratch_types=[
            pltpu.VMEM((RPT, 128), jnp.int32),
            pltpu.VMEM((128,), jnp.float32),
            pltpu.VMEM((640,), jnp.float32),
            pltpu.VMEM_SHARED((NPAD,), jnp.float32),
            pltpu.SemaphoreType.DMA,
            pltpu.SemaphoreType.DMA,
        ],
    )
    def k(er_hbm, out_hbm, dst_v, ones_v, zero_v, deg_sh, sem_in, sem_s):
        c = lax.axis_index("c")
        s = lax.axis_index("s")
        wid = s * NC + c
        nrows = jnp.clip(E // 128 - wid * RPT, 0, RPT)

        pltpu.async_copy(er_hbm.at[1, pl.ds(wid * RPT, RPT), :], dst_v,
                         sem_in)

        def fbody(i, _):
            ones_v[pl.ds(i * 16, 16)] = jnp.full((16,), 1.0, jnp.float32)
            zero_v[pl.ds(i * 16, 16)] = jnp.zeros((16,), jnp.float32)
            return 0

        lax.fori_loop(0, 8, fbody, 0)

        def zbody(i, _):
            zero_v[pl.ds(128 + i * 16, 16)] = jnp.zeros((16,), jnp.float32)
            return 0

        lax.fori_loop(0, (640 - 128) // 16, zbody, 0)
        pltpu.sync_copy(zero_v, deg_sh.at[pl.ds(s * 640, 640)])
        pltpu.make_async_copy(er_hbm.at[1, pl.ds(wid * RPT, RPT), :], dst_v,
                              sem_in).wait()
        plsc.subcore_barrier()

        def sbody(j, _):
            pltpu.async_copy(ones_v, deg_sh.at[dst_v.at[j]], sem_s, add=True)
            return 0

        lax.fori_loop(0, nrows, sbody, 0)

        def dbody(j, _):
            pltpu.make_async_copy(ones_v, deg_sh.at[dst_v.at[0]],
                                  sem_s).wait()
            return 0

        lax.fori_loop(0, nrows, dbody, 0)
        plsc.subcore_barrier()
        pltpu.sync_copy(deg_sh.at[pl.ds(s * 640, 640)], zero_v)
        pltpu.sync_copy(zero_v, out_hbm.at[pl.ds(c * NPAD + s * 640, 640)])

    return k(er3)


def _tc_dinv(deg_part):
    def body(d_ref, o_ref):
        deg = d_ref[0] + d_ref[1] + 1.0
        dinv = lax.rsqrt(deg)
        r = lax.broadcasted_iota(jnp.int32, (NPAD // 128, 128), 0)
        l = lax.broadcasted_iota(jnp.int32, (NPAD // 128, 128), 1)
        o_ref[...] = jnp.where(r * 128 + l < N, dinv, 0.0)

    return pl.pallas_call(
        body,
        out_shape=jax.ShapeDtypeStruct((NPAD // 128, 128), jnp.float32),
    )(deg_part)


def _sc_coef(er3, dinv_p, batch_p):
    ZS = CN // NS

    @functools.partial(
        pl.kernel,
        mesh=_sc_mesh(),
        compiler_params=pltpu.CompilerParams(needs_layout_passes=False),
        out_type=jax.ShapeDtypeStruct((NC * CN,), jnp.float32),
        scratch_types=[
            pltpu.VMEM((RPT, 128), jnp.int32),
            pltpu.VMEM((RPT, 128), jnp.int32),
            pltpu.VMEM((NPAD,), jnp.float32),
            pltpu.VMEM((NPAD,), jnp.int32),
            pltpu.VMEM((CH, 128), jnp.int32),
            pltpu.VMEM((CH, 128), jnp.float32),
            pltpu.VMEM((8000,), jnp.float32),
            pltpu.VMEM((8000,), jnp.float32),
            pltpu.VMEM_SHARED((CN,), jnp.float32),
            pltpu.SemaphoreType.DMA,
            pltpu.SemaphoreType.DMA,
            pltpu.SemaphoreType.DMA,
            pltpu.SemaphoreType.DMA,
            pltpu.SemaphoreType.DMA,
            pltpu.SemaphoreType.DMA,
        ],
    )
    def k(er_hbm, dinv_hbm, batch_hbm, out_hbm,
          src_v, dst_v, dinv_v, batch_v, idx_v, val_v, buf0, buf1,
          c_sh, sem_in, sem_s, sem_z, sem_a1, sem_b0, sem_b1):
        c = lax.axis_index("c")
        s = lax.axis_index("s")
        wid = s * NC + c
        nrows = jnp.clip(E // 128 - wid * RPT, 0, RPT)
        base = wid * (SPT * 128)
        nself = jnp.where(base < N, SPT, 0)

        pltpu.async_copy(er_hbm.at[0, pl.ds(wid * RPT, RPT), :], src_v,
                         sem_in)
        pltpu.async_copy(er_hbm.at[1, pl.ds(wid * RPT, RPT), :], dst_v,
                         sem_in)
        pltpu.async_copy(dinv_hbm, dinv_v, sem_in)
        pltpu.async_copy(batch_hbm, batch_v, sem_in)

        def zbody(i, _):
            buf0[pl.ds(i * 16, 16)] = jnp.zeros((16,), jnp.float32)
            return 0

        lax.fori_loop(0, 8000 // 16, zbody, 0)

        def zcopy(i, _):
            pltpu.async_copy(buf0, c_sh.at[pl.ds(s * ZS + i * 8000, 8000)],
                             sem_z)
            return 0

        lax.fori_loop(0, ZS // 8000, zcopy, 0)

        def zdrain(i, _):
            pltpu.make_async_copy(buf0, c_sh.at[pl.ds(s * ZS, 8000)],
                                  sem_z).wait()
            return 0

        lax.fori_loop(0, ZS // 8000, zdrain, 0)

        pltpu.make_async_copy(er_hbm.at[0, pl.ds(wid * RPT, RPT), :], src_v,
                              sem_in).wait()
        pltpu.make_async_copy(er_hbm.at[1, pl.ds(wid * RPT, RPT), :], dst_v,
                              sem_in).wait()
        pltpu.make_async_copy(dinv_hbm, dinv_v, sem_in).wait()
        pltpu.make_async_copy(batch_hbm, batch_v, sem_in).wait()
        plsc.subcore_barrier()

        def cbody(j, _):
            for kk in range(8):
                sl = pl.ds(kk * 16, 16)
                d16 = dst_v[j, sl]
                s16 = src_v[j, sl]
                b16 = plsc.load_gather(batch_v, [d16])
                dv = plsc.load_gather(dinv_v, [d16])
                val_v[j, sl] = dv
                idx_v[j, sl] = b16 * N + s16
            pltpu.async_copy(val_v.at[j], c_sh.at[idx_v.at[j]], sem_s,
                             add=True)
            return 0

        lax.fori_loop(0, nrows, cbody, 0)

        @pl.when(base < N)
        def _():
            for jj in range(SPT):
                for kk in range(8):
                    sl = pl.ds(kk * 16, 16)
                    i16 = (base + jj * 128 + kk * 16
                           + lax.broadcasted_iota(jnp.int32, (16,), 0))
                    i16 = jnp.where(i16 >= NPAD, i16 - 128, i16)
                    b16 = plsc.load_gather(batch_v, [i16])
                    dv = plsc.load_gather(dinv_v, [i16])
                    val_v[RPT + jj, sl] = dv
                    idx_v[RPT + jj, sl] = b16 * N + i16
                pltpu.async_copy(val_v.at[RPT + jj],
                                 c_sh.at[idx_v.at[RPT + jj]],
                                 sem_s, add=True)

        def dbody(j, _):
            pltpu.make_async_copy(val_v.at[0], c_sh.at[idx_v.at[0]],
                                  sem_s).wait()
            return 0

        lax.fori_loop(0, nrows + nself, dbody, 0)
        plsc.subcore_barrier()

        bufs = (buf0, buf1)
        sa = (sem_in, sem_a1)
        sb = (sem_b0, sem_b1)

        def rd(i):
            return (c_sh.at[pl.ds(s * ZS + i * 8000, 8000)], bufs[i % 2],
                    sa[i % 2])

        def wr(i):
            return (bufs[i % 2],
                    out_hbm.at[pl.ds(c * CN + s * ZS + i * 8000, 8000)],
                    sb[i % 2])

        nchunk = ZS // 8000
        pltpu.async_copy(*rd(0))
        pltpu.async_copy(*rd(1))
        for i in range(nchunk):
            pltpu.make_async_copy(*rd(i)).wait()
            pltpu.async_copy(*wr(i))
            if i + 2 < nchunk:
                pltpu.make_async_copy(*wr(i)).wait()
                pltpu.async_copy(*rd(i + 2))
        pltpu.make_async_copy(*wr(nchunk - 2)).wait()
        pltpu.make_async_copy(*wr(nchunk - 1)).wait()

    return k(er3, dinv_p, batch_p)


def _tc_counts(batch_row):
    def body(b_ref, o_ref):
        g = lax.broadcasted_iota(jnp.int32, (NG, N), 0)
        o_ref[...] = jnp.sum(jnp.where(b_ref[...] == g, 1.0, 0.0), axis=1,
                             keepdims=True)

    return pl.pallas_call(
        body,
        out_shape=jax.ShapeDtypeStruct((NG, 1), jnp.float32),
    )(batch_row)


def _tc_head(cp, x, dinv_col, cnt, Wc, bc, Wl, bl):
    def body(cp_ref, x_ref, dinv_ref, cnt_ref, wc_ref, bc_ref, wl_ref, bl_ref,
             o_ref):
        C = cp_ref[0] + cp_ref[1]
        xd = x_ref[...] * dinv_ref[...]
        z = jnp.dot(C, xd, preferred_element_type=jnp.float32)
        cnt = cnt_ref[...]
        sums = jnp.dot(z, wc_ref[...], preferred_element_type=jnp.float32)
        sums = sums + cnt * bc_ref[...]
        pooled = sums / jnp.maximum(cnt, 1.0)
        o_ref[...] = (jnp.dot(pooled, wl_ref[...],
                              preferred_element_type=jnp.float32)
                      + bl_ref[...])

    return pl.pallas_call(
        body,
        out_shape=jax.ShapeDtypeStruct((NG, NUM_CLASSES), jnp.float32),
    )(cp, x, dinv_col, cnt, Wc, bc, Wl, bl)


def kernel(x, edge_index, batch, W_conv, b_conv, W_lin, b_lin):
    er3 = jnp.pad(edge_index, ((0, 0), (0, ROWS * 128 - E)),
                  constant_values=NPAD - 1).reshape(2, ROWS, 128)
    batch_p = jnp.pad(batch, (0, NPAD - N))

    deg_part = _sc_degree(er3)
    dinv = _tc_dinv(deg_part.reshape(NC, NPAD // 128, 128))
    dinv_flat = dinv.reshape(NPAD)
    cp = _sc_coef(er3, dinv_flat, batch_p)
    cnt = _tc_counts(batch.reshape(1, N))
    out = _tc_head(cp.reshape(NC, NG, N), x,
                   dinv_flat[:N].reshape(N, 1), cnt,
                   W_conv, b_conv.reshape(1, HIDDEN),
                   W_lin, b_lin.reshape(1, NUM_CLASSES))
    return out

# --- scband reference (transcript-rebuilt; emitter-appended) ---
"""Pipeline reference for scband-gnnclassifier-75093208203283 (READ-ONLY COPY).

The authoritative reference and input builder live on the scoring server;
editing this copy changes nothing except your own understanding.
"""

import jax, jax.numpy as jnp
import numpy as np

N = 10000
E = 320000
D_IN = 128
HIDDEN = 128
NUM_CLASSES = 10
NUM_GRAPHS = 64


def setup_inputs(seed: int = 0) -> dict:
    key = jax.random.key(seed)
    ks = jax.random.split(key, 8)
    x = jax.random.normal(ks[0], (N, D_IN), dtype=jnp.float32)
    edge_index = jax.random.randint(ks[1], (2, E), 0, N, dtype=jnp.int32)
    batch = jnp.sort(jax.random.randint(ks[2], (N,), 0, NUM_GRAPHS, dtype=jnp.int32))
    W_conv = jax.random.normal(ks[3], (D_IN, HIDDEN), dtype=jnp.float32) / np.sqrt(D_IN)
    b_conv = jnp.zeros((HIDDEN,), dtype=jnp.float32)
    W_lin = jax.random.normal(ks[4], (HIDDEN, NUM_CLASSES), dtype=jnp.float32) / np.sqrt(HIDDEN)
    b_lin = jnp.zeros((NUM_CLASSES,), dtype=jnp.float32)
    return {"x": x, "edge_index": edge_index, "batch": batch,
            "W_conv": W_conv, "b_conv": b_conv, "W_lin": W_lin, "b_lin": b_lin}


def _gcn_classifier(x, edge_index, batch, W_conv, b_conv, W_lin, b_lin):
    n = x.shape[0]
    src = edge_index[0]
    dst = edge_index[1]
    # GCNConv: add self-loops, symmetric normalization deg^{-1/2} A_hat deg^{-1/2}
    loops = jnp.arange(n, dtype=src.dtype)
    src = jnp.concatenate([src, loops])
    dst = jnp.concatenate([dst, loops])
    deg = jnp.zeros((n,), dtype=jnp.float32).at[dst].add(1.0)
    dinv = jax.lax.rsqrt(deg)  # deg >= 1 thanks to self-loops
    xw = x @ W_conv
    norm = dinv[src] * dinv[dst]
    msg = xw[src] * norm[:, None]
    h = jax.ops.segment_sum(msg, dst, num_segments=n) + b_conv
    # global mean pool over the batch assignment vector
    sums = jax.ops.segment_sum(h, batch, num_segments=NUM_GRAPHS)
    counts = jax.ops.segment_sum(jnp.ones((n, 1), dtype=jnp.float32), batch, num_segments=NUM_GRAPHS)
    pooled = sums / jnp.maximum(counts, 1.0)
    # linear classification head
    return pooled @ W_lin + b_lin


def reference(x, edge_index, batch, W_conv, b_conv, W_lin, b_lin):
    return _gcn_classifier(x, edge_index, batch, W_conv, b_conv, W_lin, b_lin)

if __name__ == "__main__":
    import jax
    _d = setup_inputs()
    print(jax.jit(kernel)(*tuple(_d.values())))

</pallas_src>

<mosaic_0001>
#map = affine_map<(d0, d1) -> (0, 0, 0)>
#map1 = affine_map<(d0, d1) -> (0)>
module attributes {stable_mosaic.version = 14 : i64} {
  func.func @k(%arg0: i32, %arg1: i32, %arg2: memref<2x2560x128xi32, #tpu.memory_space<hbm>>, %arg3: memref<10240xf32, #tpu.memory_space<hbm>>, %arg4: memref<10240xi32, #tpu.memory_space<hbm>>, %arg5: memref<1280000xf32, #tpu.memory_space<hbm>>, %arg6: memref<80x128xi32, #tpu.memory_space<vmem>>, %arg7: memref<80x128xi32, #tpu.memory_space<vmem>>, %arg8: memref<10240xf32, #tpu.memory_space<vmem>>, %arg9: memref<10240xi32, #tpu.memory_space<vmem>>, %arg10: memref<83x128xi32, #tpu.memory_space<vmem>>, %arg11: memref<83x128xf32, #tpu.memory_space<vmem>>, %arg12: memref<8000xf32, #tpu.memory_space<vmem>>, %arg13: memref<8000xf32, #tpu.memory_space<vmem>>, %arg14: memref<640000xf32, #tpu.memory_space<vmem_shared>>, %arg15: memref<!tpu.dma_semaphore, #tpu.memory_space<semaphore_mem>>, %arg16: memref<!tpu.dma_semaphore, #tpu.memory_space<semaphore_mem>>, %arg17: memref<!tpu.dma_semaphore, #tpu.memory_space<semaphore_mem>>, %arg18: memref<!tpu.dma_semaphore, #tpu.memory_space<semaphore_mem>>, %arg19: memref<!tpu.dma_semaphore, #tpu.memory_space<semaphore_mem>>, %arg20: memref<!tpu.dma_semaphore, #tpu.memory_space<semaphore_mem>>) attributes {dimension_semantics = [#tpu.dimension_semantics<core_parallel>, #tpu.dimension_semantics<subcore_parallel>], iteration_bounds = array<i64: 2, 16>, scalar_prefetch = 0 : i64, scratch_operands = 15 : i64, tpu.core_type = #tpu.core_type<sc_vector_subcore>, window_params = [{transform_indices = #map}, {transform_indices = #map1}, {transform_indices = #map1}, {transform_indices = #map1}]} {
    %mul3A = arith.constant 2 : i32
    %mul3A_0 = arith.muli %arg1, %mul3A : i32
    %add3A = arith.addi %mul3A_0, %arg0 : i32
    %mul3A_1 = arith.constant 80 : i32
    %mul3A_2 = arith.muli %add3A, %mul3A_1 : i32
    %sub3A = arith.constant 2500 : i32
    %sub3A_3 = arith.subi %sub3A, %mul3A_2 : i32
    %jit3A = arith.constant 0 : i32
    %jit3A_4 = arith.constant 80 : i32
    %max3A = arith.maxsi %jit3A, %sub3A_3 : i32
    %min3A = arith.minsi %jit3A_4, %max3A : i32
    %mul3A_5 = arith.constant 384 : i32
    %mul3A_6 = arith.muli %add3A, %mul3A_5 : i32
    %lt3A = arith.constant 10000 : i32
    %lt3A_7 = arith.cmpi slt, %mul3A_6, %lt3A : i32
    %jit3A_8 = arith.constant 3 : i32
    %jit3A_9 = arith.constant 0 : i32
    %select_n3A = arith.select %lt3A_7, %jit3A_8, %jit3A_9 : i32
    %mul3A_10 = arith.constant 80 : i32
    %mul3A_11 = arith.muli %add3A, %mul3A_10 : i32
    %dma_start3A = arith.constant 0 : i32
    %dma_start3A_12 = arith.constant 0 : i32
    %dma_start3A_13 = tpu.memref_slice %arg2[%dma_start3A, %mul3A_11, %dma_start3A_12] : memref<2x2560x128xi32, #tpu.memory_space<hbm>> -> memref<1x80x128xi32, #tpu.memory_space<hbm>>
    %dma_start3A_14 = tpu.memref_squeeze %dma_start3A_13 : memref<1x80x128xi32, #tpu.memory_space<hbm>> -> memref<80x128xi32, #tpu.memory_space<hbm>>
    %dma_start3A_15 = arith.constant 0 : i32
    %dma_start3A_16 = tpu.memref_slice %arg2[%dma_start3A, %mul3A_11, %dma_start3A_15] : memref<2x2560x128xi32, #tpu.memory_space<hbm>> -> memref<1x80x128xi32, #tpu.memory_space<hbm>>
    %dma_start3A_17 = tpu.memref_squeeze %dma_start3A_16 : memref<1x80x128xi32, #tpu.memory_space<hbm>> -> memref<80x128xi32, #tpu.memory_space<hbm>>
    tpu.enqueue_dma source(%dma_start3A_17 : memref<80x128xi32, #tpu.memory_space<hbm>>) target(%arg6 : memref<80x128xi32, #tpu.memory_space<vmem>>) target_semaphore(%arg15 : memref<!tpu.dma_semaphore, #tpu.memory_space<semaphore_mem>>)
    %mul3A_18 = arith.constant 80 : i32
    %mul3A_19 = arith.muli %add3A, %mul3A_18 : i32
    %dma_start3A_20 = arith.constant 1 : i32
    %dma_start3A_21 = arith.constant 0 : i32
    %dma_start3A_22 = tpu.memref_slice %arg2[%dma_start3A_20, %mul3A_19, %dma_start3A_21] : memref<2x2560x128xi32, #tpu.memory_space<hbm>> -> memref<1x80x128xi32, #tpu.memory_space<hbm>>
    %dma_start3A_23 = tpu.memref_squeeze %dma_start3A_22 : memref<1x80x128xi32, #tpu.memory_space<hbm>> -> memref<80x128xi32, #tpu.memory_space<hbm>>
    %dma_start3A_24 = arith.constant 0 : i32
    %dma_start3A_25 = tpu.memref_slice %arg2[%dma_start3A_20, %mul3A_19, %dma_start3A_24] : memref<2x2560x128xi32, #tpu.memory_space<hbm>> -> memref<1x80x128xi32, #tpu.memory_space<hbm>>
    %dma_start3A_26 = tpu.memref_squeeze %dma_start3A_25 : memref<1x80x128xi32, #tpu.memory_space<hbm>> -> memref<80x128xi32, #tpu.memory_space<hbm>>
    tpu.enqueue_dma source(%dma_start3A_26 : memref<80x128xi32, #tpu.memory_space<hbm>>) target(%arg7 : memref<80x128xi32, #tpu.memory_space<vmem>>) target_semaphore(%arg15 : memref<!tpu.dma_semaphore, #tpu.memory_space<semaphore_mem>>)
    tpu.enqueue_dma source(%arg3 : memref<10240xf32, #tpu.memory_space<hbm>>) target(%arg8 : memref<10240xf32, #tpu.memory_space<vmem>>) target_semaphore(%arg15 : memref<!tpu.dma_semaphore, #tpu.memory_space<semaphore_mem>>)
    tpu.enqueue_dma source(%arg4 : memref<10240xi32, #tpu.memory_space<hbm>>) target(%arg9 : memref<10240xi32, #tpu.memory_space<vmem>>) target_semaphore(%arg15 : memref<!tpu.dma_semaphore, #tpu.memory_space<semaphore_mem>>)
    %scan3A = arith.constant 0 : i32
    %scan3A_27 = arith.constant 0 : i32
    %scan3A_28 = arith.constant 500 : i32
    %scan3A_29 = arith.addi %scan3A_27, %scan3A_28 : i32
    %scan3A_30 = arith.constant 1 : i32
    %scan3A_31 = scf.for %scan3A_242 = %scan3A_27 to %scan3A_29 step %scan3A_30 iter_args(%scan3A_243 = %scan3A) -> (i32)  : i32 {
      %broadcast_in_dim3A = arith.constant 0.000000e+00 : f32
      %broadcast_in_dim3A_244 = vector.broadcast %broadcast_in_dim3A : f32 to vector<16xf32>
      %mul3A_245 = arith.constant 16 : i32
      %mul3A_246 = arith.muli %scan3A_242, %mul3A_245 : i32
      %swap3A = arith.index_cast %mul3A_246 : i32 to index
      %swap3A_247 = tpu.vector_load %arg12[%swap3A] {strides = array<i32>} : memref<8000xf32, #tpu.memory_space<vmem>>, vector<16xf32>,
      tpu.vector_store %arg12[%swap3A], %broadcast_in_dim3A_244 {strides = array<i32>} : memref<8000xf32, #tpu.memory_space<vmem>>, vector<16xf32>,
      %scan3A_248 = arith.constant 0 : i32
      scf.yield %scan3A_248 : i32
    }
    %scan3A_32 = arith.constant 500 : i32
    %scan3A_33 = arith.constant 0 : i32
    %scan3A_34 = arith.constant 0 : i32
    %scan3A_35 = arith.constant 5 : i32
    %scan3A_36 = arith.addi %scan3A_34, %scan3A_35 : i32
    %scan3A_37 = arith.constant 1 : i32
    %scan3A_38 = scf.for %scan3A_242 = %scan3A_34 to %scan3A_36 step %scan3A_37 iter_args(%scan3A_243 = %scan3A_33) -> (i32)  : i32 {
      %mul3A_244 = arith.constant 40000 : i32
      %mul3A_245 = arith.muli %arg1, %mul3A_244 : i32
      %mul3A_246 = arith.constant 8000 : i32
      %mul3A_247 = arith.muli %scan3A_242, %mul3A_246 : i32
      %add3A_248 = arith.addi %mul3A_245, %mul3A_247 : i32
      %dma_start3A_249 = tpu.memref_slice %arg14[%add3A_248] : memref<640000xf32, #tpu.memory_space<vmem_shared>> -> memref<8000xf32, #tpu.memory_space<vmem_shared>>
      %dma_start3A_250 = tpu.memref_slice %arg14[%add3A_248] : memref<640000xf32, #tpu.memory_space<vmem_shared>> -> memref<8000xf32, #tpu.memory_space<vmem_shared>>
      tpu.enqueue_dma source(%arg12 : memref<8000xf32, #tpu.memory_space<vmem>>) target(%dma_start3A_250 : memref<8000xf32, #tpu.memory_space<vmem_shared>>) target_semaphore(%arg17 : memref<!tpu.dma_semaphore, #tpu.memory_space<semaphore_mem>>)
      %scan3A_251 = arith.constant 0 : i32
      scf.yield %scan3A_251 : i32
    }
    %scan3A_39 = arith.constant 5 : i32
    %scan3A_40 = arith.constant 0 : i32
    %scan3A_41 = arith.constant 0 : i32
    %scan3A_42 = arith.constant 5 : i32
    %scan3A_43 = arith.addi %scan3A_41, %scan3A_42 : i32
    %scan3A_44 = arith.constant 1 : i32
    %scan3A_45 = scf.for %scan3A_242 = %scan3A_41 to %scan3A_43 step %scan3A_44 iter_args(%scan3A_243 = %scan3A_40) -> (i32)  : i32 {
      %mul3A_244 = arith.constant 40000 : i32
      %mul3A_245 = arith.muli %arg1, %mul3A_244 : i32
      %dma_wait3A_246 = tpu.memref_slice %arg14[%mul3A_245] : memref<640000xf32, #tpu.memory_space<vmem_shared>> -> memref<8000xf32, #tpu.memory_space<vmem_shared>>
      %dma_wait3A_247 = tpu.memref_slice %arg14[%mul3A_245] : memref<640000xf32, #tpu.memory_space<vmem_shared>> -> memref<8000xf32, #tpu.memory_space<vmem_shared>>
      tpu.wait_dma2 semaphore(%arg17 : memref<!tpu.dma_semaphore, #tpu.memory_space<semaphore_mem>>) src(%arg12 : memref<8000xf32, #tpu.memory_space<vmem>>) dst(%dma_wait3A_247 : memref<8000xf32, #tpu.memory_space<vmem_shared>>)
      %scan3A_248 = arith.constant 0 : i32
      scf.yield %scan3A_248 : i32
    }
    %scan3A_46 = arith.constant 5 : i32
    %mul3A_47 = arith.constant 80 : i32
    %mul3A_48 = arith.muli %add3A, %mul3A_47 : i32
    %dma_wait3A = arith.constant 0 : i32
    %dma_wait3A_49 = arith.constant 0 : i32
    %dma_wait3A_50 = tpu.memref_slice %arg2[%dma_wait3A, %mul3A_48, %dma_wait3A_49] : memref<2x2560x128xi32, #tpu.memory_space<hbm>> -> memref<1x80x128xi32, #tpu.memory_space<hbm>>
    %dma_wait3A_51 = tpu.memref_squeeze %dma_wait3A_50 : memref<1x80x128xi32, #tpu.memory_space<hbm>> -> memref<80x128xi32, #tpu.memory_space<hbm>>
    %dma_wait3A_52 = arith.constant 0 : i32
    %dma_wait3A_53 = tpu.memref_slice %arg2[%dma_wait3A, %mul3A_48, %dma_wait3A_52] : memref<2x2560x128xi32, #tpu.memory_space<hbm>> -> memref<1x80x128xi32, #tpu.memory_space<hbm>>
    %dma_wait3A_54 = tpu.memref_squeeze %dma_wait3A_53 : memref<1x80x128xi32, #tpu.memory_space<hbm>> -> memref<80x128xi32, #tpu.memory_space<hbm>>
    tpu.wait_dma2 semaphore(%arg15 : memref<!tpu.dma_semaphore, #tpu.memory_space<semaphore_mem>>) src(%dma_wait3A_54 : memref<80x128xi32, #tpu.memory_space<hbm>>) dst(%arg6 : memref<80x128xi32, #tpu.memory_space<vmem>>)
    %mul3A_55 = arith.constant 80 : i32
    %mul3A_56 = arith.muli %add3A, %mul3A_55 : i32
    %dma_wait3A_57 = arith.constant 1 : i32
    %dma_wait3A_58 = arith.constant 0 : i32
    %dma_wait3A_59 = tpu.memref_slice %arg2[%dma_wait3A_57, %mul3A_56, %dma_wait3A_58] : memref<2x2560x128xi32, #tpu.memory_space<hbm>> -> memref<1x80x128xi32, #tpu.memory_space<hbm>>
    %dma_wait3A_60 = tpu.memref_squeeze %dma_wait3A_59 : memref<1x80x128xi32, #tpu.memory_space<hbm>> -> memref<80x128xi32, #tpu.memory_space<hbm>>
    %dma_wait3A_61 = arith.constant 0 : i32
    %dma_wait3A_62 = tpu.memref_slice %arg2[%dma_wait3A_57, %mul3A_56, %dma_wait3A_61] : memref<2x2560x128xi32, #tpu.memory_space<hbm>> -> memref<1x80x128xi32, #tpu.memory_space<hbm>>
    %dma_wait3A_63 = tpu.memref_squeeze %dma_wait3A_62 : memref<1x80x128xi32, #tpu.memory_space<hbm>> -> memref<80x128xi32, #tpu.memory_space<hbm>>
    tpu.wait_dma2 semaphore(%arg15 : memref<!tpu.dma_semaphore, #tpu.memory_space<semaphore_mem>>) src(%dma_wait3A_63 : memref<80x128xi32, #tpu.memory_space<hbm>>) dst(%arg7 : memref<80x128xi32, #tpu.memory_space<vmem>>)
    tpu.wait_dma2 semaphore(%arg15 : memref<!tpu.dma_semaphore, #tpu.memory_space<semaphore_mem>>) src(%arg3 : memref<10240xf32, #tpu.memory_space<hbm>>) dst(%arg8 : memref<10240xf32, #tpu.memory_space<vmem>>)
    tpu.wait_dma2 semaphore(%arg15 : memref<!tpu.dma_semaphore, #tpu.memory_space<semaphore_mem>>) src(%arg4 : memref<10240xi32, #tpu.memory_space<hbm>>) dst(%arg9 : memref<10240xi32, #tpu.memory_space<vmem>>)
    %barrier3A = arith.constant 0 : index
    tpu.barrier barrier_id(%barrier3A)
    %while3A = arith.constant 0 : i32
    %while3A_64 = arith.constant 0 : i32
    %while3A_65 = arith.subi %min3A, %while3A : i32
    %while3A_66 = arith.addi %while3A, %while3A_65 : i32
    %while3A_67 = arith.constant 1 : i32
    %while3A_68 = arith.divsi %while3A_65, %while3A_67 : i32
    %while3A_69 = arith.muli %while3A_68, %while3A_67 : i32
    %while3A_70 = arith.addi %while3A, %while3A_69 : i32
    %while3A_71 = arith.constant 1 : i32
    %while3A_72 = scf.for %while3A_242 = %while3A to %while3A_70 step %while3A_71 iter_args(%while3A_243 = %while3A_64) -> (i32)  : i32 {
      %get3A = arith.index_cast %while3A_242 : i32 to index
      %get3A_244 = arith.constant 0 : index
      %get3A_245 = tpu.vector_load %arg7[%get3A, %get3A_244] {strides = array<i32>} : memref<80x128xi32, #tpu.memory_space<vmem>>, vector<16xi32>,
      %get3A_246 = arith.index_cast %while3A_242 : i32 to index
      %get3A_247 = arith.constant 0 : index
      %get3A_248 = tpu.vector_load %arg6[%get3A_246, %get3A_247] {strides = array<i32>} : memref<80x128xi32, #tpu.memory_space<vmem>>, vector<16xi32>,
      %gather3A = tpu.vector_load_idx %arg9[%get3A_245] : memref<10240xi32, #tpu.memory_space<vmem>>[vector<16xi32>], vector<16xi32>,
      %gather3A_249 = tpu.vector_load_idx %arg8[%get3A_245] : memref<10240xf32, #tpu.memory_space<vmem>>[vector<16xi32>], vector<16xf32>,
      %swap3A = arith.index_cast %while3A_242 : i32 to index
      %swap3A_250 = arith.constant 0 : index
      %swap3A_251 = tpu.vector_load %arg11[%swap3A, %swap3A_250] {strides = array<i32>} : memref<83x128xf32, #tpu.memory_space<vmem>>, vector<16xf32>,
      tpu.vector_store %arg11[%swap3A, %swap3A_250], %gather3A_249 {strides = array<i32>} : memref<83x128xf32, #tpu.memory_space<vmem>>, vector<16xf32>,
      %mul3A_252 = arith.constant 10000 : i32
      %mul3A_253 = vector.broadcast %mul3A_252 : i32 to vector<16xi32>
      %mul3A_254 = arith.muli %gather3A, %mul3A_253 : vector<16xi32>
      %add3A_255 = arith.addi %mul3A_254, %get3A_248 : vector<16xi32>
      %swap3A_256 = arith.index_cast %while3A_242 : i32 to index
      %swap3A_257 = arith.constant 0 : index
      %swap3A_258 = tpu.vector_load %arg10[%swap3A_256, %swap3A_257] {strides = array<i32>} : memref<83x128xi32, #tpu.memory_space<vmem>>, vector<16xi32>,
      tpu.vector_store %arg10[%swap3A_256, %swap3A_257], %add3A_255 {strides = array<i32>} : memref<83x128xi32, #tpu.memory_space<vmem>>, vector<16xi32>,
      %get3A_259 = arith.index_cast %while3A_242 : i32 to index
      %get3A_260 = arith.constant 16 : index
      %get3A_261 = tpu.vector_load %arg7[%get3A_259, %get3A_260] {strides = array<i32>} : memref<80x128xi32, #tpu.memory_space<vmem>>, vector<16xi32>,
      %get3A_262 = arith.index_cast %while3A_242 : i32 to index
      %get3A_263 = arith.constant 16 : index
      %get3A_264 = tpu.vector_load %arg6[%get3A_262, %get3A_263] {strides = array<i32>} : memref<80x128xi32, #tpu.memory_space<vmem>>, vector<16xi32>,
      %gather3A_265 = tpu.vector_load_idx %arg9[%get3A_261] : memref<10240xi32, #tpu.memory_space<vmem>>[vector<16xi32>], vector<16xi32>,
      %gather3A_266 = tpu.vector_load_idx %arg8[%get3A_261] : memref<10240xf32, #tpu.memory_space<vmem>>[vector<16xi32>], vector<16xf32>,
      %swap3A_267 = arith.index_cast %while3A_242 : i32 to index
      %swap3A_268 = arith.constant 16 : index
      %swap3A_269 = tpu.vector_load %arg11[%swap3A_267, %swap3A_268] {strides = array<i32>} : memref<83x128xf32, #tpu.memory_space<vmem>>, vector<16xf32>,
      tpu.vector_store %arg11[%swap3A_267, %swap3A_268], %gather3A_266 {strides = array<i32>} : memref<83x128xf32, #tpu.memory_space<vmem>>, vector<16xf32>,
      %mul3A_270 = arith.constant 10000 : i32
      %mul3A_271 = vector.broadcast %mul3A_270 : i32 to vector<16xi32>
      %mul3A_272 = arith.muli %gather3A_265, %mul3A_271 : vector<16xi32>
      %add3A_273 = arith.addi %mul3A_272, %get3A_264 : vector<16xi32>
      %swap3A_274 = arith.index_cast %while3A_242 : i32 to index
      %swap3A_275 = arith.constant 16 : index
      %swap3A_276 = tpu.vector_load %arg10[%swap3A_274, %swap3A_275] {strides = array<i32>} : memref<83x128xi32, #tpu.memory_space<vmem>>, vector<16xi32>,
      tpu.vector_store %arg10[%swap3A_274, %swap3A_275], %add3A_273 {strides = array<i32>} : memref<83x128xi32, #tpu.memory_space<vmem>>, vector<16xi32>,
      %get3A_277 = arith.index_cast %while3A_242 : i32 to index
      %get3A_278 = arith.constant 32 : index
      %get3A_279 = tpu.vector_load %arg7[%get3A_277, %get3A_278] {strides = array<i32>} : memref<80x128xi32, #tpu.memory_space<vmem>>, vector<16xi32>,
      %get3A_280 = arith.index_cast %while3A_242 : i32 to index
      %get3A_281 = arith.constant 32 : index
      %get3A_282 = tpu.vector_load %arg6[%get3A_280, %get3A_281] {strides = array<i32>} : memref<80x128xi32, #tpu.memory_space<vmem>>, vector<16xi32>,
      %gather3A_283 = tpu.vector_load_idx %arg9[%get3A_279] : memref<10240xi32, #tpu.memory_space<vmem>>[vector<16xi32>], vector<16xi32>,
      %gather3A_284 = tpu.vector_load_idx %arg8[%get3A_279] : memref<10240xf32, #tpu.memory_space<vmem>>[vector<16xi32>], vector<16xf32>,
      %swap3A_285 = arith.index_cast %while3A_242 : i32 to index
      %swap3A_286 = arith.constant 32 : index
      %swap3A_287 = tpu.vector_load %arg11[%swap3A_285, %swap3A_286] {strides = array<i32>} : memref<83x128xf32, #tpu.memory_space<vmem>>, vector<16xf32>,
      tpu.vector_store %arg11[%swap3A_285, %swap3A_286], %gather3A_284 {strides = array<i32>} : memref<83x128xf32, #tpu.memory_space<vmem>>, vector<16xf32>,
      %mul3A_288 = arith.constant 10000 : i32
      %mul3A_289 = vector.broadcast %mul3A_288 : i32 to vector<16xi32>
      %mul3A_290 = arith.muli %gather3A_283, %mul3A_289 : vector<16xi32>
      %add3A_291 = arith.addi %mul3A_290, %get3A_282 : vector<16xi32>
      %swap3A_292 = arith.index_cast %while3A_242 : i32 to index
      %swap3A_293 = arith.constant 32 : index
      %swap3A_294 = tpu.vector_load %arg10[%swap3A_292, %swap3A_293] {strides = array<i32>} : memref<83x128xi32, #tpu.memory_space<vmem>>, vector<16xi32>,
      tpu.vector_store %arg10[%swap3A_292, %swap3A_293], %add3A_291 {strides = array<i32>} : memref<83x128xi32, #tpu.memory_space<vmem>>, vector<16xi32>,
      %get3A_295 = arith.index_cast %while3A_242 : i32 to index
      %get3A_296 = arith.constant 48 : index
      %get3A_297 = tpu.vector_load %arg7[%get3A_295, %get3A_296] {strides = array<i32>} : memref<80x128xi32, #tpu.memory_space<vmem>>, vector<16xi32>,
      %get3A_298 = arith.index_cast %while3A_242 : i32 to index
      %get3A_299 = arith.constant 48 : index
      %get3A_300 = tpu.vector_load %arg6[%get3A_298, %get3A_299] {strides = array<i32>} : memref<80x128xi32, #tpu.memory_space<vmem>>, vector<16xi32>,
      %gather3A_301 = tpu.vector_load_idx %arg9[%get3A_297] : memref<10240xi32, #tpu.memory_space<vmem>>[vector<16xi32>], vector<16xi32>,
      %gather3A_302 = tpu.vector_load_idx %arg8[%get3A_297] : memref<10240xf32, #tpu.memory_space<vmem>>[vector<16xi32>], vector<16xf32>,
      %swap3A_303 = arith.index_cast %while3A_242 : i32 to index
      %swap3A_304 = arith.constant 48 : index
      %swap3A_305 = tpu.vector_load %arg11[%swap3A_303, %swap3A_304] {strides = array<i32>} : memref<83x128xf32, #tpu.memory_space<vmem>>, vector<16xf32>,
      tpu.vector_store %arg11[%swap3A_303, %swap3A_304], %gather3A_302 {strides = array<i32>} : memref<83x128xf32, #tpu.memory_space<vmem>>, vector<16xf32>,
      %mul3A_306 = arith.constant 10000 : i32
      %mul3A_307 = vector.broadcast %mul3A_306 : i32 to vector<16xi32>
      %mul3A_308 = arith.muli %gather3A_301, %mul3A_307 : vector<16xi32>
      %add3A_309 = arith.addi %mul3A_308, %get3A_300 : vector<16xi32>
      %swap3A_310 = arith.index_cast %while3A_242 : i32 to index
      %swap3A_311 = arith.constant 48 : index
      %swap3A_312 = tpu.vector_load %arg10[%swap3A_310, %swap3A_311] {strides = array<i32>} : memref<83x128xi32, #tpu.memory_space<vmem>>, vector<16xi32>,
      tpu.vector_store %arg10[%swap3A_310, %swap3A_311], %add3A_309 {strides = array<i32>} : memref<83x128xi32, #tpu.memory_space<vmem>>, vector<16xi32>,
      %get3A_313 = arith.index_cast %while3A_242 : i32 to index
      %get3A_314 = arith.constant 64 : index
      %get3A_315 = tpu.vector_load %arg7[%get3A_313, %get3A_314] {strides = array<i32>} : memref<80x128xi32, #tpu.memory_space<vmem>>, vector<16xi32>,
      %get3A_316 = arith.index_cast %while3A_242 : i32 to index
      %get3A_317 = arith.constant 64 : index
      %get3A_318 = tpu.vector_load %arg6[%get3A_316, %get3A_317] {strides = array<i32>} : memref<80x128xi32, #tpu.memory_space<vmem>>, vector<16xi32>,
      %gather3A_319 = tpu.vector_load_idx %arg9[%get3A_315] : memref<10240xi32, #tpu.memory_space<vmem>>[vector<16xi32>], vector<16xi32>,
      %gather3A_320 = tpu.vector_load_idx %arg8[%get3A_315] : memref<10240xf32, #tpu.memory_space<vmem>>[vector<16xi32>], vector<16xf32>,
      %swap3A_321 = arith.index_cast %while3A_242 : i32 to index
      %swap3A_322 = arith.constant 64 : index
      %swap3A_323 = tpu.vector_load %arg11[%swap3A_321, %swap3A_322] {strides = array<i32>} : memref<83x128xf32, #tpu.memory_space<vmem>>, vector<16xf32>,
      tpu.vector_store %arg11[%swap3A_321, %swap3A_322], %gather3A_320 {strides = array<i32>} : memref<83x128xf32, #tpu.memory_space<vmem>>, vector<16xf32>,
      %mul3A_324 = arith.constant 10000 : i32
      %mul3A_325 = vector.broadcast %mul3A_324 : i32 to vector<16xi32>
      %mul3A_326 = arith.muli %gather3A_319, %mul3A_325 : vector<16xi32>
      %add3A_327 = arith.addi %mul3A_326, %get3A_318 : vector<16xi32>
      %swap3A_328 = arith.index_cast %while3A_242 : i32 to index
      %swap3A_329 = arith.constant 64 : index
      %swap3A_330 = tpu.vector_load %arg10[%swap3A_328, %swap3A_329] {strides = array<i32>} : memref<83x128xi32, #tpu.memory_space<vmem>>, vector<16xi32>,
      tpu.vector_store %arg10[%swap3A_328, %swap3A_329], %add3A_327 {strides = array<i32>} : memref<83x128xi32, #tpu.memory_space<vmem>>, vector<16xi32>,
      %get3A_331 = arith.index_cast %while3A_242 : i32 to index
      %get3A_332 = arith.constant 80 : index
      %get3A_333 = tpu.vector_load %arg7[%get3A_331, %get3A_332] {strides = array<i32>} : memref<80x128xi32, #tpu.memory_space<vmem>>, vector<16xi32>,
      %get3A_334 = arith.index_cast %while3A_242 : i32 to index
      %get3A_335 = arith.constant 80 : index
      %get3A_336 = tpu.vector_load %arg6[%get3A_334, %get3A_335] {strides = array<i32>} : memref<80x128xi32, #tpu.memory_space<vmem>>, vector<16xi32>,
      %gather3A_337 = tpu.vector_load_idx %arg9[%get3A_333] : memref<10240xi32, #tpu.memory_space<vmem>>[vector<16xi32>], vector<16xi32>,
      %gather3A_338 = tpu.vector_load_idx %arg8[%get3A_333] : memref<10240xf32, #tpu.memory_space<vmem>>[vector<16xi32>], vector<16xf32>,
      %swap3A_339 = arith.index_cast %while3A_242 : i32 to index
      %swap3A_340 = arith.constant 80 : index
      %swap3A_341 = tpu.vector_load %arg11[%swap3A_339, %swap3A_340] {strides = array<i32>} : memref<83x128xf32, #tpu.memory_space<vmem>>, vector<16xf32>,
      tpu.vector_store %arg11[%swap3A_339, %swap3A_340], %gather3A_338 {strides = array<i32>} : memref<83x128xf32, #tpu.memory_space<vmem>>, vector<16xf32>,
      %mul3A_342 = arith.constant 10000 : i32
      %mul3A_343 = vector.broadcast %mul3A_342 : i32 to vector<16xi32>
      %mul3A_344 = arith.muli %gather3A_337, %mul3A_343 : vector<16xi32>
      %add3A_345 = arith.addi %mul3A_344, %get3A_336 : vector<16xi32>
      %swap3A_346 = arith.index_cast %while3A_242 : i32 to index
      %swap3A_347 = arith.constant 80 : index
      %swap3A_348 = tpu.vector_load %arg10[%swap3A_346, %swap3A_347] {strides = array<i32>} : memref<83x128xi32, #tpu.memory_space<vmem>>, vector<16xi32>,
      tpu.vector_store %arg10[%swap3A_346, %swap3A_347], %add3A_345 {strides = array<i32>} : memref<83x128xi32, #tpu.memory_space<vmem>>, vector<16xi32>,
      %get3A_349 = arith.index_cast %while3A_242 : i32 to index
      %get3A_350 = arith.constant 96 : index
      %get3A_351 = tpu.vector_load %arg7[%get3A_349, %get3A_350] {strides = array<i32>} : memref<80x128xi32, #tpu.memory_space<vmem>>, vector<16xi32>,
      %get3A_352 = arith.index_cast %while3A_242 : i32 to index
      %get3A_353 = arith.constant 96 : index
      %get3A_354 = tpu.vector_load %arg6[%get3A_352, %get3A_353] {strides = array<i32>} : memref<80x128xi32, #tpu.memory_space<vmem>>, vector<16xi32>,
      %gather3A_355 = tpu.vector_load_idx %arg9[%get3A_351] : memref<10240xi32, #tpu.memory_space<vmem>>[vector<16xi32>], vector<16xi32>,
      %gather3A_356 = tpu.vector_load_idx %arg8[%get3A_351] : memref<10240xf32, #tpu.memory_space<vmem>>[vector<16xi32>], vector<16xf32>,
      %swap3A_357 = arith.index_cast %while3A_242 : i32 to index
      %swap3A_358 = arith.constant 96 : index
      %swap3A_359 = tpu.vector_load %arg11[%swap3A_357, %swap3A_358] {strides = array<i32>} : memref<83x128xf32, #tpu.memory_space<vmem>>, vector<16xf32>,
      tpu.vector_store %arg11[%swap3A_357, %swap3A_358], %gather3A_356 {strides = array<i32>} : memref<83x128xf32, #tpu.memory_space<vmem>>, vector<16xf32>,
      %mul3A_360 = arith.constant 10000 : i32
      %mul3A_361 = vector.broadcast %mul3A_360 : i32 to vector<16xi32>
      %mul3A_362 = arith.muli %gather3A_355, %mul3A_361 : vector<16xi32>
      %add3A_363 = arith.addi %mul3A_362, %get3A_354 : vector<16xi32>
      %swap3A_364 = arith.index_cast %while3A_242 : i32 to index
      %swap3A_365 = arith.constant 96 : index
      %swap3A_366 = tpu.vector_load %arg10[%swap3A_364, %swap3A_365] {strides = array<i32>} : memref<83x128xi32, #tpu.memory_space<vmem>>, vector<16xi32>,
      tpu.vector_store %arg10[%swap3A_364, %swap3A_365], %add3A_363 {strides = array<i32>} : memref<83x128xi32, #tpu.memory_space<vmem>>, vector<16xi32>,
      %get3A_367 = arith.index_cast %while3A_242 : i32 to index
      %get3A_368 = arith.constant 112 : index
      %get3A_369 = tpu.vector_load %arg7[%get3A_367, %get3A_368] {strides = array<i32>} : memref<80x128xi32, #tpu.memory_space<vmem>>, vector<16xi32>,
      %get3A_370 = arith.index_cast %while3A_242 : i32 to index
      %get3A_371 = arith.constant 112 : index
      %get3A_372 = tpu.vector_load %arg6[%get3A_370, %get3A_371] {strides = array<i32>} : memref<80x128xi32, #tpu.memory_space<vmem>>, vector<16xi32>,
      %gather3A_373 = tpu.vector_load_idx %arg9[%get3A_369] : memref<10240xi32, #tpu.memory_space<vmem>>[vector<16xi32>], vector<16xi32>,
      %gather3A_374 = tpu.vector_load_idx %arg8[%get3A_369] : memref<10240xf32, #tpu.memory_space<vmem>>[vector<16xi32>], vector<16xf32>,
      %swap3A_375 = arith.index_cast %while3A_242 : i32 to index
      %swap3A_376 = arith.constant 112 : index
      %swap3A_377 = tpu.vector_load %arg11[%swap3A_375, %swap3A_376] {strides = array<i32>} : memref<83x128xf32, #tpu.memory_space<vmem>>, vector<16xf32>,
      tpu.vector_store %arg11[%swap3A_375, %swap3A_376], %gather3A_374 {strides = array<i32>} : memref<83x128xf32, #tpu.memory_space<vmem>>, vector<16xf32>,
      %mul3A_378 = arith.constant 10000 : i32
      %mul3A_379 = vector.broadcast %mul3A_378 : i32 to vector<16xi32>
      %mul3A_380 = arith.muli %gather3A_373, %mul3A_379 : vector<16xi32>
      %add3A_381 = arith.addi %mul3A_380, %get3A_372 : vector<16xi32>
      %swap3A_382 = arith.index_cast %while3A_242 : i32 to index
      %swap3A_383 = arith.constant 112 : index
      %swap3A_384 = tpu.vector_load %arg10[%swap3A_382, %swap3A_383] {strides = array<i32>} : memref<83x128xi32, #tpu.memory_space<vmem>>, vector<16xi32>,
      tpu.vector_store %arg10[%swap3A_382, %swap3A_383], %add3A_381 {strides = array<i32>} : memref<83x128xi32, #tpu.memory_space<vmem>>, vector<16xi32>,
      %dma_start3A_385 = arith.constant 0 : i32
      %dma_start3A_386 = tpu.memref_slice %arg11[%while3A_242, %dma_start3A_385] : memref<83x128xf32, #tpu.memory_space<vmem>> -> memref<1x128xf32, #tpu.memory_space<vmem>>
      %dma_start3A_387 = tpu.memref_squeeze %dma_start3A_386 : memref<1x128xf32, #tpu.memory_space<vmem>> -> memref<128xf32, #tpu.memory_space<vmem>>
      %dma_start3A_388 = arith.constant 0 : i32
      %dma_start3A_389 = tpu.memref_slice %arg10[%while3A_242, %dma_start3A_388] : memref<83x128xi32, #tpu.memory_space<vmem>> -> memref<1x128xi32, #tpu.memory_space<vmem>>
      %dma_start3A_390 = tpu.memref_squeeze %dma_start3A_389 : memref<1x128xi32, #tpu.memory_space<vmem>> -> memref<128xi32, #tpu.memory_space<vmem>>
      %dma_start3A_391 = arith.constant 0 : i32
      %dma_start3A_392 = tpu.memref_slice %arg14[%dma_start3A_391] : memref<640000xf32, #tpu.memory_space<vmem_shared>> -> memref<640000xf32, #tpu.memory_space<vmem_shared>>
      tpu.enqueue_indirect_dma source(%dma_start3A_387 : memref<128xf32, #tpu.memory_space<vmem>>) target(%dma_start3A_392 : memref<640000xf32, #tpu.memory_space<vmem_shared>>) offsets(%dma_start3A_390 : memref<128xi32, #tpu.memory_space<vmem>>) semaphore(%arg16 : memref<!tpu.dma_semaphore, #tpu.memory_space<semaphore_mem>>) {add = true}
      %while3A_393 = arith.constant 0 : i32
      scf.yield %while3A_393 : i32
    }
    %while3A_73 = arith.constant 1 : i32
    %while3A_74 = scf.for %while3A_242 = %while3A_70 to %while3A_66 step %while3A_73 iter_args(%while3A_243 = %while3A_72) -> (i32)  : i32 {
      %get3A = arith.index_cast %while3A_242 : i32 to index
      %get3A_244 = arith.constant 0 : index
      %get3A_245 = tpu.vector_load %arg7[%get3A, %get3A_244] {strides = array<i32>} : memref<80x128xi32, #tpu.memory_space<vmem>>, vector<16xi32>,
      %get3A_246 = arith.index_cast %while3A_242 : i32 to index
      %get3A_247 = arith.constant 0 : index
      %get3A_248 = tpu.vector_load %arg6[%get3A_246, %get3A_247] {strides = array<i32>} : memref<80x128xi32, #tpu.memory_space<vmem>>, vector<16xi32>,
      %gather3A = tpu.vector_load_idx %arg9[%get3A_245] : memref<10240xi32, #tpu.memory_space<vmem>>[vector<16xi32>], vector<16xi32>,
      %gather3A_249 = tpu.vector_load_idx %arg8[%get3A_245] : memref<10240xf32, #tpu.memory_space<vmem>>[vector<16xi32>], vector<16xf32>,
      %swap3A = arith.index_cast %while3A_242 : i32 to index
      %swap3A_250 = arith.constant 0 : index
      %swap3A_251 = tpu.vector_load %arg11[%swap3A, %swap3A_250] {strides = array<i32>} : memref<83x128xf32, #tpu.memory_space<vmem>>, vector<16xf32>,
      tpu.vector_store %arg11[%swap3A, %swap3A_250], %gather3A_249 {strides = array<i32>} : memref<83x128xf32, #tpu.memory_space<vmem>>, vector<16xf32>,
      %mul3A_252 = arith.constant 10000 : i32
      %mul3A_253 = vector.broadcast %mul3A_252 : i32 to vector<16xi32>
      %mul3A_254 = arith.muli %gather3A, %mul3A_253 : vector<16xi32>
      %add3A_255 = arith.addi %mul3A_254, %get3A_248 : vector<16xi32>
      %swap3A_256 = arith.index_cast %while3A_242 : i32 to index
      %swap3A_257 = arith.constant 0 : index
      %swap3A_258 = tpu.vector_load %arg10[%swap3A_256, %swap3A_257] {strides = array<i32>} : memref<83x128xi32, #tpu.memory_space<vmem>>, vector<16xi32>,
      tpu.vector_store %arg10[%swap3A_256, %swap3A_257], %add3A_255 {strides = array<i32>} : memref<83x128xi32, #tpu.memory_space<vmem>>, vector<16xi32>,
      %get3A_259 = arith.index_cast %while3A_242 : i32 to index
      %get3A_260 = arith.constant 16 : index
      %get3A_261 = tpu.vector_load %arg7[%get3A_259, %get3A_260] {strides = array<i32>} : memref<80x128xi32, #tpu.memory_space<vmem>>, vector<16xi32>,
      %get3A_262 = arith.index_cast %while3A_242 : i32 to index
      %get3A_263 = arith.constant 16 : index
      %get3A_264 = tpu.vector_load %arg6[%get3A_262, %get3A_263] {strides = array<i32>} : memref<80x128xi32, #tpu.memory_space<vmem>>, vector<16xi32>,
      %gather3A_265 = tpu.vector_load_idx %arg9[%get3A_261] : memref<10240xi32, #tpu.memory_space<vmem>>[vector<16xi32>], vector<16xi32>,
      %gather3A_266 = tpu.vector_load_idx %arg8[%get3A_261] : memref<10240xf32, #tpu.memory_space<vmem>>[vector<16xi32>], vector<16xf32>,
      %swap3A_267 = arith.index_cast %while3A_242 : i32 to index
      %swap3A_268 = arith.constant 16 : index
      %swap3A_269 = tpu.vector_load %arg11[%swap3A_267, %swap3A_268] {strides = array<i32>} : memref<83x128xf32, #tpu.memory_space<vmem>>, vector<16xf32>,
      tpu.vector_store %arg11[%swap3A_267, %swap3A_268], %gather3A_266 {strides = array<i32>} : memref<83x128xf32, #tpu.memory_space<vmem>>, vector<16xf32>,
      %mul3A_270 = arith.constant 10000 : i32
      %mul3A_271 = vector.broadcast %mul3A_270 : i32 to vector<16xi32>
      %mul3A_272 = arith.muli %gather3A_265, %mul3A_271 : vector<16xi32>
      %add3A_273 = arith.addi %mul3A_272, %get3A_264 : vector<16xi32>
      %swap3A_274 = arith.index_cast %while3A_242 : i32 to index
      %swap3A_275 = arith.constant 16 : index
      %swap3A_276 = tpu.vector_load %arg10[%swap3A_274, %swap3A_275] {strides = array<i32>} : memref<83x128xi32, #tpu.memory_space<vmem>>, vector<16xi32>,
      tpu.vector_store %arg10[%swap3A_274, %swap3A_275], %add3A_273 {strides = array<i32>} : memref<83x128xi32, #tpu.memory_space<vmem>>, vector<16xi32>,
      %get3A_277 = arith.index_cast %while3A_242 : i32 to index
      %get3A_278 = arith.constant 32 : index
      %get3A_279 = tpu.vector_load %arg7[%get3A_277, %get3A_278] {strides = array<i32>} : memref<80x128xi32, #tpu.memory_space<vmem>>, vector<16xi32>,
      %get3A_280 = arith.index_cast %while3A_242 : i32 to index
      %get3A_281 = arith.constant 32 : index
      %get3A_282 = tpu.vector_load %arg6[%get3A_280, %get3A_281] {strides = array<i32>} : memref<80x128xi32, #tpu.memory_space<vmem>>, vector<16xi32>,
      %gather3A_283 = tpu.vector_load_idx %arg9[%get3A_279] : memref<10240xi32, #tpu.memory_space<vmem>>[vector<16xi32>], vector<16xi32>,
      %gather3A_284 = tpu.vector_load_idx %arg8[%get3A_279] : memref<10240xf32, #tpu.memory_space<vmem>>[vector<16xi32>], vector<16xf32>,
      %swap3A_285 = arith.index_cast %while3A_242 : i32 to index
      %swap3A_286 = arith.constant 32 : index
      %swap3A_287 = tpu.vector_load %arg11[%swap3A_285, %swap3A_286] {strides = array<i32>} : memref<83x128xf32, #tpu.memory_space<vmem>>, vector<16xf32>,
      tpu.vector_store %arg11[%swap3A_285, %swap3A_286], %gather3A_284 {strides = array<i32>} : memref<83x128xf32, #tpu.memory_space<vmem>>, vector<16xf32>,
      %mul3A_288 = arith.constant 10000 : i32
      %mul3A_289 = vector.broadcast %mul3A_288 : i32 to vector<16xi32>
      %mul3A_290 = arith.muli %gather3A_283, %mul3A_289 : vector<16xi32>
      %add3A_291 = arith.addi %mul3A_290, %get3A_282 : vector<16xi32>
      %swap3A_292 = arith.index_cast %while3A_242 : i32 to index
      %swap3A_293 = arith.constant 32 : index
      %swap3A_294 = tpu.vector_load %arg10[%swap3A_292, %swap3A_293] {strides = array<i32>} : memref<83x128xi32, #tpu.memory_space<vmem>>, vector<16xi32>,
      tpu.vector_store %arg10[%swap3A_292, %swap3A_293], %add3A_291 {strides = array<i32>} : memref<83x128xi32, #tpu.memory_space<vmem>>, vector<16xi32>,
      %get3A_295 = arith.index_cast %while3A_242 : i32 to index
      %get3A_296 = arith.constant 48 : index
      %get3A_297 = tpu.vector_load %arg7[%get3A_295, %get3A_296] {strides = array<i32>} : memref<80x128xi32, #tpu.memory_space<vmem>>, vector<16xi32>,
      %get3A_298 = arith.index_cast %while3A_242 : i32 to index
      %get3A_299 = arith.constant 48 : index
      %get3A_300 = tpu.vector_load %arg6[%get3A_298, %get3A_299] {strides = array<i32>} : memref<80x128xi32, #tpu.memory_space<vmem>>, vector<16xi32>,
      %gather3A_301 = tpu.vector_load_idx %arg9[%get3A_297] : memref<10240xi32, #tpu.memory_space<vmem>>[vector<16xi32>], vector<16xi32>,
      %gather3A_302 = tpu.vector_load_idx %arg8[%get3A_297] : memref<10240xf32, #tpu.memory_space<vmem>>[vector<16xi32>], vector<16xf32>,
      %swap3A_303 = arith.index_cast %while3A_242 : i32 to index
      %swap3A_304 = arith.constant 48 : index
      %swap3A_305 = tpu.vector_load %arg11[%swap3A_303, %swap3A_304] {strides = array<i32>} : memref<83x128xf32, #tpu.memory_space<vmem>>, vector<16xf32>,
      tpu.vector_store %arg11[%swap3A_303, %swap3A_304], %gather3A_302 {strides = array<i32>} : memref<83x128xf32, #tpu.memory_space<vmem>>, vector<16xf32>,
      %mul3A_306 = arith.constant 10000 : i32
      %mul3A_307 = vector.broadcast %mul3A_306 : i32 to vector<16xi32>
      %mul3A_308 = arith.muli %gather3A_301, %mul3A_307 : vector<16xi32>
      %add3A_309 = arith.addi %mul3A_308, %get3A_300 : vector<16xi32>
      %swap3A_310 = arith.index_cast %while3A_242 : i32 to index
      %swap3A_311 = arith.constant 48 : index
      %swap3A_312 = tpu.vector_load %arg10[%swap3A_310, %swap3A_311] {strides = array<i32>} : memref<83x128xi32, #tpu.memory_space<vmem>>, vector<16xi32>,
      tpu.vector_store %arg10[%swap3A_310, %swap3A_311], %add3A_309 {strides = array<i32>} : memref<83x128xi32, #tpu.memory_space<vmem>>, vector<16xi32>,
      %get3A_313 = arith.index_cast %while3A_242 : i32 to index
      %get3A_314 = arith.constant 64 : index
      %get3A_315 = tpu.vector_load %arg7[%get3A_313, %get3A_314] {strides = array<i32>} : memref<80x128xi32, #tpu.memory_space<vmem>>, vector<16xi32>,
      %get3A_316 = arith.index_cast %while3A_242 : i32 to index
      %get3A_317 = arith.constant 64 : index
      %get3A_318 = tpu.vector_load %arg6[%get3A_316, %get3A_317] {strides = array<i32>} : memref<80x128xi32, #tpu.memory_space<vmem>>, vector<16xi32>,
      %gather3A_319 = tpu.vector_load_idx %arg9[%get3A_315] : memref<10240xi32, #tpu.memory_space<vmem>>[vector<16xi32>], vector<16xi32>,
      %gather3A_320 = tpu.vector_load_idx %arg8[%get3A_315] : memref<10240xf32, #tpu.memory_space<vmem>>[vector<16xi32>], vector<16xf32>,
      %swap3A_321 = arith.index_cast %while3A_242 : i32 to index
      %swap3A_322 = arith.constant 64 : index
      %swap3A_323 = tpu.vector_load %arg11[%swap3A_321, %swap3A_322] {strides = array<i32>} : memref<83x128xf32, #tpu.memory_space<vmem>>, vector<16xf32>,
      tpu.vector_store %arg11[%swap3A_321, %swap3A_322], %gather3A_320 {strides = array<i32>} : memref<83x128xf32, #tpu.memory_space<vmem>>, vector<16xf32>,
      %mul3A_324 = arith.constant 10000 : i32
      %mul3A_325 = vector.broadcast %mul3A_324 : i32 to vector<16xi32>
      %mul3A_326 = arith.muli %gather3A_319, %mul3A_325 : vector<16xi32>
      %add3A_327 = arith.addi %mul3A_326, %get3A_318 : vector<16xi32>
      %swap3A_328 = arith.index_cast %while3A_242 : i32 to index
      %swap3A_329 = arith.constant 64 : index
      %swap3A_330 = tpu.vector_load %arg10[%swap3A_328, %swap3A_329] {strides = array<i32>} : memref<83x128xi32, #tpu.memory_space<vmem>>, vector<16xi32>,
      tpu.vector_store %arg10[%swap3A_328, %swap3A_329], %add3A_327 {strides = array<i32>} : memref<83x128xi32, #tpu.memory_space<vmem>>, vector<16xi32>,
      %get3A_331 = arith.index_cast %while3A_242 : i32 to index
      %get3A_332 = arith.constant 80 : index
      %get3A_333 = tpu.vector_load %arg7[%get3A_331, %get3A_332] {strides = array<i32>} : memref<80x128xi32, #tpu.memory_space<vmem>>, vector<16xi32>,
      %get3A_334 = arith.index_cast %while3A_242 : i32 to index
      %get3A_335 = arith.constant 80 : index
      %get3A_336 = tpu.vector_load %arg6[%get3A_334, %get3A_335] {strides = array<i32>} : memref<80x128xi32, #tpu.memory_space<vmem>>, vector<16xi32>,
      %gather3A_337 = tpu.vector_load_idx %arg9[%get3A_333] : memref<10240xi32, #tpu.memory_space<vmem>>[vector<16xi32>], vector<16xi32>,
      %gather3A_338 = tpu.vector_load_idx %arg8[%get3A_333] : memref<10240xf32, #tpu.memory_space<vmem>>[vector<16xi32>], vector<16xf32>,
      %swap3A_339 = arith.index_cast %while3A_242 : i32 to index
      %swap3A_340 = arith.constant 80 : index
      %swap3A_341 = tpu.vector_load %arg11[%swap3A_339, %swap3A_340] {strides = array<i32>} : memref<83x128xf32, #tpu.memory_space<vmem>>, vector<16xf32>,
      tpu.vector_store %arg11[%swap3A_339, %swap3A_340], %gather3A_338 {strides = array<i32>} : memref<83x128xf32, #tpu.memory_space<vmem>>, vector<16xf32>,
      %mul3A_342 = arith.constant 10000 : i32
      %mul3A_343 = vector.broadcast %mul3A_342 : i32 to vector<16xi32>
      %mul3A_344 = arith.muli %gather3A_337, %mul3A_343 : vector<16xi32>
      %add3A_345 = arith.addi %mul3A_344, %get3A_336 : vector<16xi32>
      %swap3A_346 = arith.index_cast %while3A_242 : i32 to index
      %swap3A_347 = arith.constant 80 : index
      %swap3A_348 = tpu.vector_load %arg10[%swap3A_346, %swap3A_347] {strides = array<i32>} : memref<83x128xi32, #tpu.memory_space<vmem>>, vector<16xi32>,
      tpu.vector_store %arg10[%swap3A_346, %swap3A_347], %add3A_345 {strides = array<i32>} : memref<83x128xi32, #tpu.memory_space<vmem>>, vector<16xi32>,
      %get3A_349 = arith.index_cast %while3A_242 : i32 to index
      %get3A_350 = arith.constant 96 : index
      %get3A_351 = tpu.vector_load %arg7[%get3A_349, %get3A_350] {strides = array<i32>} : memref<80x128xi32, #tpu.memory_space<vmem>>, vector<16xi32>,
      %get3A_352 = arith.index_cast %while3A_242 : i32 to index
      %get3A_353 = arith.constant 96 : index
      %get3A_354 = tpu.vector_load %arg6[%get3A_352, %get3A_353] {strides = array<i32>} : memref<80x128xi32, #tpu.memory_space<vmem>>, vector<16xi32>,
      %gather3A_355 = tpu.vector_load_idx %arg9[%get3A_351] : memref<10240xi32, #tpu.memory_space<vmem>>[vector<16xi32>], vector<16xi32>,
      %gather3A_356 = tpu.vector_load_idx %arg8[%get3A_351] : memref<10240xf32, #tpu.memory_space<vmem>>[vector<16xi32>], vector<16xf32>,
      %swap3A_357 = arith.index_cast %while3A_242 : i32 to index
      %swap3A_358 = arith.constant 96 : index
      %swap3A_359 = tpu.vector_load %arg11[%swap3A_357, %swap3A_358] {strides = array<i32>} : memref<83x128xf32, #tpu.memory_space<vmem>>, vector<16xf32>,
      tpu.vector_store %arg11[%swap3A_357, %swap3A_358], %gather3A_356 {strides = array<i32>} : memref<83x128xf32, #tpu.memory_space<vmem>>, vector<16xf32>,
      %mul3A_360 = arith.constant 10000 : i32
      %mul3A_361 = vector.broadcast %mul3A_360 : i32 to vector<16xi32>
      %mul3A_362 = arith.muli %gather3A_355, %mul3A_361 : vector<16xi32>
      %add3A_363 = arith.addi %mul3A_362, %get3A_354 : vector<16xi32>
      %swap3A_364 = arith.index_cast %while3A_242 : i32 to index
      %swap3A_365 = arith.constant 96 : index
      %swap3A_366 = tpu.vector_load %arg10[%swap3A_364, %swap3A_365] {strides = array<i32>} : memref<83x128xi32, #tpu.memory_space<vmem>>, vector<16xi32>,
      tpu.vector_store %arg10[%swap3A_364, %swap3A_365], %add3A_363 {strides = array<i32>} : memref<83x128xi32, #tpu.memory_space<vmem>>, vector<16xi32>,
      %get3A_367 = arith.index_cast %while3A_242 : i32 to index
      %get3A_368 = arith.constant 112 : index
      %get3A_369 = tpu.vector_load %arg7[%get3A_367, %get3A_368] {strides = array<i32>} : memref<80x128xi32, #tpu.memory_space<vmem>>, vector<16xi32>,
      %get3A_370 = arith.index_cast %while3A_242 : i32 to index
      %get3A_371 = arith.constant 112 : index
      %get3A_372 = tpu.vector_load %arg6[%get3A_370, %get3A_371] {strides = array<i32>} : memref<80x128xi32, #tpu.memory_space<vmem>>, vector<16xi32>,
      %gather3A_373 = tpu.vector_load_idx %arg9[%get3A_369] : memref<10240xi32, #tpu.memory_space<vmem>>[vector<16xi32>], vector<16xi32>,
      %gather3A_374 = tpu.vector_load_idx %arg8[%get3A_369] : memref<10240xf32, #tpu.memory_space<vmem>>[vector<16xi32>], vector<16xf32>,
      %swap3A_375 = arith.index_cast %while3A_242 : i32 to index
      %swap3A_376 = arith.constant 112 : index
      %swap3A_377 = tpu.vector_load %arg11[%swap3A_375, %swap3A_376] {strides = array<i32>} : memref<83x128xf32, #tpu.memory_space<vmem>>, vector<16xf32>,
      tpu.vector_store %arg11[%swap3A_375, %swap3A_376], %gather3A_374 {strides = array<i32>} : memref<83x128xf32, #tpu.memory_space<vmem>>, vector<16xf32>,
      %mul3A_378 = arith.constant 10000 : i32
      %mul3A_379 = vector.broadcast %mul3A_378 : i32 to vector<16xi32>
      %mul3A_380 = arith.muli %gather3A_373, %mul3A_379 : vector<16xi32>
      %add3A_381 = arith.addi %mul3A_380, %get3A_372 : vector<16xi32>
      %swap3A_382 = arith.index_cast %while3A_242 : i32 to index
      %swap3A_383 = arith.constant 112 : index
      %swap3A_384 = tpu.vector_load %arg10[%swap3A_382, %swap3A_383] {strides = array<i32>} : memref<83x128xi32, #tpu.memory_space<vmem>>, vector<16xi32>,
      tpu.vector_store %arg10[%swap3A_382, %swap3A_383], %add3A_381 {strides = array<i32>} : memref<83x128xi32, #tpu.memory_space<vmem>>, vector<16xi32>,
      %dma_start3A_385 = arith.constant 0 : i32
      %dma_start3A_386 = tpu.memref_slice %arg11[%while3A_242, %dma_start3A_385] : memref<83x128xf32, #tpu.memory_space<vmem>> -> memref<1x128xf32, #tpu.memory_space<vmem>>
      %dma_start3A_387 = tpu.memref_squeeze %dma_start3A_386 : memref<1x128xf32, #tpu.memory_space<vmem>> -> memref<128xf32, #tpu.memory_space<vmem>>
      %dma_start3A_388 = arith.constant 0 : i32
      %dma_start3A_389 = tpu.memref_slice %arg10[%while3A_242, %dma_start3A_388] : memref<83x128xi32, #tpu.memory_space<vmem>> -> memref<1x128xi32, #tpu.memory_space<vmem>>
      %dma_start3A_390 = tpu.memref_squeeze %dma_start3A_389 : memref<1x128xi32, #tpu.memory_space<vmem>> -> memref<128xi32, #tpu.memory_space<vmem>>
      %dma_start3A_391 = arith.constant 0 : i32
      %dma_start3A_392 = tpu.memref_slice %arg14[%dma_start3A_391] : memref<640000xf32, #tpu.memory_space<vmem_shared>> -> memref<640000xf32, #tpu.memory_space<vmem_shared>>
      tpu.enqueue_indirect_dma source(%dma_start3A_387 : memref<128xf32, #tpu.memory_space<vmem>>) target(%dma_start3A_392 : memref<640000xf32, #tpu.memory_space<vmem_shared>>) offsets(%dma_start3A_390 : memref<128xi32, #tpu.memory_space<vmem>>) semaphore(%arg16 : memref<!tpu.dma_semaphore, #tpu.memory_space<semaphore_mem>>) {add = true}
      %while3A_393 = arith.constant 0 : i32
      scf.yield %while3A_393 : i32
    }
    %lt3A_75 = arith.constant 10000 : i32
    %lt3A_76 = arith.cmpi slt, %mul3A_6, %lt3A_75 : i32
    %convert_element_type3A = arith.extui %lt3A_76 : i1 to i32
    %cond3A = arith.constant 0 : i32
    %cond3A_77 = arith.cmpi ne, %convert_element_type3A, %cond3A : i32
    scf.if %cond3A_77 {
      %add3A_242 = arith.constant 0 : i32
      %add3A_243 = arith.addi %mul3A_6, %add3A_242 : i32
      %add3A_244 = arith.constant 0 : i32
      %add3A_245 = arith.addi %add3A_243, %add3A_244 : i32
      %iota3A = tpu.iota {dimensions = array<i32: 0>} : vector<16xi32>
      %add3A_246 = vector.broadcast %add3A_245 : i32 to vector<16xi32>
      %add3A_247 = arith.addi %add3A_246, %iota3A : vector<16xi32>
      %ge3A = arith.constant 10240 : i32
      %ge3A_248 = vector.broadcast %ge3A : i32 to vector<16xi32>
      %ge3A_249 = arith.cmpi sge, %add3A_247, %ge3A_248 : vector<16xi32>
      %sub3A_250 = arith.constant 128 : i32
      %sub3A_251 = vector.broadcast %sub3A_250 : i32 to vector<16xi32>
      %sub3A_252 = arith.subi %add3A_247, %sub3A_251 : vector<16xi32>
      %select_n3A_253 = arith.select %ge3A_249, %sub3A_252, %add3A_247 : vector<16xi1>, vector<16xi32>
      %gather3A = tpu.vector_load_idx %arg9[%select_n3A_253] : memref<10240xi32, #tpu.memory_space<vmem>>[vector<16xi32>], vector<16xi32>,
      %gather3A_254 = tpu.vector_load_idx %arg8[%select_n3A_253] : memref<10240xf32, #tpu.memory_space<vmem>>[vector<16xi32>], vector<16xf32>,
      %swap3A = arith.constant 80 : i32
      %swap3A_255 = arith.index_cast %swap3A : i32 to index
      %swap3A_256 = arith.constant 0 : index
      %swap3A_257 = tpu.vector_load %arg11[%swap3A_255, %swap3A_256] {strides = array<i32>} : memref<83x128xf32, #tpu.memory_space<vmem>>, vector<16xf32>,
      tpu.vector_store %arg11[%swap3A_255, %swap3A_256], %gather3A_254 {strides = array<i32>} : memref<83x128xf32, #tpu.memory_space<vmem>>, vector<16xf32>,
      %mul3A_258 = arith.constant 10000 : i32
      %mul3A_259 = vector.broadcast %mul3A_258 : i32 to vector<16xi32>
      %mul3A_260 = arith.muli %gather3A, %mul3A_259 : vector<16xi32>
      %add3A_261 = arith.addi %mul3A_260, %select_n3A_253 : vector<16xi32>
      %swap3A_262 = arith.constant 80 : i32
      %swap3A_263 = arith.index_cast %swap3A_262 : i32 to index
      %swap3A_264 = arith.constant 0 : index
      %swap3A_265 = tpu.vector_load %arg10[%swap3A_263, %swap3A_264] {strides = array<i32>} : memref<83x128xi32, #tpu.memory_space<vmem>>, vector<16xi32>,
      tpu.vector_store %arg10[%swap3A_263, %swap3A_264], %add3A_261 {strides = array<i32>} : memref<83x128xi32, #tpu.memory_space<vmem>>, vector<16xi32>,
      %add3A_266 = arith.constant 0 : i32
      %add3A_267 = arith.addi %mul3A_6, %add3A_266 : i32
      %add3A_268 = arith.constant 16 : i32
      %add3A_269 = arith.addi %add3A_267, %add3A_268 : i32
      %iota3A_270 = tpu.iota {dimensions = array<i32: 0>} : vector<16xi32>
      %add3A_271 = vector.broadcast %add3A_269 : i32 to vector<16xi32>
      %add3A_272 = arith.addi %add3A_271, %iota3A_270 : vector<16xi32>
      %ge3A_273 = arith.constant 10240 : i32
      %ge3A_274 = vector.broadcast %ge3A_273 : i32 to vector<16xi32>
      %ge3A_275 = arith.cmpi sge, %add3A_272, %ge3A_274 : vector<16xi32>
      %sub3A_276 = arith.constant 128 : i32
      %sub3A_277 = vector.broadcast %sub3A_276 : i32 to vector<16xi32>
      %sub3A_278 = arith.subi %add3A_272, %sub3A_277 : vector<16xi32>
      %select_n3A_279 = arith.select %ge3A_275, %sub3A_278, %add3A_272 : vector<16xi1>, vector<16xi32>
      %gather3A_280 = tpu.vector_load_idx %arg9[%select_n3A_279] : memref<10240xi32, #tpu.memory_space<vmem>>[vector<16xi32>], vector<16xi32>,
      %gather3A_281 = tpu.vector_load_idx %arg8[%select_n3A_279] : memref<10240xf32, #tpu.memory_space<vmem>>[vector<16xi32>], vector<16xf32>,
      %swap3A_282 = arith.constant 80 : i32
      %swap3A_283 = arith.index_cast %swap3A_282 : i32 to index
      %swap3A_284 = arith.constant 16 : index
      %swap3A_285 = tpu.vector_load %arg11[%swap3A_283, %swap3A_284] {strides = array<i32>} : memref<83x128xf32, #tpu.memory_space<vmem>>, vector<16xf32>,
      tpu.vector_store %arg11[%swap3A_283, %swap3A_284], %gather3A_281 {strides = array<i32>} : memref<83x128xf32, #tpu.memory_space<vmem>>, vector<16xf32>,
      %mul3A_286 = arith.constant 10000 : i32
      %mul3A_287 = vector.broadcast %mul3A_286 : i32 to vector<16xi32>
      %mul3A_288 = arith.muli %gather3A_280, %mul3A_287 : vector<16xi32>
      %add3A_289 = arith.addi %mul3A_288, %select_n3A_279 : vector<16xi32>
      %swap3A_290 = arith.constant 80 : i32
      %swap3A_291 = arith.index_cast %swap3A_290 : i32 to index
      %swap3A_292 = arith.constant 16 : index
      %swap3A_293 = tpu.vector_load %arg10[%swap3A_291, %swap3A_292] {strides = array<i32>} : memref<83x128xi32, #tpu.memory_space<vmem>>, vector<16xi32>,
      tpu.vector_store %arg10[%swap3A_291, %swap3A_292], %add3A_289 {strides = array<i32>} : memref<83x128xi32, #tpu.memory_space<vmem>>, vector<16xi32>,
      %add3A_294 = arith.constant 0 : i32
      %add3A_295 = arith.addi %mul3A_6, %add3A_294 : i32
      %add3A_296 = arith.constant 32 : i32
      %add3A_297 = arith.addi %add3A_295, %add3A_296 : i32
      %iota3A_298 = tpu.iota {dimensions = array<i32: 0>} : vector<16xi32>
      %add3A_299 = vector.broadcast %add3A_297 : i32 to vector<16xi32>
      %add3A_300 = arith.addi %add3A_299, %iota3A_298 : vector<16xi32>
      %ge3A_301 = arith.constant 10240 : i32
      %ge3A_302 = vector.broadcast %ge3A_301 : i32 to vector<16xi32>
      %ge3A_303 = arith.cmpi sge, %add3A_300, %ge3A_302 : vector<16xi32>
      %sub3A_304 = arith.constant 128 : i32
      %sub3A_305 = vector.broadcast %sub3A_304 : i32 to vector<16xi32>
      %sub3A_306 = arith.subi %add3A_300, %sub3A_305 : vector<16xi32>
      %select_n3A_307 = arith.select %ge3A_303, %sub3A_306, %add3A_300 : vector<16xi1>, vector<16xi32>
      %gather3A_308 = tpu.vector_load_idx %arg9[%select_n3A_307] : memref<10240xi32, #tpu.memory_space<vmem>>[vector<16xi32>], vector<16xi32>,
      %gather3A_309 = tpu.vector_load_idx %arg8[%select_n3A_307] : memref<10240xf32, #tpu.memory_space<vmem>>[vector<16xi32>], vector<16xf32>,
      %swap3A_310 = arith.constant 80 : i32
      %swap3A_311 = arith.index_cast %swap3A_310 : i32 to index
      %swap3A_312 = arith.constant 32 : index
      %swap3A_313 = tpu.vector_load %arg11[%swap3A_311, %swap3A_312] {strides = array<i32>} : memref<83x128xf32, #tpu.memory_space<vmem>>, vector<16xf32>,
      tpu.vector_store %arg11[%swap3A_311, %swap3A_312], %gather3A_309 {strides = array<i32>} : memref<83x128xf32, #tpu.memory_space<vmem>>, vector<16xf32>,
      %mul3A_314 = arith.constant 10000 : i32
      %mul3A_315 = vector.broadcast %mul3A_314 : i32 to vector<16xi32>
      %mul3A_316 = arith.muli %gather3A_308, %mul3A_315 : vector<16xi32>
      %add3A_317 = arith.addi %mul3A_316, %select_n3A_307 : vector<16xi32>
      %swap3A_318 = arith.constant 80 : i32
      %swap3A_319 = arith.index_cast %swap3A_318 : i32 to index
      %swap3A_320 = arith.constant 32 : index
      %swap3A_321 = tpu.vector_load %arg10[%swap3A_319, %swap3A_320] {strides = array<i32>} : memref<83x128xi32, #tpu.memory_space<vmem>>, vector<16xi32>,
      tpu.vector_store %arg10[%swap3A_319, %swap3A_320], %add3A_317 {strides = array<i32>} : memref<83x128xi32, #tpu.memory_space<vmem>>, vector<16xi32>,
      %add3A_322 = arith.constant 0 : i32
      %add3A_323 = arith.addi %mul3A_6, %add3A_322 : i32
      %add3A_324 = arith.constant 48 : i32
      %add3A_325 = arith.addi %add3A_323, %add3A_324 : i32
      %iota3A_326 = tpu.iota {dimensions = array<i32: 0>} : vector<16xi32>
      %add3A_327 = vector.broadcast %add3A_325 : i32 to vector<16xi32>
      %add3A_328 = arith.addi %add3A_327, %iota3A_326 : vector<16xi32>
      %ge3A_329 = arith.constant 10240 : i32
      %ge3A_330 = vector.broadcast %ge3A_329 : i32 to vector<16xi32>
      %ge3A_331 = arith.cmpi sge, %add3A_328, %ge3A_330 : vector<16xi32>
      %sub3A_332 = arith.constant 128 : i32
      %sub3A_333 = vector.broadcast %sub3A_332 : i32 to vector<16xi32>
      %sub3A_334 = arith.subi %add3A_328, %sub3A_333 : vector<16xi32>
      %select_n3A_335 = arith.select %ge3A_331, %sub3A_334, %add3A_328 : vector<16xi1>, vector<16xi32>
      %gather3A_336 = tpu.vector_load_idx %arg9[%select_n3A_335] : memref<10240xi32, #tpu.memory_space<vmem>>[vector<16xi32>], vector<16xi32>,
      %gather3A_337 = tpu.vector_load_idx %arg8[%select_n3A_335] : memref<10240xf32, #tpu.memory_space<vmem>>[vector<16xi32>], vector<16xf32>,
      %swap3A_338 = arith.constant 80 : i32
      %swap3A_339 = arith.index_cast %swap3A_338 : i32 to index
      %swap3A_340 = arith.constant 48 : index
      %swap3A_341 = tpu.vector_load %arg11[%swap3A_339, %swap3A_340] {strides = array<i32>} : memref<83x128xf32, #tpu.memory_space<vmem>>, vector<16xf32>,
      tpu.vector_store %arg11[%swap3A_339, %swap3A_340], %gather3A_337 {strides = array<i32>} : memref<83x128xf32, #tpu.memory_space<vmem>>, vector<16xf32>,
      %mul3A_342 = arith.constant 10000 : i32
      %mul3A_343 = vector.broadcast %mul3A_342 : i32 to vector<16xi32>
      %mul3A_344 = arith.muli %gather3A_336, %mul3A_343 : vector<16xi32>
      %add3A_345 = arith.addi %mul3A_344, %select_n3A_335 : vector<16xi32>
      %swap3A_346 = arith.constant 80 : i32
      %swap3A_347 = arith.index_cast %swap3A_346 : i32 to index
      %swap3A_348 = arith.constant 48 : index
      %swap3A_349 = tpu.vector_load %arg10[%swap3A_347, %swap3A_348] {strides = array<i32>} : memref<83x128xi32, #tpu.memory_space<vmem>>, vector<16xi32>,
      tpu.vector_store %arg10[%swap3A_347, %swap3A_348], %add3A_345 {strides = array<i32>} : memref<83x128xi32, #tpu.memory_space<vmem>>, vector<16xi32>,
      %add3A_350 = arith.constant 0 : i32
      %add3A_351 = arith.addi %mul3A_6, %add3A_350 : i32
      %add3A_352 = arith.constant 64 : i32
      %add3A_353 = arith.addi %add3A_351, %add3A_352 : i32
      %iota3A_354 = tpu.iota {dimensions = array<i32: 0>} : vector<16xi32>
      %add3A_355 = vector.broadcast %add3A_353 : i32 to vector<16xi32>
      %add3A_356 = arith.addi %add3A_355, %iota3A_354 : vector<16xi32>
      %ge3A_357 = arith.constant 10240 : i32
      %ge3A_358 = vector.broadcast %ge3A_357 : i32 to vector<16xi32>
      %ge3A_359 = arith.cmpi sge, %add3A_356, %ge3A_358 : vector<16xi32>
      %sub3A_360 = arith.constant 128 : i32
      %sub3A_361 = vector.broadcast %sub3A_360 : i32 to vector<16xi32>
      %sub3A_362 = arith.subi %add3A_356, %sub3A_361 : vector<16xi32>
      %select_n3A_363 = arith.select %ge3A_359, %sub3A_362, %add3A_356 : vector<16xi1>, vector<16xi32>
      %gather3A_364 = tpu.vector_load_idx %arg9[%select_n3A_363] : memref<10240xi32, #tpu.memory_space<vmem>>[vector<16xi32>], vector<16xi32>,
      %gather3A_365 = tpu.vector_load_idx %arg8[%select_n3A_363] : memref<10240xf32, #tpu.memory_space<vmem>>[vector<16xi32>], vector<16xf32>,
      %swap3A_366 = arith.constant 80 : i32
      %swap3A_367 = arith.index_cast %swap3A_366 : i32 to index
      %swap3A_368 = arith.constant 64 : index
      %swap3A_369 = tpu.vector_load %arg11[%swap3A_367, %swap3A_368] {strides = array<i32>} : memref<83x128xf32, #tpu.memory_space<vmem>>, vector<16xf32>,
      tpu.vector_store %arg11[%swap3A_367, %swap3A_368], %gather3A_365 {strides = array<i32>} : memref<83x128xf32, #tpu.memory_space<vmem>>, vector<16xf32>,
      %mul3A_370 = arith.constant 10000 : i32
      %mul3A_371 = vector.broadcast %mul3A_370 : i32 to vector<16xi32>
      %mul3A_372 = arith.muli %gather3A_364, %mul3A_371 : vector<16xi32>
      %add3A_373 = arith.addi %mul3A_372, %select_n3A_363 : vector<16xi32>
      %swap3A_374 = arith.constant 80 : i32
      %swap3A_375 = arith.index_cast %swap3A_374 : i32 to index
      %swap3A_376 = arith.constant 64 : index
      %swap3A_377 = tpu.vector_load %arg10[%swap3A_375, %swap3A_376] {strides = array<i32>} : memref<83x128xi32, #tpu.memory_space<vmem>>, vector<16xi32>,
      tpu.vector_store %arg10[%swap3A_375, %swap3A_376], %add3A_373 {strides = array<i32>} : memref<83x128xi32, #tpu.memory_space<vmem>>, vector<16xi32>,
      %add3A_378 = arith.constant 0 : i32
      %add3A_379 = arith.addi %mul3A_6, %add3A_378 : i32
      %add3A_380 = arith.constant 80 : i32
      %add3A_381 = arith.addi %add3A_379, %add3A_380 : i32
      %iota3A_382 = tpu.iota {dimensions = array<i32: 0>} : vector<16xi32>
      %add3A_383 = vector.broadcast %add3A_381 : i32 to vector<16xi32>
      %add3A_384 = arith.addi %add3A_383, %iota3A_382 : vector<16xi32>
      %ge3A_385 = arith.constant 10240 : i32
      %ge3A_386 = vector.broadcast %ge3A_385 : i32 to vector<16xi32>
      %ge3A_387 = arith.cmpi sge, %add3A_384, %ge3A_386 : vector<16xi32>
      %sub3A_388 = arith.constant 128 : i32
      %sub3A_389 = vector.broadcast %sub3A_388 : i32 to vector<16xi32>
      %sub3A_390 = arith.subi %add3A_384, %sub3A_389 : vector<16xi32>
      %select_n3A_391 = arith.select %ge3A_387, %sub3A_390, %add3A_384 : vector<16xi1>, vector<16xi32>
      %gather3A_392 = tpu.vector_load_idx %arg9[%select_n3A_391] : memref<10240xi32, #tpu.memory_space<vmem>>[vector<16xi32>], vector<16xi32>,
      %gather3A_393 = tpu.vector_load_idx %arg8[%select_n3A_391] : memref<10240xf32, #tpu.memory_space<vmem>>[vector<16xi32>], vector<16xf32>,
      %swap3A_394 = arith.constant 80 : i32
      %swap3A_395 = arith.index_cast %swap3A_394 : i32 to index
      %swap3A_396 = arith.constant 80 : index
      %swap3A_397 = tpu.vector_load %arg11[%swap3A_395, %swap3A_396] {strides = array<i32>} : memref<83x128xf32, #tpu.memory_space<vmem>>, vector<16xf32>,
      tpu.vector_store %arg11[%swap3A_395, %swap3A_396], %gather3A_393 {strides = array<i32>} : memref<83x128xf32, #tpu.memory_space<vmem>>, vector<16xf32>,
      %mul3A_398 = arith.constant 10000 : i32
      %mul3A_399 = vector.broadcast %mul3A_398 : i32 to vector<16xi32>
      %mul3A_400 = arith.muli %gather3A_392, %mul3A_399 : vector<16xi32>
      %add3A_401 = arith.addi %mul3A_400, %select_n3A_391 : vector<16xi32>
      %swap3A_402 = arith.constant 80 : i32
      %swap3A_403 = arith.index_cast %swap3A_402 : i32 to index
      %swap3A_404 = arith.constant 80 : index
      %swap3A_405 = tpu.vector_load %arg10[%swap3A_403, %swap3A_404] {strides = array<i32>} : memref<83x128xi32, #tpu.memory_space<vmem>>, vector<16xi32>,
      tpu.vector_store %arg10[%swap3A_403, %swap3A_404], %add3A_401 {strides = array<i32>} : memref<83x128xi32, #tpu.memory_space<vmem>>, vector<16xi32>,
      %add3A_406 = arith.constant 0 : i32
      %add3A_407 = arith.addi %mul3A_6, %add3A_406 : i32
      %add3A_408 = arith.constant 96 : i32
      %add3A_409 = arith.addi %add3A_407, %add3A_408 : i32
      %iota3A_410 = tpu.iota {dimensions = array<i32: 0>} : vector<16xi32>
      %add3A_411 = vector.broadcast %add3A_409 : i32 to vector<16xi32>
      %add3A_412 = arith.addi %add3A_411, %iota3A_410 : vector<16xi32>
      %ge3A_413 = arith.constant 10240 : i32
      %ge3A_414 = vector.broadcast %ge3A_413 : i32 to vector<16xi32>
      %ge3A_415 = arith.cmpi sge, %add3A_412, %ge3A_414 : vector<16xi32>
      %sub3A_416 = arith.constant 128 : i32
      %sub3A_417 = vector.broadcast %sub3A_416 : i32 to vector<16xi32>
      %sub3A_418 = arith.subi %add3A_412, %sub3A_417 : vector<16xi32>
      %select_n3A_419 = arith.select %ge3A_415, %sub3A_418, %add3A_412 : vector<16xi1>, vector<16xi32>
      %gather3A_420 = tpu.vector_load_idx %arg9[%select_n3A_419] : memref<10240xi32, #tpu.memory_space<vmem>>[vector<16xi32>], vector<16xi32>,
      %gather3A_421 = tpu.vector_load_idx %arg8[%select_n3A_419] : memref<10240xf32, #tpu.memory_space<vmem>>[vector<16xi32>], vector<16xf32>,
      %swap3A_422 = arith.constant 80 : i32
      %swap3A_423 = arith.index_cast %swap3A_422 : i32 to index
      %swap3A_424 = arith.constant 96 : index
      %swap3A_425 = tpu.vector_load %arg11[%swap3A_423, %swap3A_424] {strides = array<i32>} : memref<83x128xf32, #tpu.memory_space<vmem>>, vector<16xf32>,
      tpu.vector_store %arg11[%swap3A_423, %swap3A_424], %gather3A_421 {strides = array<i32>} : memref<83x128xf32, #tpu.memory_space<vmem>>, vector<16xf32>,
      %mul3A_426 = arith.constant 10000 : i32
      %mul3A_427 = vector.broadcast %mul3A_426 : i32 to vector<16xi32>
      %mul3A_428 = arith.muli %gather3A_420, %mul3A_427 : vector<16xi32>
      %add3A_429 = arith.addi %mul3A_428, %select_n3A_419 : vector<16xi32>
      %swap3A_430 = arith.constant 80 : i32
      %swap3A_431 = arith.index_cast %swap3A_430 : i32 to index
      %swap3A_432 = arith.constant 96 : index
      %swap3A_433 = tpu.vector_load %arg10[%swap3A_431, %swap3A_432] {strides = array<i32>} : memref<83x128xi32, #tpu.memory_space<vmem>>, vector<16xi32>,
      tpu.vector_store %arg10[%swap3A_431, %swap3A_432], %add3A_429 {strides = array<i32>} : memref<83x128xi32, #tpu.memory_space<vmem>>, vector<16xi32>,
      %add3A_434 = arith.constant 0 : i32
      %add3A_435 = arith.addi %mul3A_6, %add3A_434 : i32
      %add3A_436 = arith.constant 112 : i32
      %add3A_437 = arith.addi %add3A_435, %add3A_436 : i32
      %iota3A_438 = tpu.iota {dimensions = array<i32: 0>} : vector<16xi32>
      %add3A_439 = vector.broadcast %add3A_437 : i32 to vector<16xi32>
      %add3A_440 = arith.addi %add3A_439, %iota3A_438 : vector<16xi32>
      %ge3A_441 = arith.constant 10240 : i32
      %ge3A_442 = vector.broadcast %ge3A_441 : i32 to vector<16xi32>
      %ge3A_443 = arith.cmpi sge, %add3A_440, %ge3A_442 : vector<16xi32>
      %sub3A_444 = arith.constant 128 : i32
      %sub3A_445 = vector.broadcast %sub3A_444 : i32 to vector<16xi32>
      %sub3A_446 = arith.subi %add3A_440, %sub3A_445 : vector<16xi32>
      %select_n3A_447 = arith.select %ge3A_443, %sub3A_446, %add3A_440 : vector<16xi1>, vector<16xi32>
      %gather3A_448 = tpu.vector_load_idx %arg9[%select_n3A_447] : memref<10240xi32, #tpu.memory_space<vmem>>[vector<16xi32>], vector<16xi32>,
      %gather3A_449 = tpu.vector_load_idx %arg8[%select_n3A_447] : memref<10240xf32, #tpu.memory_space<vmem>>[vector<16xi32>], vector<16xf32>,
      %swap3A_450 = arith.constant 80 : i32
      %swap3A_451 = arith.index_cast %swap3A_450 : i32 to index
      %swap3A_452 = arith.constant 112 : index
      %swap3A_453 = tpu.vector_load %arg11[%swap3A_451, %swap3A_452] {strides = array<i32>} : memref<83x128xf32, #tpu.memory_space<vmem>>, vector<16xf32>,
      tpu.vector_store %arg11[%swap3A_451, %swap3A_452], %gather3A_449 {strides = array<i32>} : memref<83x128xf32, #tpu.memory_space<vmem>>, vector<16xf32>,
      %mul3A_454 = arith.constant 10000 : i32
      %mul3A_455 = vector.broadcast %mul3A_454 : i32 to vector<16xi32>
      %mul3A_456 = arith.muli %gather3A_448, %mul3A_455 : vector<16xi32>
      %add3A_457 = arith.addi %mul3A_456, %select_n3A_447 : vector<16xi32>
      %swap3A_458 = arith.constant 80 : i32
      %swap3A_459 = arith.index_cast %swap3A_458 : i32 to index
      %swap3A_460 = arith.constant 112 : index
      %swap3A_461 = tpu.vector_load %arg10[%swap3A_459, %swap3A_460] {strides = array<i32>} : memref<83x128xi32, #tpu.memory_space<vmem>>, vector<16xi32>,
      tpu.vector_store %arg10[%swap3A_459, %swap3A_460], %add3A_457 {strides = array<i32>} : memref<83x128xi32, #tpu.memory_space<vmem>>, vector<16xi32>,
      %dma_start3A_462 = arith.constant 80 : i32
      %dma_start3A_463 = arith.constant 80 : i32
      %dma_start3A_464 = arith.constant 0 : i32
      %dma_start3A_465 = tpu.memref_slice %arg11[%dma_start3A_462, %dma_start3A_464] : memref<83x128xf32, #tpu.memory_space<vmem>> -> memref<1x128xf32, #tpu.memory_space<vmem>>
      %dma_start3A_466 = tpu.memref_squeeze %dma_start3A_465 : memref<1x128xf32, #tpu.memory_space<vmem>> -> memref<128xf32, #tpu.memory_space<vmem>>
      %dma_start3A_467 = arith.constant 0 : i32
      %dma_start3A_468 = tpu.memref_slice %arg10[%dma_start3A_463, %dma_start3A_467] : memref<83x128xi32, #tpu.memory_space<vmem>> -> memref<1x128xi32, #tpu.memory_space<vmem>>
      %dma_start3A_469 = tpu.memref_squeeze %dma_start3A_468 : memref<1x128xi32, #tpu.memory_space<vmem>> -> memref<128xi32, #tpu.memory_space<vmem>>
      %dma_start3A_470 = arith.constant 0 : i32
      %dma_start3A_471 = tpu.memref_slice %arg14[%dma_start3A_470] : memref<640000xf32, #tpu.memory_space<vmem_shared>> -> memref<640000xf32, #tpu.memory_space<vmem_shared>>
      tpu.enqueue_indirect_dma source(%dma_start3A_466 : memref<128xf32, #tpu.memory_space<vmem>>) target(%dma_start3A_471 : memref<640000xf32, #tpu.memory_space<vmem_shared>>) offsets(%dma_start3A_469 : memref<128xi32, #tpu.memory_space<vmem>>) semaphore(%arg16 : memref<!tpu.dma_semaphore, #tpu.memory_space<semaphore_mem>>) {add = true}
      %add3A_472 = arith.constant 128 : i32
      %add3A_473 = arith.addi %mul3A_6, %add3A_472 : i32
      %add3A_474 = arith.constant 0 : i32
      %add3A_475 = arith.addi %add3A_473, %add3A_474 : i32
      %iota3A_476 = tpu.iota {dimensions = array<i32: 0>} : vector<16xi32>
      %add3A_477 = vector.broadcast %add3A_475 : i32 to vector<16xi32>
      %add3A_478 = arith.addi %add3A_477, %iota3A_476 : vector<16xi32>
      %ge3A_479 = arith.constant 10240 : i32
      %ge3A_480 = vector.broadcast %ge3A_479 : i32 to vector<16xi32>
      %ge3A_481 = arith.cmpi sge, %add3A_478, %ge3A_480 : vector<16xi32>
      %sub3A_482 = arith.constant 128 : i32
      %sub3A_483 = vector.broadcast %sub3A_482 : i32 to vector<16xi32>
      %sub3A_484 = arith.subi %add3A_478, %sub3A_483 : vector<16xi32>
      %select_n3A_485 = arith.select %ge3A_481, %sub3A_484, %add3A_478 : vector<16xi1>, vector<16xi32>
      %gather3A_486 = tpu.vector_load_idx %arg9[%select_n3A_485] : memref<10240xi32, #tpu.memory_space<vmem>>[vector<16xi32>], vector<16xi32>,
      %gather3A_487 = tpu.vector_load_idx %arg8[%select_n3A_485] : memref<10240xf32, #tpu.memory_space<vmem>>[vector<16xi32>], vector<16xf32>,
      %swap3A_488 = arith.constant 81 : i32
      %swap3A_489 = arith.index_cast %swap3A_488 : i32 to index
      %swap3A_490 = arith.constant 0 : index
      %swap3A_491 = tpu.vector_load %arg11[%swap3A_489, %swap3A_490] {strides = array<i32>} : memref<83x128xf32, #tpu.memory_space<vmem>>, vector<16xf32>,
      tpu.vector_store %arg11[%swap3A_489, %swap3A_490], %gather3A_487 {strides = array<i32>} : memref<83x128xf32, #tpu.memory_space<vmem>>, vector<16xf32>,
      %mul3A_492 = arith.constant 10000 : i32
      %mul3A_493 = vector.broadcast %mul3A_492 : i32 to vector<16xi32>
      %mul3A_494 = arith.muli %gather3A_486, %mul3A_493 : vector<16xi32>
      %add3A_495 = arith.addi %mul3A_494, %select_n3A_485 : vector<16xi32>
      %swap3A_496 = arith.constant 81 : i32
      %swap3A_497 = arith.index_cast %swap3A_496 : i32 to index
      %swap3A_498 = arith.constant 0 : index
      %swap3A_499 = tpu.vector_load %arg10[%swap3A_497, %swap3A_498] {strides = array<i32>} : memref<83x128xi32, #tpu.memory_space<vmem>>, vector<16xi32>,
      tpu.vector_store %arg10[%swap3A_497, %swap3A_498], %add3A_495 {strides = array<i32>} : memref<83x128xi32, #tpu.memory_space<vmem>>, vector<16xi32>,
      %add3A_500 = arith.constant 128 : i32
      %add3A_501 = arith.addi %mul3A_6, %add3A_500 : i32
      %add3A_502 = arith.constant 16 : i32
      %add3A_503 = arith.addi %add3A_501, %add3A_502 : i32
      %iota3A_504 = tpu.iota {dimensions = array<i32: 0>} : vector<16xi32>
      %add3A_505 = vector.broadcast %add3A_503 : i32 to vector<16xi32>
      %add3A_506 = arith.addi %add3A_505, %iota3A_504 : vector<16xi32>
      %ge3A_507 = arith.constant 10240 : i32
      %ge3A_508 = vector.broadcast %ge3A_507 : i32 to vector<16xi32>
      %ge3A_509 = arith.cmpi sge, %add3A_506, %ge3A_508 : vector<16xi32>
      %sub3A_510 = arith.constant 128 : i32
      %sub3A_511 = vector.broadcast %sub3A_510 : i32 to vector<16xi32>
      %sub3A_512 = arith.subi %add3A_506, %sub3A_511 : vector<16xi32>
      %select_n3A_513 = arith.select %ge3A_509, %sub3A_512, %add3A_506 : vector<16xi1>, vector<16xi32>
      %gather3A_514 = tpu.vector_load_idx %arg9[%select_n3A_513] : memref<10240xi32, #tpu.memory_space<vmem>>[vector<16xi32>], vector<16xi32>,
      %gather3A_515 = tpu.vector_load_idx %arg8[%select_n3A_513] : memref<10240xf32, #tpu.memory_space<vmem>>[vector<16xi32>], vector<16xf32>,
      %swap3A_516 = arith.constant 81 : i32
      %swap3A_517 = arith.index_cast %swap3A_516 : i32 to index
      %swap3A_518 = arith.constant 16 : index
      %swap3A_519 = tpu.vector_load %arg11[%swap3A_517, %swap3A_518] {strides = array<i32>} : memref<83x128xf32, #tpu.memory_space<vmem>>, vector<16xf32>,
      tpu.vector_store %arg11[%swap3A_517, %swap3A_518], %gather3A_515 {strides = array<i32>} : memref<83x128xf32, #tpu.memory_space<vmem>>, vector<16xf32>,
      %mul3A_520 = arith.constant 10000 : i32
      %mul3A_521 = vector.broadcast %mul3A_520 : i32 to vector<16xi32>
      %mul3A_522 = arith.muli %gather3A_514, %mul3A_521 : vector<16xi32>
      %add3A_523 = arith.addi %mul3A_522, %select_n3A_513 : vector<16xi32>
      %swap3A_524 = arith.constant 81 : i32
      %swap3A_525 = arith.index_cast %swap3A_524 : i32 to index
      %swap3A_526 = arith.constant 16 : index
      %swap3A_527 = tpu.vector_load %arg10[%swap3A_525, %swap3A_526] {strides = array<i32>} : memref<83x128xi32, #tpu.memory_space<vmem>>, vector<16xi32>,
      tpu.vector_store %arg10[%swap3A_525, %swap3A_526], %add3A_523 {strides = array<i32>} : memref<83x128xi32, #tpu.memory_space<vmem>>, vector<16xi32>,
      %add3A_528 = arith.constant 128 : i32
      %add3A_529 = arith.addi %mul3A_6, %add3A_528 : i32
      %add3A_530 = arith.constant 32 : i32
      %add3A_531 = arith.addi %add3A_529, %add3A_530 : i32
      %iota3A_532 = tpu.iota {dimensions = array<i32: 0>} : vector<16xi32>
      %add3A_533 = vector.broadcast %add3A_531 : i32 to vector<16xi32>
      %add3A_534 = arith.addi %add3A_533, %iota3A_532 : vector<16xi32>
      %ge3A_535 = arith.constant 10240 : i32
      %ge3A_536 = vector.broadcast %ge3A_535 : i32 to vector<16xi32>
      %ge3A_537 = arith.cmpi sge, %add3A_534, %ge3A_536 : vector<16xi32>
      %sub3A_538 = arith.constant 128 : i32
      %sub3A_539 = vector.broadcast %sub3A_538 : i32 to vector<16xi32>
      %sub3A_540 = arith.subi %add3A_534, %sub3A_539 : vector<16xi32>
      %select_n3A_541 = arith.select %ge3A_537, %sub3A_540, %add3A_534 : vector<16xi1>, vector<16xi32>
      %gather3A_542 = tpu.vector_load_idx %arg9[%select_n3A_541] : memref<10240xi32, #tpu.memory_space<vmem>>[vector<16xi32>], vector<16xi32>,
      %gather3A_543 = tpu.vector_load_idx %arg8[%select_n3A_541] : memref<10240xf32, #tpu.memory_space<vmem>>[vector<16xi32>], vector<16xf32>,
      %swap3A_544 = arith.constant 81 : i32
      %swap3A_545 = arith.index_cast %swap3A_544 : i32 to index
      %swap3A_546 = arith.constant 32 : index
      %swap3A_547 = tpu.vector_load %arg11[%swap3A_545, %swap3A_546] {strides = array<i32>} : memref<83x128xf32, #tpu.memory_space<vmem>>, vector<16xf32>,
      tpu.vector_store %arg11[%swap3A_545, %swap3A_546], %gather3A_543 {strides = array<i32>} : memref<83x128xf32, #tpu.memory_space<vmem>>, vector<16xf32>,
      %mul3A_548 = arith.constant 10000 : i32
      %mul3A_549 = vector.broadcast %mul3A_548 : i32 to vector<16xi32>
      %mul3A_550 = arith.muli %gather3A_542, %mul3A_549 : vector<16xi32>
      %add3A_551 = arith.addi %mul3A_550, %select_n3A_541 : vector<16xi32>
      %swap3A_552 = arith.constant 81 : i32
      %swap3A_553 = arith.index_cast %swap3A_552 : i32 to index
      %swap3A_554 = arith.constant 32 : index
      %swap3A_555 = tpu.vector_load %arg10[%swap3A_553, %swap3A_554] {strides = array<i32>} : memref<83x128xi32, #tpu.memory_space<vmem>>, vector<16xi32>,
      tpu.vector_store %arg10[%swap3A_553, %swap3A_554], %add3A_551 {strides = array<i32>} : memref<83x128xi32, #tpu.memory_space<vmem>>, vector<16xi32>,
      %add3A_556 = arith.constant 128 : i32
      %add3A_557 = arith.addi %mul3A_6, %add3A_556 : i32
      %add3A_558 = arith.constant 48 : i32
      %add3A_559 = arith.addi %add3A_557, %add3A_558 : i32
      %iota3A_560 = tpu.iota {dimensions = array<i32: 0>} : vector<16xi32>
      %add3A_561 = vector.broadcast %add3A_559 : i32 to vector<16xi32>
      %add3A_562 = arith.addi %add3A_561, %iota3A_560 : vector<16xi32>
      %ge3A_563 = arith.constant 10240 : i32
      %ge3A_564 = vector.broadcast %ge3A_563 : i32 to vector<16xi32>
      %ge3A_565 = arith.cmpi sge, %add3A_562, %ge3A_564 : vector<16xi32>
      %sub3A_566 = arith.constant 128 : i32
      %sub3A_567 = vector.broadcast %sub3A_566 : i32 to vector<16xi32>
      %sub3A_568 = arith.subi %add3A_562, %sub3A_567 : vector<16xi32>
      %select_n3A_569 = arith.select %ge3A_565, %sub3A_568, %add3A_562 : vector<16xi1>, vector<16xi32>
      %gather3A_570 = tpu.vector_load_idx %arg9[%select_n3A_569] : memref<10240xi32, #tpu.memory_space<vmem>>[vector<16xi32>], vector<16xi32>,
      %gather3A_571 = tpu.vector_load_idx %arg8[%select_n3A_569] : memref<10240xf32, #tpu.memory_space<vmem>>[vector<16xi32>], vector<16xf32>,
      %swap3A_572 = arith.constant 81 : i32
      %swap3A_573 = arith.index_cast %swap3A_572 : i32 to index
      %swap3A_574 = arith.constant 48 : index
      %swap3A_575 = tpu.vector_load %arg11[%swap3A_573, %swap3A_574] {strides = array<i32>} : memref<83x128xf32, #tpu.memory_space<vmem>>, vector<16xf32>,
      tpu.vector_store %arg11[%swap3A_573, %swap3A_574], %gather3A_571 {strides = array<i32>} : memref<83x128xf32, #tpu.memory_space<vmem>>, vector<16xf32>,
      %mul3A_576 = arith.constant 10000 : i32
      %mul3A_577 = vector.broadcast %mul3A_576 : i32 to vector<16xi32>
      %mul3A_578 = arith.muli %gather3A_570, %mul3A_577 : vector<16xi32>
      %add3A_579 = arith.addi %mul3A_578, %select_n3A_569 : vector<16xi32>
      %swap3A_580 = arith.constant 81 : i32
      %swap3A_581 = arith.index_cast %swap3A_580 : i32 to index
      %swap3A_582 = arith.constant 48 : index
      %swap3A_583 = tpu.vector_load %arg10[%swap3A_581, %swap3A_582] {strides = array<i32>} : memref<83x128xi32, #tpu.memory_space<vmem>>, vector<16xi32>,
      tpu.vector_store %arg10[%swap3A_581, %swap3A_582], %add3A_579 {strides = array<i32>} : memref<83x128xi32, #tpu.memory_space<vmem>>, vector<16xi32>,
      %add3A_584 = arith.constant 128 : i32
      %add3A_585 = arith.addi %mul3A_6, %add3A_584 : i32
      %add3A_586 = arith.constant 64 : i32
      %add3A_587 = arith.addi %add3A_585, %add3A_586 : i32
      %iota3A_588 = tpu.iota {dimensions = array<i32: 0>} : vector<16xi32>
      %add3A_589 = vector.broadcast %add3A_587 : i32 to vector<16xi32>
      %add3A_590 = arith.addi %add3A_589, %iota3A_588 : vector<16xi32>
      %ge3A_591 = arith.constant 10240 : i32
      %ge3A_592 = vector.broadcast %ge3A_591 : i32 to vector<16xi32>
      %ge3A_593 = arith.cmpi sge, %add3A_590, %ge3A_592 : vector<16xi32>
      %sub3A_594 = arith.constant 128 : i32
      %sub3A_595 = vector.broadcast %sub3A_594 : i32 to vector<16xi32>
      %sub3A_596 = arith.subi %add3A_590, %sub3A_595 : vector<16xi32>
      %select_n3A_597 = arith.select %ge3A_593, %sub3A_596, %add3A_590 : vector<16xi1>, vector<16xi32>
      %gather3A_598 = tpu.vector_load_idx %arg9[%select_n3A_597] : memref<10240xi32, #tpu.memory_space<vmem>>[vector<16xi32>], vector<16xi32>,
      %gather3A_599 = tpu.vector_load_idx %arg8[%select_n3A_597] : memref<10240xf32, #tpu.memory_space<vmem>>[vector<16xi32>], vector<16xf32>,
      %swap3A_600 = arith.constant 81 : i32
      %swap3A_601 = arith.index_cast %swap3A_600 : i32 to index
      %swap3A_602 = arith.constant 64 : index
      %swap3A_603 = tpu.vector_load %arg11[%swap3A_601, %swap3A_602] {strides = array<i32>} : memref<83x128xf32, #tpu.memory_space<vmem>>, vector<16xf32>,
      tpu.vector_store %arg11[%swap3A_601, %swap3A_602], %gather3A_599 {strides = array<i32>} : memref<83x128xf32, #tpu.memory_space<vmem>>, vector<16xf32>,
      %mul3A_604 = arith.constant 10000 : i32
      %mul3A_605 = vector.broadcast %mul3A_604 : i32 to vector<16xi32>
      %mul3A_606 = arith.muli %gather3A_598, %mul3A_605 : vector<16xi32>
      %add3A_607 = arith.addi %mul3A_606, %select_n3A_597 : vector<16xi32>
      %swap3A_608 = arith.constant 81 : i32
      %swap3A_609 = arith.index_cast %swap3A_608 : i32 to index
      %swap3A_610 = arith.constant 64 : index
      %swap3A_611 = tpu.vector_load %arg10[%swap3A_609, %swap3A_610] {strides = array<i32>} : memref<83x128xi32, #tpu.memory_space<vmem>>, vector<16xi32>,
      tpu.vector_store %arg10[%swap3A_609, %swap3A_610], %add3A_607 {strides = array<i32>} : memref<83x128xi32, #tpu.memory_space<vmem>>, vector<16xi32>,
      %add3A_612 = arith.constant 128 : i32
      %add3A_613 = arith.addi %mul3A_6, %add3A_612 : i32
      %add3A_614 = arith.constant 80 : i32
      %add3A_615 = arith.addi %add3A_613, %add3A_614 : i32
      %iota3A_616 = tpu.iota {dimensions = array<i32: 0>} : vector<16xi32>
      %add3A_617 = vector.broadcast %add3A_615 : i32 to vector<16xi32>
      %add3A_618 = arith.addi %add3A_617, %iota3A_616 : vector<16xi32>
      %ge3A_619 = arith.constant 10240 : i32
      %ge3A_620 = vector.broadcast %ge3A_619 : i32 to vector<16xi32>
      %ge3A_621 = arith.cmpi sge, %add3A_618, %ge3A_620 : vector<16xi32>
      %sub3A_622 = arith.constant 128 : i32
      %sub3A_623 = vector.broadcast %sub3A_622 : i32 to vector<16xi32>
      %sub3A_624 = arith.subi %add3A_618, %sub3A_623 : vector<16xi32>
      %select_n3A_625 = arith.select %ge3A_621, %sub3A_624, %add3A_618 : vector<16xi1>, vector<16xi32>
      %gather3A_626 = tpu.vector_load_idx %arg9[%select_n3A_625] : memref<10240xi32, #tpu.memory_space<vmem>>[vector<16xi32>], vector<16xi32>,
      %gather3A_627 = tpu.vector_load_idx %arg8[%select_n3A_625] : memref<10240xf32, #tpu.memory_space<vmem>>[vector<16xi32>], vector<16xf32>,
      %swap3A_628 = arith.constant 81 : i32
      %swap3A_629 = arith.index_cast %swap3A_628 : i32 to index
      %swap3A_630 = arith.constant 80 : index
      %swap3A_631 = tpu.vector_load %arg11[%swap3A_629, %swap3A_630] {strides = array<i32>} : memref<83x128xf32, #tpu.memory_space<vmem>>, vector<16xf32>,
      tpu.vector_store %arg11[%swap3A_629, %swap3A_630], %gather3A_627 {strides = array<i32>} : memref<83x128xf32, #tpu.memory_space<vmem>>, vector<16xf32>,
      %mul3A_632 = arith.constant 10000 : i32
      %mul3A_633 = vector.broadcast %mul3A_632 : i32 to vector<16xi32>
      %mul3A_634 = arith.muli %gather3A_626, %mul3A_633 : vector<16xi32>
      %add3A_635 = arith.addi %mul3A_634, %select_n3A_625 : vector<16xi32>
      %swap3A_636 = arith.constant 81 : i32
      %swap3A_637 = arith.index_cast %swap3A_636 : i32 to index
      %swap3A_638 = arith.constant 80 : index
      %swap3A_639 = tpu.vector_load %arg10[%swap3A_637, %swap3A_638] {strides = array<i32>} : memref<83x128xi32, #tpu.memory_space<vmem>>, vector<16xi32>,
      tpu.vector_store %arg10[%swap3A_637, %swap3A_638], %add3A_635 {strides = array<i32>} : memref<83x128xi32, #tpu.memory_space<vmem>>, vector<16xi32>,
      %add3A_640 = arith.constant 128 : i32
      %add3A_641 = arith.addi %mul3A_6, %add3A_640 : i32
      %add3A_642 = arith.constant 96 : i32
      %add3A_643 = arith.addi %add3A_641, %add3A_642 : i32
      %iota3A_644 = tpu.iota {dimensions = array<i32: 0>} : vector<16xi32>
      %add3A_645 = vector.broadcast %add3A_643 : i32 to vector<16xi32>
      %add3A_646 = arith.addi %add3A_645, %iota3A_644 : vector<16xi32>
      %ge3A_647 = arith.constant 10240 : i32
      %ge3A_648 = vector.broadcast %ge3A_647 : i32 to vector<16xi32>
      %ge3A_649 = arith.cmpi sge, %add3A_646, %ge3A_648 : vector<16xi32>
      %sub3A_650 = arith.constant 128 : i32
      %sub3A_651 = vector.broadcast %sub3A_650 : i32 to vector<16xi32>
      %sub3A_652 = arith.subi %add3A_646, %sub3A_651 : vector<16xi32>
      %select_n3A_653 = arith.select %ge3A_649, %sub3A_652, %add3A_646 : vector<16xi1>, vector<16xi32>
      %gather3A_654 = tpu.vector_load_idx %arg9[%select_n3A_653] : memref<10240xi32, #tpu.memory_space<vmem>>[vector<16xi32>], vector<16xi32>,
      %gather3A_655 = tpu.vector_load_idx %arg8[%select_n3A_653] : memref<10240xf32, #tpu.memory_space<vmem>>[vector<16xi32>], vector<16xf32>,
      %swap3A_656 = arith.constant 81 : i32
      %swap3A_657 = arith.index_cast %swap3A_656 : i32 to index
      %swap3A_658 = arith.constant 96 : index
      %swap3A_659 = tpu.vector_load %arg11[%swap3A_657, %swap3A_658] {strides = array<i32>} : memref<83x128xf32, #tpu.memory_space<vmem>>, vector<16xf32>,
      tpu.vector_store %arg11[%swap3A_657, %swap3A_658], %gather3A_655 {strides = array<i32>} : memref<83x128xf32, #tpu.memory_space<vmem>>, vector<16xf32>,
      %mul3A_660 = arith.constant 10000 : i32
      %mul3A_661 = vector.broadcast %mul3A_660 : i32 to vector<16xi32>
      %mul3A_662 = arith.muli %gather3A_654, %mul3A_661 : vector<16xi32>
      %add3A_663 = arith.addi %mul3A_662, %select_n3A_653 : vector<16xi32>
      %swap3A_664 = arith.constant 81 : i32
      %swap3A_665 = arith.index_cast %swap3A_664 : i32 to index
      %swap3A_666 = arith.constant 96 : index
      %swap3A_667 = tpu.vector_load %arg10[%swap3A_665, %swap3A_666] {strides = array<i32>} : memref<83x128xi32, #tpu.memory_space<vmem>>, vector<16xi32>,
      tpu.vector_store %arg10[%swap3A_665, %swap3A_666], %add3A_663 {strides = array<i32>} : memref<83x128xi32, #tpu.memory_space<vmem>>, vector<16xi32>,
      %add3A_668 = arith.constant 128 : i32
      %add3A_669 = arith.addi %mul3A_6, %add3A_668 : i32
      %add3A_670 = arith.constant 112 : i32
      %add3A_671 = arith.addi %add3A_669, %add3A_670 : i32
      %iota3A_672 = tpu.iota {dimensions = array<i32: 0>} : vector<16xi32>
      %add3A_673 = vector.broadcast %add3A_671 : i32 to vector<16xi32>
      %add3A_674 = arith.addi %add3A_673, %iota3A_672 : vector<16xi32>
      %ge3A_675 = arith.constant 10240 : i32
      %ge3A_676 = vector.broadcast %ge3A_675 : i32 to vector<16xi32>
      %ge3A_677 = arith.cmpi sge, %add3A_674, %ge3A_676 : vector<16xi32>
      %sub3A_678 = arith.constant 128 : i32
      %sub3A_679 = vector.broadcast %sub3A_678 : i32 to vector<16xi32>
      %sub3A_680 = arith.subi %add3A_674, %sub3A_679 : vector<16xi32>
      %select_n3A_681 = arith.select %ge3A_677, %sub3A_680, %add3A_674 : vector<16xi1>, vector<16xi32>
      %gather3A_682 = tpu.vector_load_idx %arg9[%select_n3A_681] : memref<10240xi32, #tpu.memory_space<vmem>>[vector<16xi32>], vector<16xi32>,
      %gather3A_683 = tpu.vector_load_idx %arg8[%select_n3A_681] : memref<10240xf32, #tpu.memory_space<vmem>>[vector<16xi32>], vector<16xf32>,
      %swap3A_684 = arith.constant 81 : i32
      %swap3A_685 = arith.index_cast %swap3A_684 : i32 to index
      %swap3A_686 = arith.constant 112 : index
      %swap3A_687 = tpu.vector_load %arg11[%swap3A_685, %swap3A_686] {strides = array<i32>} : memref<83x128xf32, #tpu.memory_space<vmem>>, vector<16xf32>,
      tpu.vector_store %arg11[%swap3A_685, %swap3A_686], %gather3A_683 {strides = array<i32>} : memref<83x128xf32, #tpu.memory_space<vmem>>, vector<16xf32>,
      %mul3A_688 = arith.constant 10000 : i32
      %mul3A_689 = vector.broadcast %mul3A_688 : i32 to vector<16xi32>
      %mul3A_690 = arith.muli %gather3A_682, %mul3A_689 : vector<16xi32>
      %add3A_691 = arith.addi %mul3A_690, %select_n3A_681 : vector<16xi32>
      %swap3A_692 = arith.constant 81 : i32
      %swap3A_693 = arith.index_cast %swap3A_692 : i32 to index
      %swap3A_694 = arith.constant 112 : index
      %swap3A_695 = tpu.vector_load %arg10[%swap3A_693, %swap3A_694] {strides = array<i32>} : memref<83x128xi32, #tpu.memory_space<vmem>>, vector<16xi32>,
      tpu.vector_store %arg10[%swap3A_693, %swap3A_694], %add3A_691 {strides = array<i32>} : memref<83x128xi32, #tpu.memory_space<vmem>>, vector<16xi32>,
      %dma_start3A_696 = arith.constant 81 : i32
      %dma_start3A_697 = arith.constant 81 : i32
      %dma_start3A_698 = arith.constant 0 : i32
      %dma_start3A_699 = tpu.memref_slice %arg11[%dma_start3A_696, %dma_start3A_698] : memref<83x128xf32, #tpu.memory_space<vmem>> -> memref<1x128xf32, #tpu.memory_space<vmem>>
      %dma_start3A_700 = tpu.memref_squeeze %dma_start3A_699 : memref<1x128xf32, #tpu.memory_space<vmem>> -> memref<128xf32, #tpu.memory_space<vmem>>
      %dma_start3A_701 = arith.constant 0 : i32
      %dma_start3A_702 = tpu.memref_slice %arg10[%dma_start3A_697, %dma_start3A_701] : memref<83x128xi32, #tpu.memory_space<vmem>> -> memref<1x128xi32, #tpu.memory_space<vmem>>
      %dma_start3A_703 = tpu.memref_squeeze %dma_start3A_702 : memref<1x128xi32, #tpu.memory_space<vmem>> -> memref<128xi32, #tpu.memory_space<vmem>>
      %dma_start3A_704 = arith.constant 0 : i32
      %dma_start3A_705 = tpu.memref_slice %arg14[%dma_start3A_704] : memref<640000xf32, #tpu.memory_space<vmem_shared>> -> memref<640000xf32, #tpu.memory_space<vmem_shared>>
      tpu.enqueue_indirect_dma source(%dma_start3A_700 : memref<128xf32, #tpu.memory_space<vmem>>) target(%dma_start3A_705 : memref<640000xf32, #tpu.memory_space<vmem_shared>>) offsets(%dma_start3A_703 : memref<128xi32, #tpu.memory_space<vmem>>) semaphore(%arg16 : memref<!tpu.dma_semaphore, #tpu.memory_space<semaphore_mem>>) {add = true}
      %add3A_706 = arith.constant 256 : i32
      %add3A_707 = arith.addi %mul3A_6, %add3A_706 : i32
      %add3A_708 = arith.constant 0 : i32
      %add3A_709 = arith.addi %add3A_707, %add3A_708 : i32
      %iota3A_710 = tpu.iota {dimensions = array<i32: 0>} : vector<16xi32>
      %add3A_711 = vector.broadcast %add3A_709 : i32 to vector<16xi32>
      %add3A_712 = arith.addi %add3A_711, %iota3A_710 : vector<16xi32>
      %ge3A_713 = arith.constant 10240 : i32
      %ge3A_714 = vector.broadcast %ge3A_713 : i32 to vector<16xi32>
      %ge3A_715 = arith.cmpi sge, %add3A_712, %ge3A_714 : vector<16xi32>
      %sub3A_716 = arith.constant 128 : i32
      %sub3A_717 = vector.broadcast %sub3A_716 : i32 to vector<16xi32>
      %sub3A_718 = arith.subi %add3A_712, %sub3A_717 : vector<16xi32>
      %select_n3A_719 = arith.select %ge3A_715, %sub3A_718, %add3A_712 : vector<16xi1>, vector<16xi32>
      %gather3A_720 = tpu.vector_load_idx %arg9[%select_n3A_719] : memref<10240xi32, #tpu.memory_space<vmem>>[vector<16xi32>], vector<16xi32>,
      %gather3A_721 = tpu.vector_load_idx %arg8[%select_n3A_719] : memref<10240xf32, #tpu.memory_space<vmem>>[vector<16xi32>], vector<16xf32>,
      %swap3A_722 = arith.constant 82 : i32
      %swap3A_723 = arith.index_cast %swap3A_722 : i32 to index
      %swap3A_724 = arith.constant 0 : index
      %swap3A_725 = tpu.vector_load %arg11[%swap3A_723, %swap3A_724] {strides = array<i32>} : memref<83x128xf32, #tpu.memory_space<vmem>>, vector<16xf32>,
      tpu.vector_store %arg11[%swap3A_723, %swap3A_724], %gather3A_721 {strides = array<i32>} : memref<83x128xf32, #tpu.memory_space<vmem>>, vector<16xf32>,
      %mul3A_726 = arith.constant 10000 : i32
      %mul3A_727 = vector.broadcast %mul3A_726 : i32 to vector<16xi32>
      %mul3A_728 = arith.muli %gather3A_720, %mul3A_727 : vector<16xi32>
      %add3A_729 = arith.addi %mul3A_728, %select_n3A_719 : vector<16xi32>
      %swap3A_730 = arith.constant 82 : i32
      %swap3A_731 = arith.index_cast %swap3A_730 : i32 to index
      %swap3A_732 = arith.constant 0 : index
      %swap3A_733 = tpu.vector_load %arg10[%swap3A_731, %swap3A_732] {strides = array<i32>} : memref<83x128xi32, #tpu.memory_space<vmem>>, vector<16xi32>,
      tpu.vector_store %arg10[%swap3A_731, %swap3A_732], %add3A_729 {strides = array<i32>} : memref<83x128xi32, #tpu.memory_space<vmem>>, vector<16xi32>,
      %add3A_734 = arith.constant 256 : i32
      %add3A_735 = arith.addi %mul3A_6, %add3A_734 : i32
      %add3A_736 = arith.constant 16 : i32
      %add3A_737 = arith.addi %add3A_735, %add3A_736 : i32
      %iota3A_738 = tpu.iota {dimensions = array<i32: 0>} : vector<16xi32>
      %add3A_739 = vector.broadcast %add3A_737 : i32 to vector<16xi32>
      %add3A_740 = arith.addi %add3A_739, %iota3A_738 : vector<16xi32>
      %ge3A_741 = arith.constant 10240 : i32
      %ge3A_742 = vector.broadcast %ge3A_741 : i32 to vector<16xi32>
      %ge3A_743 = arith.cmpi sge, %add3A_740, %ge3A_742 : vector<16xi32>
      %sub3A_744 = arith.constant 128 : i32
      %sub3A_745 = vector.broadcast %sub3A_744 : i32 to vector<16xi32>
      %sub3A_746 = arith.subi %add3A_740, %sub3A_745 : vector<16xi32>
      %select_n3A_747 = arith.select %ge3A_743, %sub3A_746, %add3A_740 : vector<16xi1>, vector<16xi32>
      %gather3A_748 = tpu.vector_load_idx %arg9[%select_n3A_747] : memref<10240xi32, #tpu.memory_space<vmem>>[vector<16xi32>], vector<16xi32>,
      %gather3A_749 = tpu.vector_load_idx %arg8[%select_n3A_747] : memref<10240xf32, #tpu.memory_space<vmem>>[vector<16xi32>], vector<16xf32>,
      %swap3A_750 = arith.constant 82 : i32
      %swap3A_751 = arith.index_cast %swap3A_750 : i32 to index
      %swap3A_752 = arith.constant 16 : index
      %swap3A_753 = tpu.vector_load %arg11[%swap3A_751, %swap3A_752] {strides = array<i32>} : memref<83x128xf32, #tpu.memory_space<vmem>>, vector<16xf32>,
      tpu.vector_store %arg11[%swap3A_751, %swap3A_752], %gather3A_749 {strides = array<i32>} : memref<83x128xf32, #tpu.memory_space<vmem>>, vector<16xf32>,
      %mul3A_754 = arith.constant 10000 : i32
      %mul3A_755 = vector.broadcast %mul3A_754 : i32 to vector<16xi32>
      %mul3A_756 = arith.muli %gather3A_748, %mul3A_755 : vector<16xi32>
      %add3A_757 = arith.addi %mul3A_756, %select_n3A_747 : vector<16xi32>
      %swap3A_758 = arith.constant 82 : i32
      %swap3A_759 = arith.index_cast %swap3A_758 : i32 to index
      %swap3A_760 = arith.constant 16 : index
      %swap3A_761 = tpu.vector_load %arg10[%swap3A_759, %swap3A_760] {strides = array<i32>} : memref<83x128xi32, #tpu.memory_space<vmem>>, vector<16xi32>,
      tpu.vector_store %arg10[%swap3A_759, %swap3A_760], %add3A_757 {strides = array<i32>} : memref<83x128xi32, #tpu.memory_space<vmem>>, vector<16xi32>,
      %add3A_762 = arith.constant 256 : i32
      %add3A_763 = arith.addi %mul3A_6, %add3A_762 : i32
      %add3A_764 = arith.constant 32 : i32
      %add3A_765 = arith.addi %add3A_763, %add3A_764 : i32
      %iota3A_766 = tpu.iota {dimensions = array<i32: 0>} : vector<16xi32>
      %add3A_767 = vector.broadcast %add3A_765 : i32 to vector<16xi32>
      %add3A_768 = arith.addi %add3A_767, %iota3A_766 : vector<16xi32>
      %ge3A_769 = arith.constant 10240 : i32
      %ge3A_770 = vector.broadcast %ge3A_769 : i32 to vector<16xi32>
      %ge3A_771 = arith.cmpi sge, %add3A_768, %ge3A_770 : vector<16xi32>
      %sub3A_772 = arith.constant 128 : i32
      %sub3A_773 = vector.broadcast %sub3A_772 : i32 to vector<16xi32>
      %sub3A_774 = arith.subi %add3A_768, %sub3A_773 : vector<16xi32>
      %select_n3A_775 = arith.select %ge3A_771, %sub3A_774, %add3A_768 : vector<16xi1>, vector<16xi32>
      %gather3A_776 = tpu.vector_load_idx %arg9[%select_n3A_775] : memref<10240xi32, #tpu.memory_space<vmem>>[vector<16xi32>], vector<16xi32>,
      %gather3A_777 = tpu.vector_load_idx %arg8[%select_n3A_775] : memref<10240xf32, #tpu.memory_space<vmem>>[vector<16xi32>], vector<16xf32>,
      %swap3A_778 = arith.constant 82 : i32
      %swap3A_779 = arith.index_cast %swap3A_778 : i32 to index
      %swap3A_780 = arith.constant 32 : index
      %swap3A_781 = tpu.vector_load %arg11[%swap3A_779, %swap3A_780] {strides = array<i32>} : memref<83x128xf32, #tpu.memory_space<vmem>>, vector<16xf32>,
      tpu.vector_store %arg11[%swap3A_779, %swap3A_780], %gather3A_777 {strides = array<i32>} : memref<83x128xf32, #tpu.memory_space<vmem>>, vector<16xf32>,
      %mul3A_782 = arith.constant 10000 : i32
      %mul3A_783 = vector.broadcast %mul3A_782 : i32 to vector<16xi32>
      %mul3A_784 = arith.muli %gather3A_776, %mul3A_783 : vector<16xi32>
      %add3A_785 = arith.addi %mul3A_784, %select_n3A_775 : vector<16xi32>
      %swap3A_786 = arith.constant 82 : i32
      %swap3A_787 = arith.index_cast %swap3A_786 : i32 to index
      %swap3A_788 = arith.constant 32 : index
      %swap3A_789 = tpu.vector_load %arg10[%swap3A_787, %swap3A_788] {strides = array<i32>} : memref<83x128xi32, #tpu.memory_space<vmem>>, vector<16xi32>,
      tpu.vector_store %arg10[%swap3A_787, %swap3A_788], %add3A_785 {strides = array<i32>} : memref<83x128xi32, #tpu.memory_space<vmem>>, vector<16xi32>,
      %add3A_790 = arith.constant 256 : i32
      %add3A_791 = arith.addi %mul3A_6, %add3A_790 : i32
      %add3A_792 = arith.constant 48 : i32
      %add3A_793 = arith.addi %add3A_791, %add3A_792 : i32
      %iota3A_794 = tpu.iota {dimensions = array<i32: 0>} : vector<16xi32>
      %add3A_795 = vector.broadcast %add3A_793 : i32 to vector<16xi32>
      %add3A_796 = arith.addi %add3A_795, %iota3A_794 : vector<16xi32>
      %ge3A_797 = arith.constant 10240 : i32
      %ge3A_798 = vector.broadcast %ge3A_797 : i32 to vector<16xi32>
      %ge3A_799 = arith.cmpi sge, %add3A_796, %ge3A_798 : vector<16xi32>
      %sub3A_800 = arith.constant 128 : i32
      %sub3A_801 = vector.broadcast %sub3A_800 : i32 to vector<16xi32>
      %sub3A_802 = arith.subi %add3A_796, %sub3A_801 : vector<16xi32>
      %select_n3A_803 = arith.select %ge3A_799, %sub3A_802, %add3A_796 : vector<16xi1>, vector<16xi32>
      %gather3A_804 = tpu.vector_load_idx %arg9[%select_n3A_803] : memref<10240xi32, #tpu.memory_space<vmem>>[vector<16xi32>], vector<16xi32>,
      %gather3A_805 = tpu.vector_load_idx %arg8[%select_n3A_803] : memref<10240xf32, #tpu.memory_space<vmem>>[vector<16xi32>], vector<16xf32>,
      %swap3A_806 = arith.constant 82 : i32
      %swap3A_807 = arith.index_cast %swap3A_806 : i32 to index
      %swap3A_808 = arith.constant 48 : index
      %swap3A_809 = tpu.vector_load %arg11[%swap3A_807, %swap3A_808] {strides = array<i32>} : memref<83x128xf32, #tpu.memory_space<vmem>>, vector<16xf32>,
      tpu.vector_store %arg11[%swap3A_807, %swap3A_808], %gather3A_805 {strides = array<i32>} : memref<83x128xf32, #tpu.memory_space<vmem>>, vector<16xf32>,
      %mul3A_810 = arith.constant 10000 : i32
      %mul3A_811 = vector.broadcast %mul3A_810 : i32 to vector<16xi32>
      %mul3A_812 = arith.muli %gather3A_804, %mul3A_811 : vector<16xi32>
      %add3A_813 = arith.addi %mul3A_812, %select_n3A_803 : vector<16xi32>
      %swap3A_814 = arith.constant 82 : i32
      %swap3A_815 = arith.index_cast %swap3A_814 : i32 to index
      %swap3A_816 = arith.constant 48 : index
      %swap3A_817 = tpu.vector_load %arg10[%swap3A_815, %swap3A_816] {strides = array<i32>} : memref<83x128xi32, #tpu.memory_space<vmem>>, vector<16xi32>,
      tpu.vector_store %arg10[%swap3A_815, %swap3A_816], %add3A_813 {strides = array<i32>} : memref<83x128xi32, #tpu.memory_space<vmem>>, vector<16xi32>,
      %add3A_818 = arith.constant 256 : i32
      %add3A_819 = arith.addi %mul3A_6, %add3A_818 : i32
      %add3A_820 = arith.constant 64 : i32
      %add3A_821 = arith.addi %add3A_819, %add3A_820 : i32
      %iota3A_822 = tpu.iota {dimensions = array<i32: 0>} : vector<16xi32>
      %add3A_823 = vector.broadcast %add3A_821 : i32 to vector<16xi32>
      %add3A_824 = arith.addi %add3A_823, %iota3A_822 : vector<16xi32>
      %ge3A_825 = arith.constant 10240 : i32
      %ge3A_826 = vector.broadcast %ge3A_825 : i32 to vector<16xi32>
      %ge3A_827 = arith.cmpi sge, %add3A_824, %ge3A_826 : vector<16xi32>
      %sub3A_828 = arith.constant 128 : i32
      %sub3A_829 = vector.broadcast %sub3A_828 : i32 to vector<16xi32>
      %sub3A_830 = arith.subi %add3A_824, %sub3A_829 : vector<16xi32>
      %select_n3A_831 = arith.select %ge3A_827, %sub3A_830, %add3A_824 : vector<16xi1>, vector<16xi32>
      %gather3A_832 = tpu.vector_load_idx %arg9[%select_n3A_831] : memref<10240xi32, #tpu.memory_space<vmem>>[vector<16xi32>], vector<16xi32>,
      %gather3A_833 = tpu.vector_load_idx %arg8[%select_n3A_831] : memref<10240xf32, #tpu.memory_space<vmem>>[vector<16xi32>], vector<16xf32>,
      %swap3A_834 = arith.constant 82 : i32
      %swap3A_835 = arith.index_cast %swap3A_834 : i32 to index
      %swap3A_836 = arith.constant 64 : index
      %swap3A_837 = tpu.vector_load %arg11[%swap3A_835, %swap3A_836] {strides = array<i32>} : memref<83x128xf32, #tpu.memory_space<vmem>>, vector<16xf32>,
      tpu.vector_store %arg11[%swap3A_835, %swap3A_836], %gather3A_833 {strides = array<i32>} : memref<83x128xf32, #tpu.memory_space<vmem>>, vector<16xf32>,
      %mul3A_838 = arith.constant 10000 : i32
      %mul3A_839 = vector.broadcast %mul3A_838 : i32 to vector<16xi32>
      %mul3A_840 = arith.muli %gather3A_832, %mul3A_839 : vector<16xi32>
      %add3A_841 = arith.addi %mul3A_840, %select_n3A_831 : vector<16xi32>
      %swap3A_842 = arith.constant 82 : i32
      %swap3A_843 = arith.index_cast %swap3A_842 : i32 to index
      %swap3A_844 = arith.constant 64 : index
      %swap3A_845 = tpu.vector_load %arg10[%swap3A_843, %swap3A_844] {strides = array<i32>} : memref<83x128xi32, #tpu.memory_space<vmem>>, vector<16xi32>,
      tpu.vector_store %arg10[%swap3A_843, %swap3A_844], %add3A_841 {strides = array<i32>} : memref<83x128xi32, #tpu.memory_space<vmem>>, vector<16xi32>,
      %add3A_846 = arith.constant 256 : i32
      %add3A_847 = arith.addi %mul3A_6, %add3A_846 : i32
      %add3A_848 = arith.constant 80 : i32
      %add3A_849 = arith.addi %add3A_847, %add3A_848 : i32
      %iota3A_850 = tpu.iota {dimensions = array<i32: 0>} : vector<16xi32>
      %add3A_851 = vector.broadcast %add3A_849 : i32 to vector<16xi32>
      %add3A_852 = arith.addi %add3A_851, %iota3A_850 : vector<16xi32>
      %ge3A_853 = arith.constant 10240 : i32
      %ge3A_854 = vector.broadcast %ge3A_853 : i32 to vector<16xi32>
      %ge3A_855 = arith.cmpi sge, %add3A_852, %ge3A_854 : vector<16xi32>
      %sub3A_856 = arith.constant 128 : i32
      %sub3A_857 = vector.broadcast %sub3A_856 : i32 to vector<16xi32>
      %sub3A_858 = arith.subi %add3A_852, %sub3A_857 : vector<16xi32>
      %select_n3A_859 = arith.select %ge3A_855, %sub3A_858, %add3A_852 : vector<16xi1>, vector<16xi32>
      %gather3A_860 = tpu.vector_load_idx %arg9[%select_n3A_859] : memref<10240xi32, #tpu.memory_space<vmem>>[vector<16xi32>], vector<16xi32>,
      %gather3A_861 = tpu.vector_load_idx %arg8[%select_n3A_859] : memref<10240xf32, #tpu.memory_space<vmem>>[vector<16xi32>], vector<16xf32>,
      %swap3A_862 = arith.constant 82 : i32
      %swap3A_863 = arith.index_cast %swap3A_862 : i32 to index
      %swap3A_864 = arith.constant 80 : index
      %swap3A_865 = tpu.vector_load %arg11[%swap3A_863, %swap3A_864] {strides = array<i32>} : memref<83x128xf32, #tpu.memory_space<vmem>>, vector<16xf32>,
      tpu.vector_store %arg11[%swap3A_863, %swap3A_864], %gather3A_861 {strides = array<i32>} : memref<83x128xf32, #tpu.memory_space<vmem>>, vector<16xf32>,
      %mul3A_866 = arith.constant 10000 : i32
      %mul3A_867 = vector.broadcast %mul3A_866 : i32 to vector<16xi32>
      %mul3A_868 = arith.muli %gather3A_860, %mul3A_867 : vector<16xi32>
      %add3A_869 = arith.addi %mul3A_868, %select_n3A_859 : vector<16xi32>
      %swap3A_870 = arith.constant 82 : i32
      %swap3A_871 = arith.index_cast %swap3A_870 : i32 to index
      %swap3A_872 = arith.constant 80 : index
      %swap3A_873 = tpu.vector_load %arg10[%swap3A_871, %swap3A_872] {strides = array<i32>} : memref<83x128xi32, #tpu.memory_space<vmem>>, vector<16xi32>,
      tpu.vector_store %arg10[%swap3A_871, %swap3A_872], %add3A_869 {strides = array<i32>} : memref<83x128xi32, #tpu.memory_space<vmem>>, vector<16xi32>,
      %add3A_874 = arith.constant 256 : i32
      %add3A_875 = arith.addi %mul3A_6, %add3A_874 : i32
      %add3A_876 = arith.constant 96 : i32
      %add3A_877 = arith.addi %add3A_875, %add3A_876 : i32
      %iota3A_878 = tpu.iota {dimensions = array<i32: 0>} : vector<16xi32>
      %add3A_879 = vector.broadcast %add3A_877 : i32 to vector<16xi32>
      %add3A_880 = arith.addi %add3A_879, %iota3A_878 : vector<16xi32>
      %ge3A_881 = arith.constant 10240 : i32
      %ge3A_882 = vector.broadcast %ge3A_881 : i32 to vector<16xi32>
      %ge3A_883 = arith.cmpi sge, %add3A_880, %ge3A_882 : vector<16xi32>
      %sub3A_884 = arith.constant 128 : i32
      %sub3A_885 = vector.broadcast %sub3A_884 : i32 to vector<16xi32>
      %sub3A_886 = arith.subi %add3A_880, %sub3A_885 : vector<16xi32>
      %select_n3A_887 = arith.select %ge3A_883, %sub3A_886, %add3A_880 : vector<16xi1>, vector<16xi32>
      %gather3A_888 = tpu.vector_load_idx %arg9[%select_n3A_887] : memref<10240xi32, #tpu.memory_space<vmem>>[vector<16xi32>], vector<16xi32>,
      %gather3A_889 = tpu.vector_load_idx %arg8[%select_n3A_887] : memref<10240xf32, #tpu.memory_space<vmem>>[vector<16xi32>], vector<16xf32>,
      %swap3A_890 = arith.constant 82 : i32
      %swap3A_891 = arith.index_cast %swap3A_890 : i32 to index
      %swap3A_892 = arith.constant 96 : index
      %swap3A_893 = tpu.vector_load %arg11[%swap3A_891, %swap3A_892] {strides = array<i32>} : memref<83x128xf32, #tpu.memory_space<vmem>>, vector<16xf32>,
      tpu.vector_store %arg11[%swap3A_891, %swap3A_892], %gather3A_889 {strides = array<i32>} : memref<83x128xf32, #tpu.memory_space<vmem>>, vector<16xf32>,
      %mul3A_894 = arith.constant 10000 : i32
      %mul3A_895 = vector.broadcast %mul3A_894 : i32 to vector<16xi32>
      %mul3A_896 = arith.muli %gather3A_888, %mul3A_895 : vector<16xi32>
      %add3A_897 = arith.addi %mul3A_896, %select_n3A_887 : vector<16xi32>
      %swap3A_898 = arith.constant 82 : i32
      %swap3A_899 = arith.index_cast %swap3A_898 : i32 to index
      %swap3A_900 = arith.constant 96 : index
      %swap3A_901 = tpu.vector_load %arg10[%swap3A_899, %swap3A_900] {strides = array<i32>} : memref<83x128xi32, #tpu.memory_space<vmem>>, vector<16xi32>,
      tpu.vector_store %arg10[%swap3A_899, %swap3A_900], %add3A_897 {strides = array<i32>} : memref<83x128xi32, #tpu.memory_space<vmem>>, vector<16xi32>,
      %add3A_902 = arith.constant 256 : i32
      %add3A_903 = arith.addi %mul3A_6, %add3A_902 : i32
      %add3A_904 = arith.constant 112 : i32
      %add3A_905 = arith.addi %add3A_903, %add3A_904 : i32
      %iota3A_906 = tpu.iota {dimensions = array<i32: 0>} : vector<16xi32>
      %add3A_907 = vector.broadcast %add3A_905 : i32 to vector<16xi32>
      %add3A_908 = arith.addi %add3A_907, %iota3A_906 : vector<16xi32>
      %ge3A_909 = arith.constant 10240 : i32
      %ge3A_910 = vector.broadcast %ge3A_909 : i32 to vector<16xi32>
      %ge3A_911 = arith.cmpi sge, %add3A_908, %ge3A_910 : vector<16xi32>
      %sub3A_912 = arith.constant 128 : i32
      %sub3A_913 = vector.broadcast %sub3A_912 : i32 to vector<16xi32>
      %sub3A_914 = arith.subi %add3A_908, %sub3A_913 : vector<16xi32>
      %select_n3A_915 = arith.select %ge3A_911, %sub3A_914, %add3A_908 : vector<16xi1>, vector<16xi32>
      %gather3A_916 = tpu.vector_load_idx %arg9[%select_n3A_915] : memref<10240xi32, #tpu.memory_space<vmem>>[vector<16xi32>], vector<16xi32>,
      %gather3A_917 = tpu.vector_load_idx %arg8[%select_n3A_915] : memref<10240xf32, #tpu.memory_space<vmem>>[vector<16xi32>], vector<16xf32>,
      %swap3A_918 = arith.constant 82 : i32
      %swap3A_919 = arith.index_cast %swap3A_918 : i32 to index
      %swap3A_920 = arith.constant 112 : index
      %swap3A_921 = tpu.vector_load %arg11[%swap3A_919, %swap3A_920] {strides = array<i32>} : memref<83x128xf32, #tpu.memory_space<vmem>>, vector<16xf32>,
      tpu.vector_store %arg11[%swap3A_919, %swap3A_920], %gather3A_917 {strides = array<i32>} : memref<83x128xf32, #tpu.memory_space<vmem>>, vector<16xf32>,
      %mul3A_922 = arith.constant 10000 : i32
      %mul3A_923 = vector.broadcast %mul3A_922 : i32 to vector<16xi32>
      %mul3A_924 = arith.muli %gather3A_916, %mul3A_923 : vector<16xi32>
      %add3A_925 = arith.addi %mul3A_924, %select_n3A_915 : vector<16xi32>
      %swap3A_926 = arith.constant 82 : i32
      %swap3A_927 = arith.index_cast %swap3A_926 : i32 to index
      %swap3A_928 = arith.constant 112 : index
      %swap3A_929 = tpu.vector_load %arg10[%swap3A_927, %swap3A_928] {strides = array<i32>} : memref<83x128xi32, #tpu.memory_space<vmem>>, vector<16xi32>,
      tpu.vector_store %arg10[%swap3A_927, %swap3A_928], %add3A_925 {strides = array<i32>} : memref<83x128xi32, #tpu.memory_space<vmem>>, vector<16xi32>,
      %dma_start3A_930 = arith.constant 82 : i32
      %dma_start3A_931 = arith.constant 82 : i32
      %dma_start3A_932 = arith.constant 0 : i32
      %dma_start3A_933 = tpu.memref_slice %arg11[%dma_start3A_930, %dma_start3A_932] : memref<83x128xf32, #tpu.memory_space<vmem>> -> memref<1x128xf32, #tpu.memory_space<vmem>>
      %dma_start3A_934 = tpu.memref_squeeze %dma_start3A_933 : memref<1x128xf32, #tpu.memory_space<vmem>> -> memref<128xf32, #tpu.memory_space<vmem>>
      %dma_start3A_935 = arith.constant 0 : i32
      %dma_start3A_936 = tpu.memref_slice %arg10[%dma_start3A_931, %dma_start3A_935] : memref<83x128xi32, #tpu.memory_space<vmem>> -> memref<1x128xi32, #tpu.memory_space<vmem>>
      %dma_start3A_937 = tpu.memref_squeeze %dma_start3A_936 : memref<1x128xi32, #tpu.memory_space<vmem>> -> memref<128xi32, #tpu.memory_space<vmem>>
      %dma_start3A_938 = arith.constant 0 : i32
      %dma_start3A_939 = tpu.memref_slice %arg14[%dma_start3A_938] : memref<640000xf32, #tpu.memory_space<vmem_shared>> -> memref<640000xf32, #tpu.memory_space<vmem_shared>>
      tpu.enqueue_indirect_dma source(%dma_start3A_934 : memref<128xf32, #tpu.memory_space<vmem>>) target(%dma_start3A_939 : memref<640000xf32, #tpu.memory_space<vmem_shared>>) offsets(%dma_start3A_937 : memref<128xi32, #tpu.memory_space<vmem>>) semaphore(%arg16 : memref<!tpu.dma_semaphore, #tpu.memory_space<semaphore_mem>>) {add = true}
    } else {
    }
    %add3A_78 = arith.addi %min3A, %select_n3A : i32
    %while3A_79 = arith.constant 0 : i32
    %while3A_80 = arith.constant 0 : i32
    %while3A_81 = arith.subi %add3A_78, %while3A_79 : i32
    %while3A_82 = arith.addi %while3A_79, %while3A_81 : i32
    %while3A_83 = arith.constant 1 : i32
    %while3A_84 = arith.divsi %while3A_81, %while3A_83 : i32
    %while3A_85 = arith.muli %while3A_84, %while3A_83 : i32
    %while3A_86 = arith.addi %while3A_79, %while3A_85 : i32
    %while3A_87 = arith.constant 1 : i32
    %while3A_88 = scf.for %while3A_242 = %while3A_79 to %while3A_86 step %while3A_87 iter_args(%while3A_243 = %while3A_80) -> (i32)  : i32 {
      %dma_wait3A_244 = arith.constant 0 : i32
      %dma_wait3A_245 = arith.constant 0 : i32
      %dma_wait3A_246 = arith.constant 0 : i32
      %dma_wait3A_247 = tpu.memref_slice %arg11[%dma_wait3A_244, %dma_wait3A_246] : memref<83x128xf32, #tpu.memory_space<vmem>> -> memref<1x128xf32, #tpu.memory_space<vmem>>
      %dma_wait3A_248 = tpu.memref_squeeze %dma_wait3A_247 : memref<1x128xf32, #tpu.memory_space<vmem>> -> memref<128xf32, #tpu.memory_space<vmem>>
      %dma_wait3A_249 = arith.constant 0 : i32
      %dma_wait3A_250 = tpu.memref_slice %arg10[%dma_wait3A_245, %dma_wait3A_249] : memref<83x128xi32, #tpu.memory_space<vmem>> -> memref<1x128xi32, #tpu.memory_space<vmem>>
      %dma_wait3A_251 = tpu.memref_squeeze %dma_wait3A_250 : memref<1x128xi32, #tpu.memory_space<vmem>> -> memref<128xi32, #tpu.memory_space<vmem>>
      %dma_wait3A_252 = arith.constant 0 : i32
      %dma_wait3A_253 = tpu.memref_slice %arg14[%dma_wait3A_252] : memref<640000xf32, #tpu.memory_space<vmem_shared>> -> memref<640000xf32, #tpu.memory_space<vmem_shared>>
      tpu.wait_indirect_dma semaphore(%arg16 : memref<!tpu.dma_semaphore, #tpu.memory_space<semaphore_mem>>) src(%dma_wait3A_248 : memref<128xf32, #tpu.memory_space<vmem>>) dst(%dma_wait3A_253 : memref<640000xf32, #tpu.memory_space<vmem_shared>>)
      %while3A_254 = arith.constant 0 : i32
      scf.yield %while3A_254 : i32
    }
    %while3A_89 = arith.constant 1 : i32
    %while3A_90 = scf.for %while3A_242 = %while3A_86 to %while3A_82 step %while3A_89 iter_args(%while3A_243 = %while3A_88) -> (i32)  : i32 {
      %dma_wait3A_244 = arith.constant 0 : i32
      %dma_wait3A_245 = arith.constant 0 : i32
      %dma_wait3A_246 = arith.constant 0 : i32
      %dma_wait3A_247 = tpu.memref_slice %arg11[%dma_wait3A_244, %dma_wait3A_246] : memref<83x128xf32, #tpu.memory_space<vmem>> -> memref<1x128xf32, #tpu.memory_space<vmem>>
      %dma_wait3A_248 = tpu.memref_squeeze %dma_wait3A_247 : memref<1x128xf32, #tpu.memory_space<vmem>> -> memref<128xf32, #tpu.memory_space<vmem>>
      %dma_wait3A_249 = arith.constant 0 : i32
      %dma_wait3A_250 = tpu.memref_slice %arg10[%dma_wait3A_245, %dma_wait3A_249] : memref<83x128xi32, #tpu.memory_space<vmem>> -> memref<1x128xi32, #tpu.memory_space<vmem>>
      %dma_wait3A_251 = tpu.memref_squeeze %dma_wait3A_250 : memref<1x128xi32, #tpu.memory_space<vmem>> -> memref<128xi32, #tpu.memory_space<vmem>>
      %dma_wait3A_252 = arith.constant 0 : i32
      %dma_wait3A_253 = tpu.memref_slice %arg14[%dma_wait3A_252] : memref<640000xf32, #tpu.memory_space<vmem_shared>> -> memref<640000xf32, #tpu.memory_space<vmem_shared>>
      tpu.wait_indirect_dma semaphore(%arg16 : memref<!tpu.dma_semaphore, #tpu.memory_space<semaphore_mem>>) src(%dma_wait3A_248 : memref<128xf32, #tpu.memory_space<vmem>>) dst(%dma_wait3A_253 : memref<640000xf32, #tpu.memory_space<vmem_shared>>)
      %while3A_254 = arith.constant 0 : i32
      scf.yield %while3A_254 : i32
    }
    %barrier3A_91 = arith.constant 0 : index
    tpu.barrier barrier_id(%barrier3A_91)
    %mul3A_92 = arith.constant 40000 : i32
    %mul3A_93 = arith.muli %arg1, %mul3A_92 : i32
    %add3A_94 = arith.constant 0 : i32
    %add3A_95 = arith.addi %mul3A_93, %add3A_94 : i32
    %dma_start3A_96 = tpu.memref_slice %arg14[%add3A_95] : memref<640000xf32, #tpu.memory_space<vmem_shared>> -> memref<8000xf32, #tpu.memory_space<vmem_shared>>
    %dma_start3A_97 = tpu.memref_slice %arg14[%add3A_95] : memref<640000xf32, #tpu.memory_space<vmem_shared>> -> memref<8000xf32, #tpu.memory_space<vmem_shared>>
    tpu.enqueue_dma source(%dma_start3A_97 : memref<8000xf32, #tpu.memory_space<vmem_shared>>) target(%arg12 : memref<8000xf32, #tpu.memory_space<vmem>>) target_semaphore(%arg15 : memref<!tpu.dma_semaphore, #tpu.memory_space<semaphore_mem>>)
    %mul3A_98 = arith.constant 40000 : i32
    %mul3A_99 = arith.muli %arg1, %mul3A_98 : i32
    %add3A_100 = arith.constant 8000 : i32
    %add3A_101 = arith.addi %mul3A_99, %add3A_100 : i32
    %dma_start3A_102 = tpu.memref_slice %arg14[%add3A_101] : memref<640000xf32, #tpu.memory_space<vmem_shared>> -> memref<8000xf32, #tpu.memory_space<vmem_shared>>
    %dma_start3A_103 = tpu.memref_slice %arg14[%add3A_101] : memref<640000xf32, #tpu.memory_space<vmem_shared>> -> memref<8000xf32, #tpu.memory_space<vmem_shared>>
    tpu.enqueue_dma source(%dma_start3A_103 : memref<8000xf32, #tpu.memory_space<vmem_shared>>) target(%arg13 : memref<8000xf32, #tpu.memory_space<vmem>>) target_semaphore(%arg18 : memref<!tpu.dma_semaphore, #tpu.memory_space<semaphore_mem>>)
    %mul3A_104 = arith.constant 40000 : i32
    %mul3A_105 = arith.muli %arg1, %mul3A_104 : i32
    %add3A_106 = arith.constant 0 : i32
    %add3A_107 = arith.addi %mul3A_105, %add3A_106 : i32
    %dma_wait3A_108 = tpu.memref_slice %arg14[%add3A_107] : memref<640000xf32, #tpu.memory_space<vmem_shared>> -> memref<8000xf32, #tpu.memory_space<vmem_shared>>
    %dma_wait3A_109 = tpu.memref_slice %arg14[%add3A_107] : memref<640000xf32, #tpu.memory_space<vmem_shared>> -> memref<8000xf32, #tpu.memory_space<vmem_shared>>
    tpu.wait_dma2 semaphore(%arg15 : memref<!tpu.dma_semaphore, #tpu.memory_space<semaphore_mem>>) src(%dma_wait3A_109 : memref<8000xf32, #tpu.memory_space<vmem_shared>>) dst(%arg12 : memref<8000xf32, #tpu.memory_space<vmem>>)
    %mul3A_110 = arith.constant 640000 : i32
    %mul3A_111 = arith.muli %arg0, %mul3A_110 : i32
    %mul3A_112 = arith.constant 40000 : i32
    %mul3A_113 = arith.muli %arg1, %mul3A_112 : i32
    %add3A_114 = arith.addi %mul3A_111, %mul3A_113 : i32
    %add3A_115 = arith.constant 0 : i32
    %add3A_116 = arith.addi %add3A_114, %add3A_115 : i32
    %dma_start3A_117 = tpu.memref_slice %arg5[%add3A_116] : memref<1280000xf32, #tpu.memory_space<hbm>> -> memref<8000xf32, #tpu.memory_space<hbm>>
    %dma_start3A_118 = tpu.memref_slice %arg5[%add3A_116] : memref<1280000xf32, #tpu.memory_space<hbm>> -> memref<8000xf32, #tpu.memory_space<hbm>>
    tpu.enqueue_dma source(%arg12 : memref<8000xf32, #tpu.memory_space<vmem>>) target(%dma_start3A_118 : memref<8000xf32, #tpu.memory_space<hbm>>) target_semaphore(%arg19 : memref<!tpu.dma_semaphore, #tpu.memory_space<semaphore_mem>>)
    %mul3A_119 = arith.constant 640000 : i32
    %mul3A_120 = arith.muli %arg0, %mul3A_119 : i32
    %mul3A_121 = arith.constant 40000 : i32
    %mul3A_122 = arith.muli %arg1, %mul3A_121 : i32
    %add3A_123 = arith.addi %mul3A_120, %mul3A_122 : i32
    %add3A_124 = arith.constant 0 : i32
    %add3A_125 = arith.addi %add3A_123, %add3A_124 : i32
    %dma_wait3A_126 = tpu.memref_slice %arg5[%add3A_125] : memref<1280000xf32, #tpu.memory_space<hbm>> -> memref<8000xf32, #tpu.memory_space<hbm>>
    %dma_wait3A_127 = tpu.memref_slice %arg5[%add3A_125] : memref<1280000xf32, #tpu.memory_space<hbm>> -> memref<8000xf32, #tpu.memory_space<hbm>>
    tpu.wait_dma2 semaphore(%arg19 : memref<!tpu.dma_semaphore, #tpu.memory_space<semaphore_mem>>) src(%arg12 : memref<8000xf32, #tpu.memory_space<vmem>>) dst(%dma_wait3A_127 : memref<8000xf32, #tpu.memory_space<hbm>>)
    %mul3A_128 = arith.constant 40000 : i32
    %mul3A_129 = arith.muli %arg1, %mul3A_128 : i32
    %add3A_130 = arith.constant 16000 : i32
    %add3A_131 = arith.addi %mul3A_129, %add3A_130 : i32
    %dma_start3A_132 = tpu.memref_slice %arg14[%add3A_131] : memref<640000xf32, #tpu.memory_space<vmem_shared>> -> memref<8000xf32, #tpu.memory_space<vmem_shared>>
    %dma_start3A_133 = tpu.memref_slice %arg14[%add3A_131] : memref<640000xf32, #tpu.memory_space<vmem_shared>> -> memref<8000xf32, #tpu.memory_space<vmem_shared>>
    tpu.enqueue_dma source(%dma_start3A_133 : memref<8000xf32, #tpu.memory_space<vmem_shared>>) target(%arg12 : memref<8000xf32, #tpu.memory_space<vmem>>) target_semaphore(%arg15 : memref<!tpu.dma_semaphore, #tpu.memory_space<semaphore_mem>>)
    %mul3A_134 = arith.constant 40000 : i32
    %mul3A_135 = arith.muli %arg1, %mul3A_134 : i32
    %add3A_136 = arith.constant 8000 : i32
    %add3A_137 = arith.addi %mul3A_135, %add3A_136 : i32
    %dma_wait3A_138 = tpu.memref_slice %arg14[%add3A_137] : memref<640000xf32, #tpu.memory_space<vmem_shared>> -> memref<8000xf32, #tpu.memory_space<vmem_shared>>
    %dma_wait3A_139 = tpu.memref_slice %arg14[%add3A_137] : memref<640000xf32, #tpu.memory_space<vmem_shared>> -> memref<8000xf32, #tpu.memory_space<vmem_shared>>
    tpu.wait_dma2 semaphore(%arg18 : memref<!tpu.dma_semaphore, #tpu.memory_space<semaphore_mem>>) src(%dma_wait3A_139 : memref<8000xf32, #tpu.memory_space<vmem_shared>>) dst(%arg13 : memref<8000xf32, #tpu.memory_space<vmem>>)
    %mul3A_140 = arith.constant 640000 : i32
    %mul3A_141 = arith.muli %arg0, %mul3A_140 : i32
    %mul3A_142 = arith.constant 40000 : i32
    %mul3A_143 = arith.muli %arg1, %mul3A_142 : i32
    %add3A_144 = arith.addi %mul3A_141, %mul3A_143 : i32
    %add3A_145 = arith.constant 8000 : i32
    %add3A_146 = arith.addi %add3A_144, %add3A_145 : i32
    %dma_start3A_147 = tpu.memref_slice %arg5[%add3A_146] : memref<1280000xf32, #tpu.memory_space<hbm>> -> memref<8000xf32, #tpu.memory_space<hbm>>
    %dma_start3A_148 = tpu.memref_slice %arg5[%add3A_146] : memref<1280000xf32, #tpu.memory_space<hbm>> -> memref<8000xf32, #tpu.memory_space<hbm>>
    tpu.enqueue_dma source(%arg13 : memref<8000xf32, #tpu.memory_space<vmem>>) target(%dma_start3A_148 : memref<8000xf32, #tpu.memory_space<hbm>>) target_semaphore(%arg20 : memref<!tpu.dma_semaphore, #tpu.memory_space<semaphore_mem>>)
    %mul3A_149 = arith.constant 640000 : i32
    %mul3A_150 = arith.muli %arg0, %mul3A_149 : i32
    %mul3A_151 = arith.constant 40000 : i32
    %mul3A_152 = arith.muli %arg1, %mul3A_151 : i32
    %add3A_153 = arith.addi %mul3A_150, %mul3A_152 : i32
    %add3A_154 = arith.constant 8000 : i32
    %add3A_155 = arith.addi %add3A_153, %add3A_154 : i32
    %dma_wait3A_156 = tpu.memref_slice %arg5[%add3A_155] : memref<1280000xf32, #tpu.memory_space<hbm>> -> memref<8000xf32, #tpu.memory_space<hbm>>
    %dma_wait3A_157 = tpu.memref_slice %arg5[%add3A_155] : memref<1280000xf32, #tpu.memory_space<hbm>> -> memref<8000xf32, #tpu.memory_space<hbm>>
    tpu.wait_dma2 semaphore(%arg20 : memref<!tpu.dma_semaphore, #tpu.memory_space<semaphore_mem>>) src(%arg13 : memref<8000xf32, #tpu.memory_space<vmem>>) dst(%dma_wait3A_157 : memref<8000xf32, #tpu.memory_space<hbm>>)
    %mul3A_158 = arith.constant 40000 : i32
    %mul3A_159 = arith.muli %arg1, %mul3A_158 : i32
    %add3A_160 = arith.constant 24000 : i32
    %add3A_161 = arith.addi %mul3A_159, %add3A_160 : i32
    %dma_start3A_162 = tpu.memref_slice %arg14[%add3A_161] : memref<640000xf32, #tpu.memory_space<vmem_shared>> -> memref<8000xf32, #tpu.memory_space<vmem_shared>>
    %dma_start3A_163 = tpu.memref_slice %arg14[%add3A_161] : memref<640000xf32, #tpu.memory_space<vmem_shared>> -> memref<8000xf32, #tpu.memory_space<vmem_shared>>
    tpu.enqueue_dma source(%dma_start3A_163 : memref<8000xf32, #tpu.memory_space<vmem_shared>>) target(%arg13 : memref<8000xf32, #tpu.memory_space<vmem>>) target_semaphore(%arg18 : memref<!tpu.dma_semaphore, #tpu.memory_space<semaphore_mem>>)
    %mul3A_164 = arith.constant 40000 : i32
    %mul3A_165 = arith.muli %arg1, %mul3A_164 : i32
    %add3A_166 = arith.constant 16000 : i32
    %add3A_167 = arith.addi %mul3A_165, %add3A_166 : i32
    %dma_wait3A_168 = tpu.memref_slice %arg14[%add3A_167] : memref<640000xf32, #tpu.memory_space<vmem_shared>> -> memref<8000xf32, #tpu.memory_space<vmem_shared>>
    %dma_wait3A_169 = tpu.memref_slice %arg14[%add3A_167] : memref<640000xf32, #tpu.memory_space<vmem_shared>> -> memref<8000xf32, #tpu.memory_space<vmem_shared>>
    tpu.wait_dma2 semaphore(%arg15 : memref<!tpu.dma_semaphore, #tpu.memory_space<semaphore_mem>>) src(%dma_wait3A_169 : memref<8000xf32, #tpu.memory_space<vmem_shared>>) dst(%arg12 : memref<8000xf32, #tpu.memory_space<vmem>>)
    %mul3A_170 = arith.constant 640000 : i32
    %mul3A_171 = arith.muli %arg0, %mul3A_170 : i32
    %mul3A_172 = arith.constant 40000 : i32
    %mul3A_173 = arith.muli %arg1, %mul3A_172 : i32
    %add3A_174 = arith.addi %mul3A_171, %mul3A_173 : i32
    %add3A_175 = arith.constant 16000 : i32
    %add3A_176 = arith.addi %add3A_174, %add3A_175 : i32
    %dma_start3A_177 = tpu.memref_slice %arg5[%add3A_176] : memref<1280000xf32, #tpu.memory_space<hbm>> -> memref<8000xf32, #tpu.memory_space<hbm>>
    %dma_start3A_178 = tpu.memref_slice %arg5[%add3A_176] : memref<1280000xf32, #tpu.memory_space<hbm>> -> memref<8000xf32, #tpu.memory_space<hbm>>
    tpu.enqueue_dma source(%arg12 : memref<8000xf32, #tpu.memory_space<vmem>>) target(%dma_start3A_178 : memref<8000xf32, #tpu.memory_space<hbm>>) target_semaphore(%arg19 : memref<!tpu.dma_semaphore, #tpu.memory_space<semaphore_mem>>)
    %mul3A_179 = arith.constant 640000 : i32
    %mul3A_180 = arith.muli %arg0, %mul3A_179 : i32
    %mul3A_181 = arith.constant 40000 : i32
    %mul3A_182 = arith.muli %arg1, %mul3A_181 : i32
    %add3A_183 = arith.addi %mul3A_180, %mul3A_182 : i32
    %add3A_184 = arith.constant 16000 : i32
    %add3A_185 = arith.addi %add3A_183, %add3A_184 : i32
    %dma_wait3A_186 = tpu.memref_slice %arg5[%add3A_185] : memref<1280000xf32, #tpu.memory_space<hbm>> -> memref<8000xf32, #tpu.memory_space<hbm>>
    %dma_wait3A_187 = tpu.memref_slice %arg5[%add3A_185] : memref<1280000xf32, #tpu.memory_space<hbm>> -> memref<8000xf32, #tpu.memory_space<hbm>>
    tpu.wait_dma2 semaphore(%arg19 : memref<!tpu.dma_semaphore, #tpu.memory_space<semaphore_mem>>) src(%arg12 : memref<8000xf32, #tpu.memory_space<vmem>>) dst(%dma_wait3A_187 : memref<8000xf32, #tpu.memory_space<hbm>>)
    %mul3A_188 = arith.constant 40000 : i32
    %mul3A_189 = arith.muli %arg1, %mul3A_188 : i32
    %add3A_190 = arith.constant 32000 : i32
    %add3A_191 = arith.addi %mul3A_189, %add3A_190 : i32
    %dma_start3A_192 = tpu.memref_slice %arg14[%add3A_191] : memref<640000xf32, #tpu.memory_space<vmem_shared>> -> memref<8000xf32, #tpu.memory_space<vmem_shared>>
    %dma_start3A_193 = tpu.memref_slice %arg14[%add3A_191] : memref<640000xf32, #tpu.memory_space<vmem_shared>> -> memref<8000xf32, #tpu.memory_space<vmem_shared>>
    tpu.enqueue_dma source(%dma_start3A_193 : memref<8000xf32, #tpu.memory_space<vmem_shared>>) target(%arg12 : memref<8000xf32, #tpu.memory_space<vmem>>) target_semaphore(%arg15 : memref<!tpu.dma_semaphore, #tpu.memory_space<semaphore_mem>>)
    %mul3A_194 = arith.constant 40000 : i32
    %mul3A_195 = arith.muli %arg1, %mul3A_194 : i32
    %add3A_196 = arith.constant 24000 : i32
    %add3A_197 = arith.addi %mul3A_195, %add3A_196 : i32
    %dma_wait3A_198 = tpu.memref_slice %arg14[%add3A_197] : memref<640000xf32, #tpu.memory_space<vmem_shared>> -> memref<8000xf32, #tpu.memory_space<vmem_shared>>
    %dma_wait3A_199 = tpu.memref_slice %arg14[%add3A_197] : memref<640000xf32, #tpu.memory_space<vmem_shared>> -> memref<8000xf32, #tpu.memory_space<vmem_shared>>
    tpu.wait_dma2 semaphore(%arg18 : memref<!tpu.dma_semaphore, #tpu.memory_space<semaphore_mem>>) src(%dma_wait3A_199 : memref<8000xf32, #tpu.memory_space<vmem_shared>>) dst(%arg13 : memref<8000xf32, #tpu.memory_space<vmem>>)
    %mul3A_200 = arith.constant 640000 : i32
    %mul3A_201 = arith.muli %arg0, %mul3A_200 : i32
    %mul3A_202 = arith.constant 40000 : i32
    %mul3A_203 = arith.muli %arg1, %mul3A_202 : i32
    %add3A_204 = arith.addi %mul3A_201, %mul3A_203 : i32
    %add3A_205 = arith.constant 24000 : i32
    %add3A_206 = arith.addi %add3A_204, %add3A_205 : i32
    %dma_start3A_207 = tpu.memref_slice %arg5[%add3A_206] : memref<1280000xf32, #tpu.memory_space<hbm>> -> memref<8000xf32, #tpu.memory_space<hbm>>
    %dma_start3A_208 = tpu.memref_slice %arg5[%add3A_206] : memref<1280000xf32, #tpu.memory_space<hbm>> -> memref<8000xf32, #tpu.memory_space<hbm>>
    tpu.enqueue_dma source(%arg13 : memref<8000xf32, #tpu.memory_space<vmem>>) target(%dma_start3A_208 : memref<8000xf32, #tpu.memory_space<hbm>>) target_semaphore(%arg20 : memref<!tpu.dma_semaphore, #tpu.memory_space<semaphore_mem>>)
    %mul3A_209 = arith.constant 40000 : i32
    %mul3A_210 = arith.muli %arg1, %mul3A_209 : i32
    %add3A_211 = arith.constant 32000 : i32
    %add3A_212 = arith.addi %mul3A_210, %add3A_211 : i32
    %dma_wait3A_213 = tpu.memref_slice %arg14[%add3A_212] : memref<640000xf32, #tpu.memory_space<vmem_shared>> -> memref<8000xf32, #tpu.memory_space<vmem_shared>>
    %dma_wait3A_214 = tpu.memref_slice %arg14[%add3A_212] : memref<640000xf32, #tpu.memory_space<vmem_shared>> -> memref<8000xf32, #tpu.memory_space<vmem_shared>>
    tpu.wait_dma2 semaphore(%arg15 : memref<!tpu.dma_semaphore, #tpu.memory_space<semaphore_mem>>) src(%dma_wait3A_214 : memref<8000xf32, #tpu.memory_space<vmem_shared>>) dst(%arg12 : memref<8000xf32, #tpu.memory_space<vmem>>)
    %mul3A_215 = arith.constant 640000 : i32
    %mul3A_216 = arith.muli %arg0, %mul3A_215 : i32
    %mul3A_217 = arith.constant 40000 : i32
    %mul3A_218 = arith.muli %arg1, %mul3A_217 : i32
    %add3A_219 = arith.addi %mul3A_216, %mul3A_218 : i32
    %add3A_220 = arith.constant 32000 : i32
    %add3A_221 = arith.addi %add3A_219, %add3A_220 : i32
    %dma_start3A_222 = tpu.memref_slice %arg5[%add3A_221] : memref<1280000xf32, #tpu.memory_space<hbm>> -> memref<8000xf32, #tpu.memory_space<hbm>>
    %dma_start3A_223 = tpu.memref_slice %arg5[%add3A_221] : memref<1280000xf32, #tpu.memory_space<hbm>> -> memref<8000xf32, #tpu.memory_space<hbm>>
    tpu.enqueue_dma source(%arg12 : memref<8000xf32, #tpu.memory_space<vmem>>) target(%dma_start3A_223 : memref<8000xf32, #tpu.memory_space<hbm>>) target_semaphore(%arg19 : memref<!tpu.dma_semaphore, #tpu.memory_space<semaphore_mem>>)
    %mul3A_224 = arith.constant 640000 : i32
    %mul3A_225 = arith.muli %arg0, %mul3A_224 : i32
    %mul3A_226 = arith.constant 40000 : i32
    %mul3A_227 = arith.muli %arg1, %mul3A_226 : i32
    %add3A_228 = arith.addi %mul3A_225, %mul3A_227 : i32
    %add3A_229 = arith.constant 24000 : i32
    %add3A_230 = arith.addi %add3A_228, %add3A_229 : i32
    %dma_wait3A_231 = tpu.memref_slice %arg5[%add3A_230] : memref<1280000xf32, #tpu.memory_space<hbm>> -> memref<8000xf32, #tpu.memory_space<hbm>>
    %dma_wait3A_232 = tpu.memref_slice %arg5[%add3A_230] : memref<1280000xf32, #tpu.memory_space<hbm>> -> memref<8000xf32, #tpu.memory_space<hbm>>
    tpu.wait_dma2 semaphore(%arg20 : memref<!tpu.dma_semaphore, #tpu.memory_space<semaphore_mem>>) src(%arg13 : memref<8000xf32, #tpu.memory_space<vmem>>) dst(%dma_wait3A_232 : memref<8000xf32, #tpu.memory_space<hbm>>)
    %mul3A_233 = arith.constant 640000 : i32
    %mul3A_234 = arith.muli %arg0, %mul3A_233 : i32
    %mul3A_235 = arith.constant 40000 : i32
    %mul3A_236 = arith.muli %arg1, %mul3A_235 : i32
    %add3A_237 = arith.addi %mul3A_234, %mul3A_236 : i32
    %add3A_238 = arith.constant 32000 : i32
    %add3A_239 = arith.addi %add3A_237, %add3A_238 : i32
    %dma_wait3A_240 = tpu.memref_slice %arg5[%add3A_239] : memref<1280000xf32, #tpu.memory_space<hbm>> -> memref<8000xf32, #tpu.memory_space<hbm>>
    %dma_wait3A_241 = tpu.memref_slice %arg5[%add3A_239] : memref<1280000xf32, #tpu.memory_space<hbm>> -> memref<8000xf32, #tpu.memory_space<hbm>>
    tpu.wait_dma2 semaphore(%arg19 : memref<!tpu.dma_semaphore, #tpu.memory_space<semaphore_mem>>) src(%arg12 : memref<8000xf32, #tpu.memory_space<vmem>>) dst(%dma_wait3A_241 : memref<8000xf32, #tpu.memory_space<hbm>>)
    return
  }
}

#map = affine_map<(d0, d1) -> (0, 0, 0)>
#map1 = affine_map<(d0, d1) -> (0)>
module attributes {stable_mosaic.version = 14 : i64} {
  func.func @k(%arg0: i32, %arg1: i32, %arg2: memref<2x2560x128xi32, #tpu.memory_space<hbm>>, %arg3: memref<20480xf32, #tpu.memory_space<hbm>>, %arg4: memref<80x128xi32, #tpu.memory_space<vmem>>, %arg5: memref<128xf32, #tpu.memory_space<vmem>>, %arg6: memref<640xf32, #tpu.memory_space<vmem>>, %arg7: memref<10240xf32, #tpu.memory_space<vmem_shared>>, %arg8: memref<!tpu.dma_semaphore, #tpu.memory_space<semaphore_mem>>, %arg9: memref<!tpu.dma_semaphore, #tpu.memory_space<semaphore_mem>>) attributes {dimension_semantics = [#tpu.dimension_semantics<core_parallel>, #tpu.dimension_semantics<subcore_parallel>], iteration_bounds = array<i64: 2, 16>, scalar_prefetch = 0 : i64, scratch_operands = 6 : i64, tpu.core_type = #tpu.core_type<sc_vector_subcore>, window_params = [{transform_indices = #map}, {transform_indices = #map1}]} {
    %mul3A = arith.constant 2 : i32
    %mul3A_0 = arith.muli %arg1, %mul3A : i32
    %add3A = arith.addi %mul3A_0, %arg0 : i32
    %mul3A_1 = arith.constant 80 : i32
    %mul3A_2 = arith.muli %add3A, %mul3A_1 : i32
    %sub3A = arith.constant 2500 : i32
    %sub3A_3 = arith.subi %sub3A, %mul3A_2 : i32
    %jit3A = arith.constant 0 : i32
    %jit3A_4 = arith.constant 80 : i32
    %max3A = arith.maxsi %jit3A, %sub3A_3 : i32
    %min3A = arith.minsi %jit3A_4, %max3A : i32
    %mul3A_5 = arith.constant 80 : i32
    %mul3A_6 = arith.muli %add3A, %mul3A_5 : i32
    %dma_start3A = arith.constant 1 : i32
    %dma_start3A_7 = arith.constant 0 : i32
    %dma_start3A_8 = tpu.memref_slice %arg2[%dma_start3A, %mul3A_6, %dma_start3A_7] : memref<2x2560x128xi32, #tpu.memory_space<hbm>> -> memref<1x80x128xi32, #tpu.memory_space<hbm>>
    %dma_start3A_9 = tpu.memref_squeeze %dma_start3A_8 : memref<1x80x128xi32, #tpu.memory_space<hbm>> -> memref<80x128xi32, #tpu.memory_space<hbm>>
    %dma_start3A_10 = arith.constant 0 : i32
    %dma_start3A_11 = tpu.memref_slice %arg2[%dma_start3A, %mul3A_6, %dma_start3A_10] : memref<2x2560x128xi32, #tpu.memory_space<hbm>> -> memref<1x80x128xi32, #tpu.memory_space<hbm>>
    %dma_start3A_12 = tpu.memref_squeeze %dma_start3A_11 : memref<1x80x128xi32, #tpu.memory_space<hbm>> -> memref<80x128xi32, #tpu.memory_space<hbm>>
    tpu.enqueue_dma source(%dma_start3A_12 : memref<80x128xi32, #tpu.memory_space<hbm>>) target(%arg4 : memref<80x128xi32, #tpu.memory_space<vmem>>) target_semaphore(%arg8 : memref<!tpu.dma_semaphore, #tpu.memory_space<semaphore_mem>>)
    %scan3A = arith.constant 0 : i32
    %scan3A_13 = arith.constant 0 : i32
    %scan3A_14 = arith.constant 8 : i32
    %scan3A_15 = arith.addi %scan3A_13, %scan3A_14 : i32
    %scan3A_16 = arith.constant 1 : i32
    %scan3A_17 = scf.for %scan3A_67 = %scan3A_13 to %scan3A_15 step %scan3A_16 iter_args(%scan3A_68 = %scan3A) -> (i32)  : i32 {
      %broadcast_in_dim3A = arith.constant 1.000000e+00 : f32
      %broadcast_in_dim3A_69 = vector.broadcast %broadcast_in_dim3A : f32 to vector<16xf32>
      %mul3A_70 = arith.constant 16 : i32
      %mul3A_71 = arith.muli %scan3A_67, %mul3A_70 : i32
      %swap3A = arith.index_cast %mul3A_71 : i32 to index
      %swap3A_72 = tpu.vector_load %arg5[%swap3A] {strides = array<i32>} : memref<128xf32, #tpu.memory_space<vmem>>, vector<16xf32>,
      tpu.vector_store %arg5[%swap3A], %broadcast_in_dim3A_69 {strides = array<i32>} : memref<128xf32, #tpu.memory_space<vmem>>, vector<16xf32>,
      %broadcast_in_dim3A_73 = arith.constant 0.000000e+00 : f32
      %broadcast_in_dim3A_74 = vector.broadcast %broadcast_in_dim3A_73 : f32 to vector<16xf32>
      %mul3A_75 = arith.constant 16 : i32
      %mul3A_76 = arith.muli %scan3A_67, %mul3A_75 : i32
      %swap3A_77 = arith.index_cast %mul3A_76 : i32 to index
      %swap3A_78 = tpu.vector_load %arg6[%swap3A_77] {strides = array<i32>} : memref<640xf32, #tpu.memory_space<vmem>>, vector<16xf32>,
      tpu.vector_store %arg6[%swap3A_77], %broadcast_in_dim3A_74 {strides = array<i32>} : memref<640xf32, #tpu.memory_space<vmem>>, vector<16xf32>,
      %scan3A_79 = arith.constant 0 : i32
      scf.yield %scan3A_79 : i32
    }
    %scan3A_18 = arith.constant 8 : i32
    %scan3A_19 = arith.constant 0 : i32
    %scan3A_20 = arith.constant 0 : i32
    %scan3A_21 = arith.constant 32 : i32
    %scan3A_22 = arith.addi %scan3A_20, %scan3A_21 : i32
    %scan3A_23 = arith.constant 1 : i32
    %scan3A_24 = scf.for %scan3A_67 = %scan3A_20 to %scan3A_22 step %scan3A_23 iter_args(%scan3A_68 = %scan3A_19) -> (i32)  : i32 {
      %broadcast_in_dim3A = arith.constant 0.000000e+00 : f32
      %broadcast_in_dim3A_69 = vector.broadcast %broadcast_in_dim3A : f32 to vector<16xf32>
      %mul3A_70 = arith.constant 16 : i32
      %mul3A_71 = arith.muli %scan3A_67, %mul3A_70 : i32
      %add3A_72 = arith.constant 128 : i32
      %add3A_73 = arith.addi %add3A_72, %mul3A_71 : i32
      %swap3A = arith.index_cast %add3A_73 : i32 to index
      %swap3A_74 = tpu.vector_load %arg6[%swap3A] {strides = array<i32>} : memref<640xf32, #tpu.memory_space<vmem>>, vector<16xf32>,
      tpu.vector_store %arg6[%swap3A], %broadcast_in_dim3A_69 {strides = array<i32>} : memref<640xf32, #tpu.memory_space<vmem>>, vector<16xf32>,
      %scan3A_75 = arith.constant 0 : i32
      scf.yield %scan3A_75 : i32
    }
    %scan3A_25 = arith.constant 32 : i32
    %mul3A_26 = arith.constant 640 : i32
    %mul3A_27 = arith.muli %arg1, %mul3A_26 : i32
    "tpu.region"() ({
      %run_scoped3A = tpu.sem_alloc : memref<!tpu.dma_semaphore, #tpu.memory_space<semaphore_mem>>
      %dma_start3A_67 = tpu.memref_slice %arg7[%mul3A_27] : memref<10240xf32, #tpu.memory_space<vmem_shared>> -> memref<640xf32, #tpu.memory_space<vmem_shared>>
      %dma_start3A_68 = tpu.memref_slice %arg7[%mul3A_27] : memref<10240xf32, #tpu.memory_space<vmem_shared>> -> memref<640xf32, #tpu.memory_space<vmem_shared>>
      tpu.enqueue_dma source(%arg6 : memref<640xf32, #tpu.memory_space<vmem>>) target(%dma_start3A_68 : memref<640xf32, #tpu.memory_space<vmem_shared>>) target_semaphore(%run_scoped3A : memref<!tpu.dma_semaphore, #tpu.memory_space<semaphore_mem>>)
      %dma_wait3A_69 = tpu.memref_slice %arg7[%mul3A_27] : memref<10240xf32, #tpu.memory_space<vmem_shared>> -> memref<640xf32, #tpu.memory_space<vmem_shared>>
      %dma_wait3A_70 = tpu.memref_slice %arg7[%mul3A_27] : memref<10240xf32, #tpu.memory_space<vmem_shared>> -> memref<640xf32, #tpu.memory_space<vmem_shared>>
      tpu.wait_dma2 semaphore(%run_scoped3A : memref<!tpu.dma_semaphore, #tpu.memory_space<semaphore_mem>>) src(%arg6 : memref<640xf32, #tpu.memory_space<vmem>>) dst(%dma_wait3A_70 : memref<640xf32, #tpu.memory_space<vmem_shared>>)
      tpu.yield
    }) : () -> ()
    %mul3A_28 = arith.constant 80 : i32
    %mul3A_29 = arith.muli %add3A, %mul3A_28 : i32
    %dma_wait3A = arith.constant 1 : i32
    %dma_wait3A_30 = arith.constant 0 : i32
    %dma_wait3A_31 = tpu.memref_slice %arg2[%dma_wait3A, %mul3A_29, %dma_wait3A_30] : memref<2x2560x128xi32, #tpu.memory_space<hbm>> -> memref<1x80x128xi32, #tpu.memory_space<hbm>>
    %dma_wait3A_32 = tpu.memref_squeeze %dma_wait3A_31 : memref<1x80x128xi32, #tpu.memory_space<hbm>> -> memref<80x128xi32, #tpu.memory_space<hbm>>
    %dma_wait3A_33 = arith.constant 0 : i32
    %dma_wait3A_34 = tpu.memref_slice %arg2[%dma_wait3A, %mul3A_29, %dma_wait3A_33] : memref<2x2560x128xi32, #tpu.memory_space<hbm>> -> memref<1x80x128xi32, #tpu.memory_space<hbm>>
    %dma_wait3A_35 = tpu.memref_squeeze %dma_wait3A_34 : memref<1x80x128xi32, #tpu.memory_space<hbm>> -> memref<80x128xi32, #tpu.memory_space<hbm>>
    tpu.wait_dma2 semaphore(%arg8 : memref<!tpu.dma_semaphore, #tpu.memory_space<semaphore_mem>>) src(%dma_wait3A_35 : memref<80x128xi32, #tpu.memory_space<hbm>>) dst(%arg4 : memref<80x128xi32, #tpu.memory_space<vmem>>)
    %barrier3A = arith.constant 0 : index
    tpu.barrier barrier_id(%barrier3A)
    %while3A = arith.constant 0 : i32
    %while3A_36 = arith.constant 0 : i32
    %while3A_37 = arith.subi %min3A, %while3A : i32
    %while3A_38 = arith.addi %while3A, %while3A_37 : i32
    %while3A_39 = arith.constant 1 : i32
    %while3A_40 = arith.divsi %while3A_37, %while3A_39 : i32
    %while3A_41 = arith.muli %while3A_40, %while3A_39 : i32
    %while3A_42 = arith.addi %while3A, %while3A_41 : i32
    %while3A_43 = arith.constant 1 : i32
    %while3A_44 = scf.for %while3A_67 = %while3A to %while3A_42 step %while3A_43 iter_args(%while3A_68 = %while3A_36) -> (i32)  : i32 {
      %dma_start3A_69 = arith.constant 0 : i32
      %dma_start3A_70 = tpu.memref_slice %arg4[%while3A_67, %dma_start3A_69] : memref<80x128xi32, #tpu.memory_space<vmem>> -> memref<1x128xi32, #tpu.memory_space<vmem>>
      %dma_start3A_71 = tpu.memref_squeeze %dma_start3A_70 : memref<1x128xi32, #tpu.memory_space<vmem>> -> memref<128xi32, #tpu.memory_space<vmem>>
      %dma_start3A_72 = arith.constant 0 : i32
      %dma_start3A_73 = tpu.memref_slice %arg7[%dma_start3A_72] : memref<10240xf32, #tpu.memory_space<vmem_shared>> -> memref<10240xf32, #tpu.memory_space<vmem_shared>>
      tpu.enqueue_indirect_dma source(%arg5 : memref<128xf32, #tpu.memory_space<vmem>>) target(%dma_start3A_73 : memref<10240xf32, #tpu.memory_space<vmem_shared>>) offsets(%dma_start3A_71 : memref<128xi32, #tpu.memory_space<vmem>>) semaphore(%arg9 : memref<!tpu.dma_semaphore, #tpu.memory_space<semaphore_mem>>) {add = true}
      %while3A_74 = arith.constant 0 : i32
      scf.yield %while3A_74 : i32
    }
    %while3A_45 = arith.constant 1 : i32
    %while3A_46 = scf.for %while3A_67 = %while3A_42 to %while3A_38 step %while3A_45 iter_args(%while3A_68 = %while3A_44) -> (i32)  : i32 {
      %dma_start3A_69 = arith.constant 0 : i32
      %dma_start3A_70 = tpu.memref_slice %arg4[%while3A_67, %dma_start3A_69] : memref<80x128xi32, #tpu.memory_space<vmem>> -> memref<1x128xi32, #tpu.memory_space<vmem>>
      %dma_start3A_71 = tpu.memref_squeeze %dma_start3A_70 : memref<1x128xi32, #tpu.memory_space<vmem>> -> memref<128xi32, #tpu.memory_space<vmem>>
      %dma_start3A_72 = arith.constant 0 : i32
      %dma_start3A_73 = tpu.memref_slice %arg7[%dma_start3A_72] : memref<10240xf32, #tpu.memory_space<vmem_shared>> -> memref<10240xf32, #tpu.memory_space<vmem_shared>>
      tpu.enqueue_indirect_dma source(%arg5 : memref<128xf32, #tpu.memory_space<vmem>>) target(%dma_start3A_73 : memref<10240xf32, #tpu.memory_space<vmem_shared>>) offsets(%dma_start3A_71 : memref<128xi32, #tpu.memory_space<vmem>>) semaphore(%arg9 : memref<!tpu.dma_semaphore, #tpu.memory_space<semaphore_mem>>) {add = true}
      %while3A_74 = arith.constant 0 : i32
      scf.yield %while3A_74 : i32
    }
    %while3A_47 = arith.constant 0 : i32
    %while3A_48 = arith.constant 0 : i32
    %while3A_49 = arith.subi %min3A, %while3A_47 : i32
    %while3A_50 = arith.addi %while3A_47, %while3A_49 : i32
    %while3A_51 = arith.constant 1 : i32
    %while3A_52 = arith.divsi %while3A_49, %while3A_51 : i32
    %while3A_53 = arith.muli %while3A_52, %while3A_51 : i32
    %while3A_54 = arith.addi %while3A_47, %while3A_53 : i32
    %while3A_55 = arith.constant 1 : i32
    %while3A_56 = scf.for %while3A_67 = %while3A_47 to %while3A_54 step %while3A_55 iter_args(%while3A_68 = %while3A_48) -> (i32)  : i32 {
      %dma_wait3A_69 = arith.constant 0 : i32
      %dma_wait3A_70 = arith.constant 0 : i32
      %dma_wait3A_71 = tpu.memref_slice %arg4[%dma_wait3A_69, %dma_wait3A_70] : memref<80x128xi32, #tpu.memory_space<vmem>> -> memref<1x128xi32, #tpu.memory_space<vmem>>
      %dma_wait3A_72 = tpu.memref_squeeze %dma_wait3A_71 : memref<1x128xi32, #tpu.memory_space<vmem>> -> memref<128xi32, #tpu.memory_space<vmem>>
      %dma_wait3A_73 = arith.constant 0 : i32
      %dma_wait3A_74 = tpu.memref_slice %arg7[%dma_wait3A_73] : memref<10240xf32, #tpu.memory_space<vmem_shared>> -> memref<10240xf32, #tpu.memory_space<vmem_shared>>
      tpu.wait_indirect_dma semaphore(%arg9 : memref<!tpu.dma_semaphore, #tpu.memory_space<semaphore_mem>>) src(%arg5 : memref<128xf32, #tpu.memory_space<vmem>>) dst(%dma_wait3A_74 : memref<10240xf32, #tpu.memory_space<vmem_shared>>)
      %while3A_75 = arith.constant 0 : i32
      scf.yield %while3A_75 : i32
    }
    %while3A_57 = arith.constant 1 : i32
    %while3A_58 = scf.for %while3A_67 = %while3A_54 to %while3A_50 step %while3A_57 iter_args(%while3A_68 = %while3A_56) -> (i32)  : i32 {
      %dma_wait3A_69 = arith.constant 0 : i32
      %dma_wait3A_70 = arith.constant 0 : i32
      %dma_wait3A_71 = tpu.memref_slice %arg4[%dma_wait3A_69, %dma_wait3A_70] : memref<80x128xi32, #tpu.memory_space<vmem>> -> memref<1x128xi32, #tpu.memory_space<vmem>>
      %dma_wait3A_72 = tpu.memref_squeeze %dma_wait3A_71 : memref<1x128xi32, #tpu.memory_space<vmem>> -> memref<128xi32, #tpu.memory_space<vmem>>
      %dma_wait3A_73 = arith.constant 0 : i32
      %dma_wait3A_74 = tpu.memref_slice %arg7[%dma_wait3A_73] : memref<10240xf32, #tpu.memory_space<vmem_shared>> -> memref<10240xf32, #tpu.memory_space<vmem_shared>>
      tpu.wait_indirect_dma semaphore(%arg9 : memref<!tpu.dma_semaphore, #tpu.memory_space<semaphore_mem>>) src(%arg5 : memref<128xf32, #tpu.memory_space<vmem>>) dst(%dma_wait3A_74 : memref<10240xf32, #tpu.memory_space<vmem_shared>>)
      %while3A_75 = arith.constant 0 : i32
      scf.yield %while3A_75 : i32
    }
    %barrier3A_59 = arith.constant 0 : index
    tpu.barrier barrier_id(%barrier3A_59)
    %mul3A_60 = arith.constant 640 : i32
    %mul3A_61 = arith.muli %arg1, %mul3A_60 : i32
    "tpu.region"() ({
      %run_scoped3A = tpu.sem_alloc : memref<!tpu.dma_semaphore, #tpu.memory_space<semaphore_mem>>
      %dma_start3A_67 = tpu.memref_slice %arg7[%mul3A_61] : memref<10240xf32, #tpu.memory_space<vmem_shared>> -> memref<640xf32, #tpu.memory_space<vmem_shared>>
      %dma_start3A_68 = tpu.memref_slice %arg7[%mul3A_61] : memref<10240xf32, #tpu.memory_space<vmem_shared>> -> memref<640xf32, #tpu.memory_space<vmem_shared>>
      tpu.enqueue_dma source(%dma_start3A_68 : memref<640xf32, #tpu.memory_space<vmem_shared>>) target(%arg6 : memref<640xf32, #tpu.memory_space<vmem>>) target_semaphore(%run_scoped3A : memref<!tpu.dma_semaphore, #tpu.memory_space<semaphore_mem>>)
      %dma_wait3A_69 = tpu.memref_slice %arg7[%mul3A_61] : memref<10240xf32, #tpu.memory_space<vmem_shared>> -> memref<640xf32, #tpu.memory_space<vmem_shared>>
      %dma_wait3A_70 = tpu.memref_slice %arg7[%mul3A_61] : memref<10240xf32, #tpu.memory_space<vmem_shared>> -> memref<640xf32, #tpu.memory_space<vmem_shared>>
      tpu.wait_dma2 semaphore(%run_scoped3A : memref<!tpu.dma_semaphore, #tpu.memory_space<semaphore_mem>>) src(%dma_wait3A_70 : memref<640xf32, #tpu.memory_space<vmem_shared>>) dst(%arg6 : memref<640xf32, #tpu.memory_space<vmem>>)
      tpu.yield
    }) : () -> ()
    %mul3A_62 = arith.constant 10240 : i32
    %mul3A_63 = arith.muli %arg0, %mul3A_62 : i32
    %mul3A_64 = arith.constant 640 : i32
    %mul3A_65 = arith.muli %arg1, %mul3A_64 : i32
    %add3A_66 = arith.addi %mul3A_63, %mul3A_65 : i32
    "tpu.region"() ({
      %run_scoped3A = tpu.sem_alloc : memref<!tpu.dma_semaphore, #tpu.memory_space<semaphore_mem>>
      %dma_start3A_67 = tpu.memref_slice %arg3[%add3A_66] : memref<20480xf32, #tpu.memory_space<hbm>> -> memref<640xf32, #tpu.memory_space<hbm>>
      %dma_start3A_68 = tpu.memref_slice %arg3[%add3A_66] : memref<20480xf32, #tpu.memory_space<hbm>> -> memref<640xf32, #tpu.memory_space<hbm>>
      tpu.enqueue_dma source(%arg6 : memref<640xf32, #tpu.memory_space<vmem>>) target(%dma_start3A_68 : memref<640xf32, #tpu.memory_space<hbm>>) target_semaphore(%run_scoped3A : memref<!tpu.dma_semaphore, #tpu.memory_space<semaphore_mem>>)
      %dma_wait3A_69 = tpu.memref_slice %arg3[%add3A_66] : memref<20480xf32, #tpu.memory_space<hbm>> -> memref<640xf32, #tpu.memory_space<hbm>>
      %dma_wait3A_70 = tpu.memref_slice %arg3[%add3A_66] : memref<20480xf32, #tpu.memory_space<hbm>> -> memref<640xf32, #tpu.memory_space<hbm>>
      tpu.wait_dma2 semaphore(%run_scoped3A : memref<!tpu.dma_semaphore, #tpu.memory_space<semaphore_mem>>) src(%arg6 : memref<640xf32, #tpu.memory_space<vmem>>) dst(%dma_wait3A_70 : memref<640xf32, #tpu.memory_space<hbm>>)
      tpu.yield
    }) : () -> ()
    return
  }
}

module attributes {stable_mosaic.version = 14 : i64} {
  func.func @body(%arg0: memref<2x80x128xf32, #tpu.memory_space<vmem>>, %arg1: memref<80x128xf32, #tpu.memory_space<vmem>>) attributes {dimension_semantics = [], scalar_prefetch = 0 : i64, scratch_operands = 0 : i64, tpu.core_type = #tpu.core_type<tc>} {
    %get3A = arith.constant 0 : index
    %get3A_0 = arith.constant 0 : index
    %get3A_1 = arith.constant 0 : index
    %get3A_2 = vector.load %arg0[%get3A, %get3A_0, %get3A_1] : memref<2x80x128xf32, #tpu.memory_space<vmem>>, vector<1x80x128xf32>
    %get3A_3 = vector.shape_cast %get3A_2 : vector<1x80x128xf32> to vector<80x128xf32>
    %get3A_4 = arith.constant 1 : index
    %get3A_5 = arith.constant 0 : index
    %get3A_6 = arith.constant 0 : index
    %get3A_7 = vector.load %arg0[%get3A_4, %get3A_5, %get3A_6] : memref<2x80x128xf32, #tpu.memory_space<vmem>>, vector<1x80x128xf32>
    %get3A_8 = vector.shape_cast %get3A_7 : vector<1x80x128xf32> to vector<80x128xf32>
    %add3A = arith.addf %get3A_3, %get3A_8 : vector<80x128xf32>
    %add3A_9 = arith.constant 1.000000e+00 : f32
    %add3A_10 = vector.broadcast %add3A_9 : f32 to vector<80x128xf32>
    %add3A_11 = arith.addf %add3A, %add3A_10 : vector<80x128xf32>
    %rsqrt3A = math.rsqrt %add3A_11 : vector<80x128xf32>
    %iota3A = tpu.iota {dimensions = array<i32: 0>} : vector<80x128xi32>
    %iota3A_12 = tpu.iota {dimensions = array<i32: 1>} : vector<80x128xi32>
    %mul3A = arith.constant 128 : i32
    %mul3A_13 = vector.broadcast %mul3A : i32 to vector<80x128xi32>
    %mul3A_14 = arith.muli %iota3A, %mul3A_13 : vector<80x128xi32>
    %add3A_15 = arith.addi %mul3A_14, %iota3A_12 : vector<80x128xi32>
    %lt3A = arith.constant 10000 : i32
    %lt3A_16 = vector.broadcast %lt3A : i32 to vector<80x128xi32>
    %lt3A_17 = arith.cmpi slt, %add3A_15, %lt3A_16 : vector<80x128xi32>
    %jit3A = arith.constant 0.000000e+00 : f32
    %broadcast_in_dim3A = vector.broadcast %jit3A : f32 to vector<80x128xf32>
    %select_n3A = arith.select %lt3A_17, %rsqrt3A, %broadcast_in_dim3A : vector<80x128xi1>, vector<80x128xf32>
    %swap3A = arith.constant 0 : index
    %swap3A_18 = arith.constant 0 : index
    %swap3A_19 = vector.load %arg1[%swap3A, %swap3A_18] : memref<80x128xf32, #tpu.memory_space<vmem>>, vector<80x128xf32>
    tpu.vector_store %arg1[%swap3A, %swap3A_18], %select_n3A {strides = array<i32>} : memref<80x128xf32, #tpu.memory_space<vmem>>, vector<80x128xf32>,
    return
  }
}

module attributes {stable_mosaic.version = 14 : i64} {
  func.func @body(%arg0: memref<1x10000xi32, #tpu.memory_space<vmem>>, %arg1: memref<64x1xf32, #tpu.memory_space<vmem>>) attributes {dimension_semantics = [], scalar_prefetch = 0 : i64, scratch_operands = 0 : i64, tpu.core_type = #tpu.core_type<tc>} {
    %iota3A = tpu.iota {dimensions = array<i32: 0>} : vector<64x10000xi32>
    %get3A = arith.constant 0 : index
    %get3A_0 = arith.constant 0 : index
    %get3A_1 = vector.load %arg0[%get3A, %get3A_0] : memref<1x10000xi32, #tpu.memory_space<vmem>>, vector<1x10000xi32>
    %eq3A = vector.broadcast %get3A_1 : vector<1x10000xi32> to vector<64x10000xi32>
    %eq3A_2 = arith.cmpi eq, %eq3A, %iota3A : vector<64x10000xi32>
    %jit3A = arith.constant 1.000000e+00 : f32
    %jit3A_3 = arith.constant 0.000000e+00 : f32
    %broadcast_in_dim3A = vector.broadcast %jit3A : f32 to vector<64x10000xf32>
    %broadcast_in_dim3A_4 = vector.broadcast %jit3A_3 : f32 to vector<64x10000xf32>
    %select_n3A = arith.select %eq3A_2, %broadcast_in_dim3A, %broadcast_in_dim3A_4 : vector<64x10000xi1>, vector<64x10000xf32>
    %reduce_sum3A = arith.constant dense<0.000000e+00> : vector<64xf32>
    %reduce_sum3A_5 = vector.multi_reduction <add>, %select_n3A, %reduce_sum3A [1] : vector<64x10000xf32> to vector<64xf32>
    %broadcast_in_dim3A_6 = vector.shape_cast %reduce_sum3A_5 : vector<64xf32> to vector<64x1xf32>
    %swap3A = arith.constant 0 : index
    %swap3A_7 = arith.constant 0 : index
    %swap3A_8 = vector.load %arg1[%swap3A, %swap3A_7] : memref<64x1xf32, #tpu.memory_space<vmem>>, vector<64x1xf32>
    tpu.vector_store %arg1[%swap3A, %swap3A_7], %broadcast_in_dim3A_6 {strides = array<i32>} : memref<64x1xf32, #tpu.memory_space<vmem>>, vector<64x1xf32>,
    return
  }
}

module attributes {stable_mosaic.version = 14 : i64} {
  func.func @body(%arg0: memref<2x64x10000xf32, #tpu.memory_space<vmem>>, %arg1: memref<10000x128xf32, #tpu.memory_space<vmem>>, %arg2: memref<10000x1xf32, #tpu.memory_space<vmem>>, %arg3: memref<64x1xf32, #tpu.memory_space<vmem>>, %arg4: memref<128x128xf32, #tpu.memory_space<vmem>>, %arg5: memref<1x128xf32, #tpu.memory_space<vmem>>, %arg6: memref<128x10xf32, #tpu.memory_space<vmem>>, %arg7: memref<1x10xf32, #tpu.memory_space<vmem>>, %arg8: memref<64x10xf32, #tpu.memory_space<vmem>>) attributes {dimension_semantics = [], scalar_prefetch = 0 : i64, scratch_operands = 0 : i64, tpu.core_type = #tpu.core_type<tc>} {
    %get3A = arith.constant 0 : index
    %get3A_0 = arith.constant 0 : index
    %get3A_1 = arith.constant 0 : index
    %get3A_2 = vector.load %arg0[%get3A, %get3A_0, %get3A_1] : memref<2x64x10000xf32, #tpu.memory_space<vmem>>, vector<1x64x10000xf32>
    %get3A_3 = vector.shape_cast %get3A_2 : vector<1x64x10000xf32> to vector<64x10000xf32>
    %get3A_4 = arith.constant 1 : index
    %get3A_5 = arith.constant 0 : index
    %get3A_6 = arith.constant 0 : index
    %get3A_7 = vector.load %arg0[%get3A_4, %get3A_5, %get3A_6] : memref<2x64x10000xf32, #tpu.memory_space<vmem>>, vector<1x64x10000xf32>
    %get3A_8 = vector.shape_cast %get3A_7 : vector<1x64x10000xf32> to vector<64x10000xf32>
    %add3A = arith.addf %get3A_3, %get3A_8 : vector<64x10000xf32>
    %get3A_9 = arith.constant 0 : index
    %get3A_10 = arith.constant 0 : index
    %get3A_11 = vector.load %arg1[%get3A_9, %get3A_10] : memref<10000x128xf32, #tpu.memory_space<vmem>>, vector<10000x128xf32>
    %get3A_12 = arith.constant 0 : index
    %get3A_13 = arith.constant 0 : index
    %get3A_14 = vector.load %arg2[%get3A_12, %get3A_13] : memref<10000x1xf32, #tpu.memory_space<vmem>>, vector<10000x1xf32>
    %mul3A = vector.broadcast %get3A_14 : vector<10000x1xf32> to vector<10000x128xf32>
    %mul3A_15 = arith.mulf %get3A_11, %mul3A : vector<10000x128xf32>
    %dot_general3A = arith.constant dense<0.000000e+00> : vector<64x128xf32>
    %dot_general3A_16 = tpu.matmul %add3A, %mul3A_15, %dot_general3A {dimension_numbers = #tpu.dot_dimension_numbers<[1], [0], [0], [1], [0, 0, 1, 1], [], []>, transpose_lhs_hint = false} : vector<64x10000xf32>, vector<10000x128xf32>, vector<64x128xf32> -> vector<64x128xf32>
    %get3A_17 = arith.constant 0 : index
    %get3A_18 = arith.constant 0 : index
    %get3A_19 = vector.load %arg3[%get3A_17, %get3A_18] : memref<64x1xf32, #tpu.memory_space<vmem>>, vector<64x1xf32>
    %get3A_20 = arith.constant 0 : index
    %get3A_21 = arith.constant 0 : index
    %get3A_22 = vector.load %arg4[%get3A_20, %get3A_21] : memref<128x128xf32, #tpu.memory_space<vmem>>, vector<128x128xf32>
    %dot_general3A_23 = arith.constant dense<0.000000e+00> : vector<64x128xf32>
    %dot_general3A_24 = tpu.matmul %dot_general3A_16, %get3A_22, %dot_general3A_23 {dimension_numbers = #tpu.dot_dimension_numbers<[1], [0], [0], [1], [0, 0, 1, 1], [], []>, transpose_lhs_hint = false} : vector<64x128xf32>, vector<128x128xf32>, vector<64x128xf32> -> vector<64x128xf32>
    %get3A_25 = arith.constant 0 : index
    %get3A_26 = arith.constant 0 : index
    %get3A_27 = vector.load %arg5[%get3A_25, %get3A_26] : memref<1x128xf32, #tpu.memory_space<vmem>>, vector<1x128xf32>
    %mul3A_28 = vector.broadcast %get3A_19 : vector<64x1xf32> to vector<64x128xf32>
    %mul3A_29 = vector.broadcast %get3A_27 : vector<1x128xf32> to vector<64x128xf32>
    %mul3A_30 = arith.mulf %mul3A_28, %mul3A_29 : vector<64x128xf32>
    %add3A_31 = arith.addf %dot_general3A_24, %mul3A_30 : vector<64x128xf32>
    %max3A = arith.constant 1.000000e+00 : f32
    %max3A_32 = vector.broadcast %max3A : f32 to vector<64x1xf32>
    %max3A_33 = arith.maximumf %get3A_19, %max3A_32 : vector<64x1xf32>
    %div3A = vector.broadcast %max3A_33 : vector<64x1xf32> to vector<64x128xf32>
    %div3A_34 = arith.divf %add3A_31, %div3A : vector<64x128xf32>
    %get3A_35 = arith.constant 0 : index
    %get3A_36 = arith.constant 0 : index
    %get3A_37 = vector.load %arg6[%get3A_35, %get3A_36] : memref<128x10xf32, #tpu.memory_space<vmem>>, vector<128x10xf32>
    %dot_general3A_38 = arith.constant dense<0.000000e+00> : vector<64x10xf32>
    %dot_general3A_39 = tpu.matmul %div3A_34, %get3A_37, %dot_general3A_38 {dimension_numbers = #tpu.dot_dimension_numbers<[1], [0], [0], [1], [0, 0, 1, 1], [], []>, transpose_lhs_hint = false} : vector<64x128xf32>, vector<128x10xf32>, vector<64x10xf32> -> vector<64x10xf32>
    %get3A_40 = arith.constant 0 : index
    %get3A_41 = arith.constant 0 : index
    %get3A_42 = vector.load %arg7[%get3A_40, %get3A_41] : memref<1x10xf32, #tpu.memory_space<vmem>>, vector<1x10xf32>
    %add3A_43 = vector.broadcast %get3A_42 : vector<1x10xf32> to vector<64x10xf32>
    %add3A_44 = arith.addf %dot_general3A_39, %add3A_43 : vector<64x10xf32>
    %swap3A = arith.constant 0 : index
    %swap3A_45 = arith.constant 0 : index
    %swap3A_46 = vector.load %arg8[%swap3A, %swap3A_45] : memref<64x10xf32, #tpu.memory_space<vmem>>, vector<64x10xf32>
    tpu.vector_store %arg8[%swap3A, %swap3A_45], %add3A_44 {strides = array<i32>} : memref<64x10xf32, #tpu.memory_space<vmem>>, vector<64x10xf32>,
    return
  }
}

</mosaic_0001>

<sc_bundles>
// kernel: kernel.10.cloned.1.call-start
scs
__scs_entry_jumppad:
0x0: {  	(pc) =	sbr.rel $0x88, $3  }
0x1: {  	(tag) =	ssettag $0x0;
	lr =	simm.s32 $0x1  }
0x2: {  	[smem:$0x3F9A] =	sst lr;
	_ =	strace $0xD0000000  }
0x3: {  	_ = 	snop  }
0x4: {  	_ = 	snop  }
0x5: {  	_ = 	snop  }
0x6: {  	_ = 	snop  }
0x7: {  	_ = 	snop  }
__scs_overlays_trampoline_lowered:
0x8: {  	[smem:$0x3FA9] =	sst s0  }
0x9: {  	[smem:$0x3FAA] =	sst s1  }
0xa: {  	[smem:$0x3FAB] =	sst s2  }
0xb: {  	[smem:$0x3FAC] =	sst s3  }
0xc: {  	[smem:$0x3FAD] =	sst s4  }
0xd: {  	[smem:$0x3FAE] =	sst s5  }
0xe: {  	[smem:$0x3FAF] =	sst s6  }
0xf: {  	[smem:$0x3FB0] =	sst s7  }
0x10: {  	[smem:$0x3FB1] =	sst s8  }
0x11: {  	[smem:$0x3FB2] =	sst s9;
	s0 =	simm.s32 @!p0 $0x0  }
0x12: {  	s1 =	sld [smem:$0x3F98];
	s0 =	simm.s32 @p0 $0x1  }
0x13: {  	[smem:$0x3FB3] =	sst s0;
	s0 =	simm.s32 @!p1 $0x0  }
0x14: {  	s2 =	sld [smem:$0x3F97];
	s0 =	simm.s32 @p1 $0x1  }
0x15: {  	[smem:$0x3FB4] =	sst s0;
	s0 =	simm.s32 @!p2 $0x0  }
0x16: {  	s3 =	sld [smem:$0x3FDB];
	s0 =	simm.s32 @p2 $0x1  }
0x17: {  	s4 =	simm.s32 $0x1BF5;
	[smem:$0x3FB6] =	sst s0  }
0x18: {  	s0 =	sld [smem:$0x3F99];
	_ =	swait.ge [sflag:s4], $0x0  }
0x19: {  	s7 =	sld [smem:$0x3F9A]  }
0x1a: {  	s8 =	sadd.s32 $0xFFFFE003, lr  }
0x1b: {  	s9 =	sadd.s32 $0xFFFFFEF7, lr;
	s5 =	simm.s32 $0xFFFFFFFF;
	p2 =	slt.u32 s8, $0xFFFFF086  }
0x1c: {  	p1 =	slt.u32 s9, $0xF7A;
	s5 =	simm.s32 @!p2 $0x0  }
0x1d: {  	s5 =	simm.s32 @p1 $0x1;
	p0 =	seq.s32 s7, s2  }
0x1e: {  	s7 =	smul.u32 @!p0 $0xF7A, s2;
	p2 =	seq.s32 @!p0 s5, $0x0  }
0x1f: {  	s9 =	smul.u32 $0xF7A, s1;
	s8 =	simm.s32 @!p0 $0x1BF5;
	p2 =	por !p2, p0  }
0x20: {  	[sflag:s8] =	ssyncset.s32 @!p0 $0xFFFFF086;
	s6 =	sadd.s32 @!p0 s3, s7;
	s7 =	simm.s32 @!p0 $0x108  }
0x21: {  	s3 =	sadd.s32 s3, s9;
	s6 =	sadd.s32 @!p0 $0x88, s6;
	s7 =	simm.s32 @p2 $0x1082  }
0x22: {  	[simem:s7], [sflag:s8] =	dma.local @!p0 [hbm:s6], $0xF7A  }
0x23: {  	s9 =	sor.u32 $0xD0000000, s2;
	s6 =	simm.s32 $0x108;
	_ =	swait.ge @!p0 [sflag:s8], $0x0  }
0x24: {  	s3 =	sadd.s32 $0x88, s3;
	s6 =	simm.s32 @!p1 $0x1082;
	[sflag:s4] =	ssyncset.s32 $0xFFFFF086  }
0x25: {  	[simem:s6], [sflag:s4] =	dma.local [hbm:s3], $0xF7A  }
0x26: {  	[smem:$0x3F9A] =	sst s1;
	(tag) =	ssettag s2;
	_ =	strace s9  }
0x27: {  	s1 =	sld [smem:$0x3FAA]  }
0x28: {  	s2 =	sld [smem:$0x3FAB]  }
0x29: {  	s4 =	sld [smem:$0x3FAD]  }
0x2a: {  	p0 =	seq.s32 s5, $0x0;
	s5 =	sld [smem:$0x3FAE]  }
0x2b: {  	s6 =	sld [smem:$0x3FAF]  }
0x2c: {  	s7 =	sld [smem:$0x3FB0]  }
0x2d: {  	s3 =	simm.s32 $0x108;
	s8 =	sld [smem:$0x3FB1]  }
0x2e: {  	s3 =	simm.s32 @!p0 $0x1082;
	s9 =	sld [smem:$0x3FB2]  }
0x2f: {  	lr =	sadd.s32 s0, s3;
	s0 =	sld [smem:$0x3FA9]  }
0x30: {  	s3 =	sld [smem:$0x3FAC]  }
0x31: {  	[smem:$0x3FB5] =	sst s10  }
0x32: {  	s10 =	sld [smem:$0x3FB3];
	_ =	sdelay $0x3  }
0x33: {  	p0 =	seq.s32 s10, $0x1;
	s10 =	sld [smem:$0x3FB5];
	_ =	sdelay $0x3  }
0x34: {  	[smem:$0x3FB5] =	sst s10  }
0x35: {  	s10 =	sld [smem:$0x3FB4];
	_ =	sdelay $0x3  }
0x36: {  	p1 =	seq.s32 s10, $0x1;
	s10 =	sld [smem:$0x3FB5];
	_ =	sdelay $0x3  }
0x37: {  	[smem:$0x3FB5] =	sst s10  }
0x38: {  	s10 =	sld [smem:$0x3FB6]  }
0x39: {  	_ = 	snop;
	(pc) =	sbr.ind lr, $3  }
0x3a: {  	_ = 	snop  }
0x3b: {  	_ = 	snop  }
0x3c: {  	p2 =	seq.s32 s10, $0x1;
	s10 =	sld [smem:$0x3FB5]  }
0x3d: {  	_ =	shalt  }
0x3e: {  	_ =	shalt  }
0x3f: {  	_ =	shalt  }
0x40: {  	_ =	shalt  }
0x41: {  	_ =	shalt  }
0x42: {  	_ =	shalt  }
0x43: {  	_ =	shalt  }
0x44: {  	_ =	shalt  }
0x45: {  	_ =	shalt  }
0x46: {  	_ =	shalt  }
0x47: {  	_ =	shalt  }
0x48: {  	_ =	shalt  }
0x49: {  	_ =	shalt  }
0x4a: {  	_ =	shalt  }
0x4b: {  	_ =	shalt  }
0x4c: {  	_ =	shalt  }
0x4d: {  	_ =	shalt  }
0x4e: {  	_ =	shalt  }
0x4f: {  	_ =	shalt  }
0x50: {  	_ =	shalt  }
0x51: {  	_ =	shalt  }
0x52: {  	_ =	shalt  }
0x53: {  	_ =	shalt  }
0x54: {  	_ =	shalt  }
0x55: {  	_ =	shalt  }
0x56: {  	_ =	shalt  }
0x57: {  	_ =	shalt  }
0x58: {  	_ =	shalt  }
0x59: {  	_ =	shalt  }
0x5a: {  	_ =	shalt  }
0x5b: {  	_ =	shalt  }
0x5c: {  	_ =	shalt  }
0x5d: {  	_ =	shalt  }
0x5e: {  	_ =	shalt  }
0x5f: {  	_ =	shalt  }
0x60: {  	_ =	shalt  }
0x61: {  	_ =	shalt  }
0x62: {  	_ =	shalt  }
0x63: {  	_ =	shalt  }
0x64: {  	_ =	shalt  }
0x65: {  	_ =	shalt  }
0x66: {  	_ =	shalt  }
0x67: {  	_ =	shalt  }
0x68: {  	_ =	shalt  }
0x69: {  	_ =	shalt  }
0x6a: {  	_ =	shalt  }
0x6b: {  	_ =	shalt  }
0x6c: {  	_ =	shalt  }
0x6d: {  	_ =	shalt  }
0x6e: {  	_ =	shalt  }
0x6f: {  	_ =	shalt  }
0x70: {  	_ =	shalt  }
0x71: {  	_ =	shalt  }
0x72: {  	_ =	shalt  }
0x73: {  	_ =	shalt  }
0x74: {  	_ =	shalt  }
0x75: {  	_ =	shalt  }
0x76: {  	_ =	shalt  }
0x77: {  	_ =	shalt  }
0x78: {  	_ =	shalt  }
0x79: {  	_ =	shalt  }
0x7a: {  	_ =	shalt  }
0x7b: {  	_ =	shalt  }
0x7c: {  	_ =	shalt  }
0x7d: {  	_ =	shalt  }
0x7e: {  	_ =	shalt  }
0x7f: {  	_ =	shalt  }
0x80: {  	_ =	shalt  }
0x81: {  	_ =	shalt  }
0x82: {  	_ =	shalt  }
0x83: {  	_ =	shalt  }
0x84: {  	_ =	shalt  }
0x85: {  	_ =	shalt  }
0x86: {  	_ =	shalt  }
0x87: {  	_ =	shalt  }
.Lfunc_end0:
.L_simem_size_0:
called_computation.1_lowered:
.L_overlay_start_0:
0x88: {  	s2 =	sld [smem:$0x3FD9]  }
0x89: {  	s3 =	sld [smem:$0x3FFE];
	_ =	sdelay $0x1  }
0x8a: {  	s1 =	srdreg.scid  }
0x8b: {  	s0 =	sand.u32 $0x1, s1  }
0x8c: {  	s16 =	sshll.u32 s0, $0xA;
	s2 =	sadd.s32 s3, s2  }
0x8d: {  	s2 =	sadd.s32 s2, s16  }
0x8e: {  	[smem:$0x3FC1] =	sst s2  }
0x8f: {  	_ = 	snop  }
0x90: {  	(tm) =	ssettm $0x1  }
0x91: {  	s17 =	sld [smem:$0x3FFB];
	_ =	sdelay $0x3  }
0x92: {  	_ =	strace s17  }
0x93: {  	s2 =	sld [smem:$0x3FFC];
	_ =	sdelay $0x3  }
0x94: {  	_ =	strace s2  }
0x95: {  	s2 =	sld [smem:$0x3FFD];
	_ =	sdelay $0x3  }
0x96: {  	_ =	strace s2  }
0x97: {  	_ =	strace $0x8FFFFFFF  }
0x98: {  	s18 =	sld [smem:$0x3FDB];
	_ =	sdelay $0x1  }
0x99: {  	s19 =	simm.s32 $_scs_section_size  }
0x9a: {  	s4 =	simm.s32 $_size__tile_overlayer_lowered;
	s5 =	simm.s32 $_tile_overlayer_lowered  }
0x9b: {  	s22 =	simm.s32 $0x1BFF;
	s21 =	sshll.u32 s5, $0x1;
	s2 =	sadd.s32 s19, s18  }
0x9c: {  	s6 =	simm.s32 $0x0;
	s20 =	sshll.u32 s4, $0x1;
	s4 =	sadd.s32 s21, s2  }
0x9d: {  	[timem:s6], [sflag:s22] =	dma.local [hbm:s4], s20  }
0x9e: {  	_ =	swait.ge [sflag:s22], s20  }
0x9f: {  	s3 =	ssub.s32 $0x0, s20;
	[sflag:s22] =	ssyncset.done $0x0  }
0xa0: {  	[sflag:s22] =	ssyncadd.s32 s3;
	_ =	sdelay $0x1  }
0xa1: {  	s23 =	simm.s32 $0x1B8B  }
0xa2: {  	_ =	swait.ge [sflag:s23], $0x1  }
0xa3: {  	[sflag:s23] =	ssyncset.done $0x0  }
0xa4: {  	s25 =	simm.s32 $0x1B8E;
	s24 =	sld [smem:$0x3FFE];
	[sflag:s23] =	ssyncadd.s32 $0xFFFFFFFF  }
0xa5: {  	s26 =	simm.s32 $execute0_lowered;
	[smem:$0x3FD2] =	sst s25  }
0xa6: {  	s4 =	sshll.u32 s26, $0x1;
	_ =	strace $0x80000049;
	[dreg:$0x1] =	wrdreg $0xFFFFFFFF  }
0xa7: {  	s28 =	simm.s32 $_size_execute0_lowered;
	s2 =	sadd.s32 s2, s4;
	[dreg:$0x0] =	wrdreg $0x0  }
0xa8: {  	s4 =	sshll.u32 s28, $0x1;
	[dreg:$0x2] =	wrdreg s2  }
0xa9: {  	[dreg:$0x3] =	wrdreg s4  }
0xaa: {  	[dreg:$0x4] =	wrdreg $0xC0  }
0xab: {  	_ =	task [dreg:s6], $0x5FFFF  }
0xac: {  	[dreg:$0x1] =	wrdreg $0xFFFFFFFF  }
0xad: {  	[dreg:$0x0] =	wrdreg $0x60  }
0xae: {  	[dreg:$0x2] =	wrdreg s24  }
0xaf: {  	[dreg:$0x3] =	wrdreg $0x137000  }
0xb0: {  	[dreg:$0x4] =	wrdreg $0x9  }
0xb1: {  	_ =	task.clear_ibuf [dreg:s6], $0x5FFFF;
	_ =	strace $0x90000049  }
0xb2: {  	s29 =	simm.s32 $0x9;
	_ =	strace $0x8000004B  }
0xb3: {  	_ =	swait.ge [sflag:s29], $0x1  }
0xb4: {  	[sflag:s29] =	ssyncadd.s32 $0xFFFFFFFF  }
0xb5: {  	_ =	strace $0x9000004B  }
0xb6: {  	_ =	sfence  }
0xb7: {  	s30 =	sld [smem:$0x0];
	_ =	sdelay $0x2  }
0xb8: {  	s31 =	sshll.u32 s1, $0xD;
	s1 =	sshrl.u32 s1, $0x2  }
0xb9: {  	s3 =	sand.u32 $0x4000, s31;
	s1 =	sadd.s32 s1, s30  }
0xba: {  	s0 =	sor.u32 s3, s0;
	s1 =	sshll.u32 s1, $0x11  }
0xbb: {  	s0 =	sor.u32 s1, s0  }
0xbc: {  	s0 =	sadd.s32 $0x8F2B, s0  }
0xbd: {  	[sflag:s0] =	ssyncadd.remote.s32 $0x1  }
0xbe: {  	_ =	sfence.sel $0xFFFF  }
0xbf: {  	[dreg:$0x0] =	wrdreg $0xFFFFFFFF;
	(pc) =	sbr.abs _section_cstart, $3  }
0xc0: {  	[dreg:$0x1] =	wrdreg $0xFFFFFFFF  }
0xc1: {  	_ =	task.clear_ibuf [dreg:s6], $0x2FFFF;
	_ =	strace $0x9FFFFFFF  }
0xc2: {  	(tm) =	ssettm $0x7FFFFFFF  }
0xc3: {  	_ =	shalt  }
tec
execute0_lowered:
.L_overlay_start_1:
0x0: {  	(tag) =	ssettag $0x1  }
0x1: {  	s0 =	srdreg.scid;
	s13 =	stileid.u32  }
0x2: {  	s4 =	sand.u32 $0x1, s0;
	s12 =	sshll.u32 s13, $0x1  }
0x3: {  	s0 =	sor.u32 s4, s12  }
0x4: {  	s1 =	smul.u32 $0x180, s0  }
0x5: {  	v13 =	vlaneseq.u32  }
0x6: {  	v14 =	vor.u32 $0xFFFFFF80, v13;
	v0 =	vmov s1  }
0x7: {  	v1 =	vor.u32 s1, v13;
	s2 =	sor.u32 $0x10, s1;
	s3 =	sor.u32 $0x20, s1;
	vm0 =	vgt.u32 v0, $0x27FF;
	v0 =	vadd.s32 s1, v14  }
0x8: {  	s15 =	sor.u32 $0x40, s1;
	s16 =	sor.u32 $0x50, s1;
	v2 =	vor.u32 s2, v13;
	v3 =	vmov s3;
	v4 =	vor.u32 s3, v13  }
0x9: {  	s18 =	sor.u32 $0x70, s1;
	s19 =	sadd.s32 $0x80, s1;
	v5 =	vor.u32 s15, v13;
	v6 =	vmov s16;
	v7 =	vor.u32 s16, v13  }
0xa: {  	s20 =	sadd.s32 $0xA0, s1;
	s10 =	sadd.s32 $0xB0, s1;
	v8 =	vor.u32 s18, v13;
	v9 =	vmov s19;
	v10 =	vor.u32 s19, v13  }
0xb: {  	s26 =	sadd.s32 $0xD0, s1;
	s12 =	sadd.s32 $0xE0, s1;
	v11 =	vor.u32 s20, v13;
	v12 =	vmov s10;
	v15 =	vor.u32 s10, v13  }
0xc: {  	v16 =	vor.u32 s26, v13;
	v17 =	vmov s12;
	v18 =	vor.u32 s12, v13  }
0xd: {  	v0 =	vsel vm0, v0, v1;
	v1 =	vmov s2;
	vm1 =	vgt.u32 v3, $0x27FF  }
0xe: {  	v3 =	vadd.s32 s3, v14;
	vm9 =	vgt.u32 v6, $0x27FF;
	v6 =	vadd.s32 s16, v14  }
0xf: {  	vm12 =	vgt.u32 v9, $0x27FF;
	v9 =	vadd.s32 s19, v14;
	vm15 =	vgt.u32 v12, $0x27FF  }
0x10: {  	s6 =	rddreg [dreg:$0x0];
	v12 =	vadd.s32 s10, v14;
	s19 =	sadd.s32 $0x120, s1;
	vm6 =	vgt.u32 v1, $0x27FF;
	v1 =	vadd.s32 s2, v14  }
0x11: {  	s14 =	sor.u32 $0x30, s1;
	s3 =	simm.s32 $0x0;
	s2 =	rddreg [dreg:$0x1];
	v28 =	vmov s19;
	v29 =	vor.u32 s19, v13;
	v30 =	vadd.s32 s19, v14  }
0x12: {  	s21 =	sadd.s32 $0x16000, s6;
	[smem:$0x7FF] =	sst s3;
	v1 =	vsel vm6, v1, v2;
	v2 =	vsel vm1, v3, v4;
	v3 =	vmov s14  }
0x13: {  	v4 =	vor.u32 s14, v13;
	_ =	strace $0x8000004A;
	[dreg:$0x3] =	wrdreg s21;
	vm6 =	vgt.u32 v17, $0x27FF;
	v17 =	vadd.s32 s12, v14;
	s21 =	sadd.s32 $0x140, s1  }
0x14: {  	vm7 =	vgt.u32 v3, $0x27FF;
	v3 =	vadd.s32 s14, v14;
	v34 =	vmov s21  }
0x15: {  	v35 =	vor.u32 s21, v13;
	v3 =	vsel vm7, v3, v4;
	v4 =	vmov s15  }
0x16: {  	s17 =	sor.u32 $0x60, s1;
	s14 =	smul.u32 $0x27100, s13;
	v36 =	vadd.s32 s21, v14;
	vm8 =	vgt.u32 v4, $0x27FF;
	v4 =	vadd.s32 s15, v14  }
0x17: {  	s15 =	sadd.s32 $0xF0, s1;
	v4 =	vsel vm8, v4, v5;
	v5 =	vsel vm9, v6, v7;
	v6 =	vmov s17  }
0x18: {  	s29 =	simm.s32 $0x5000;
	s10 =	sshrl.u32 s14, $0x2;
	s14 =	sadd.s32 $0x150, s1;
	v7 =	vor.u32 s17, v13;
	v19 =	vmov s15;
	v20 =	vor.u32 s15, v13  }
0x19: {  	s30 =	simm.s32 $0x7800;
	s31 =	simm.s32 $0xF800;
	s5 =	smul.u32 $0x9C40, s13;
	v21 =	vadd.s32 s15, v14;
	v37 =	vmov s14;
	v38 =	vor.u32 s14, v13  }
0x1a: {  	s28 =	simm.s32 $0x2;
	s9 =	smul.u32 $0x9C400, s4;
	s15 =	sadd.s32 $0x160, s1;
	v39 =	vadd.s32 s14, v14;
	vm10 =	vgt.u32 v6, $0x27FF;
	v6 =	vadd.s32 s17, v14  }
0x1b: {  	s24 =	sadd.s32 $0x16A00, s6;
	s4 =	ssub.s32 $0x2, s4;
	s7 =	smul.u32 $0x2800, s0;
	v40 =	vmov s15;
	v41 =	vor.u32 s15, v13;
	v42 =	vadd.s32 s15, v14  }
0x1c: {  	s25 =	sshrl.u32 s4, $0x1;
	s22 =	sadd.s32 s5, s9;
	s17 =	sadd.s32 $0x100, s1;
	vm7 =	vgt.u32 v19, $0x27FF;
	v6 =	vsel vm10, v6, v7;
	v7 =	vmov s18  }
0x1d: {  	s9 =	smul.u32 $0xFFFFFFB0, s0;
	s4 =	ssub.s32 s4, s25;
	s7 =	sshrl.u32 s7, $0x3;
	v22 =	vmov s17;
	v23 =	vor.u32 s17, v13;
	v24 =	vadd.s32 s17, v14  }
0x1e: {  	s8 =	sadd.s32 $0x90, s1;
	s23 =	sadd.s32 $0xC0, s1;
	s11 =	sadd.s32 s7, s6;
	vm10 =	vgt.u32 v28, $0x27FF;
	vm11 =	vgt.u32 v7, $0x27FF;
	v7 =	vadd.s32 s18, v14  }
0x1f: {  	s7 =	sshrl.u32 s22, $0x3;
	p0 =	slt.s32 s9, $0xFFFFF68C;
	s18 =	sadd.s32 $0x110, s1;
	vm8 =	vgt.u32 v22, $0x27FF;
	v7 =	vsel vm11, v7, v8;
	v8 =	vsel vm12, v9, v10  }
0x20: {  	s9 =	simm.s32 @!p0 $0xFFFFF68C;
	s16 =	sadd.s32 $0x2000, s11;
	[dreg:$0x4] =	wrdreg s24;
	v9 =	vmov s8;
	v10 =	vor.u32 s8, v13;
	v25 =	vmov s18  }
0x21: {  	s11 =	sadd.s32 $0xC000, s11;
	[dreg:$0x5] =	wrdreg s16;
	s12 =	sadd.s32 s5, s2;
	v26 =	vor.u32 s18, v13;
	vm13 =	vgt.u32 v9, $0x27FF;
	v9 =	vadd.s32 s8, v14  }
0x22: {  	p0 =	slt.u32 s0, $0x1B;
	[dreg:$0x6] =	wrdreg s11;
	s5 =	sadd.s32 $0x1F40, s12;
	v27 =	vadd.s32 s18, v14;
	v9 =	vsel vm13, v9, v10;
	v10 =	vmov s20  }
0x23: {  	s25 =	sadd.s32 $0x5DC0, s12;
	s19 =	sadd.s32 $0x7D00, s12;
	[dreg:$0x7] =	wrdreg s5;
	vm12 =	vgt.u32 v34, $0x27FF;
	vm14 =	vgt.u32 v10, $0x27FF;
	v10 =	vadd.s32 s20, v14  }
0x24: {  	s13 =	simm.s32 $0x0;
	[dreg:$0xb] =	wrdreg s25;
	s5 =	simm.s32 $0x5;
	vm9 =	vgt.u32 v25, $0x27FF;
	vm13 =	vgt.u32 v37, $0x27FF;
	v10 =	vsel vm14, v10, v11  }
0x25: {  	s10 =	sadd.s32 s10, s2;
	s8 =	sadd.s32 s7, s6;
	s20 =	sadd.s32 $0x130, s1;
	v11 =	vsel vm15, v12, v15;
	v12 =	vmov s23;
	v15 =	vor.u32 s23, v13  }
0x26: {  	s6 =	sadd.s32 $0x9C4, s9;
	s9 =	simm.s32 $0x3;
	s1 =	sadd.s32 $0x170, s1;
	v31 =	vmov s20;
	v32 =	vor.u32 s20, v13;
	v33 =	vadd.s32 s20, v14  }
0x27: {  	s25 =	sadd.s32 $0x5DC0, s10;
	s7 =	simm.s32 $0x3;
	s9 =	simm.s32 @!p0 $0x0;
	v43 =	vmov s1;
	v44 =	vor.u32 s1, v13;
	v45 =	vadd.s32 s1, v14  }
0x28: {  	s22 =	sadd.s32 $0x17000, s8;
	s24 =	sadd.s32 $0x173E8, s8;
	s21 =	sadd.s32 $0x17FA0, s8;
	vm14 =	vgt.u32 v40, $0x27FF;
	vm4 =	vgt.u32 v12, $0x27FF;
	v12 =	vadd.s32 s23, v14  }
0x29: {  	p0 =	sgt.u32 s0, $0x1A;
	s0 =	simm.s32 $0x80;
	[dreg:$0x8] =	wrdreg s22;
	vm11 =	vgt.u32 v31, $0x27FF;
	vm15 =	vgt.u32 v43, $0x27FF;
	v22 =	vsel vm14, v42, v41  }
0x2a: {  	s11 =	sor.u32 s9, s6;
	[dreg:$0xa] =	wrdreg s24;
	s22 =	smax.u32 s4, $0x1;
	v12 =	vsel vm4, v12, v15;
	v15 =	vmov s26;
	v19 =	vsel vm11, v33, v32  }
0x2b: {  	s24 =	sadd.s32 $0x3E80, s10;
	s4 =	simm.s32 $0x11780;
	s9 =	simm.s32 $0x6;
	vm5 =	vgt.u32 v15, $0x27FF;
	v15 =	vadd.s32 s26, v14;
	v14 =	vsel vm6, v17, v18  }
0x2c: {  	s20 =	sadd.s32 $0x17BB8, s8;
	s1 =	simm.s32 $0x1;
	s23 =	sadd.s32 $0x3E80, s12;
	v17 =	vsel vm9, v27, v26;
	v18 =	vsel vm10, v30, v29;
	v13 =	vsel vm5, v15, v16  }
0x2d: {  	[dreg:$0x9] =	wrdreg s23;
	s23 =	sadd.s32 $0x1F40, s10;
	s26 =	sadd.s32 $0x177D0, s8;
	v15 =	vsel vm7, v21, v20;
	v16 =	vsel vm8, v24, v23;
	v20 =	vsel vm12, v36, v35  }
0x2e: {  	s8 =	simm.s32 $0x4;
	[dreg:$0xc] =	wrdreg s26;
	s26 =	sadd.s32 $0x7D00, s10;
	v21 =	vsel vm13, v39, v38;
	v23 =	vsel vm15, v45, v44;
	v24 =	vimm.f32 $0.0e+00  }
.LBB2_1:
0x2f: {  	s14 =	rddreg [dreg:$0x5]  }
0x30: {  	[tilespmem:s3], [sflag:$0x1] =	stream.linear.gather [hbm4b:s14+s3], $0x2800, $0x38;
	[tilespmem:$0x1D340] =	vst v63  }
0x31: {  	s16 =	rddreg [dreg:$0x6];
	s15 =	simm.s32 $0x2800  }
0x32: {  	[tilespmem:s15], [sflag:$0x1] =	stream.linear.gather [hbm4b:s16+s3], $0x2800, $0x38;
	[tilespmem:$0x1D340] =	vst v63  }
0x33: {  	s17 =	rddreg [dreg:$0x3]  }
0x34: {  	[tilespmem:s29], [sflag:$0x1] =	stream.linear.gather [hbm4b:s17+s3], $0x2800, $0x38;
	[tilespmem:$0x1D340] =	vst v63  }
0x35: {  	s18 =	rddreg [dreg:$0x4];
	s14 =	simm.s32 $0x40;
	s15 =	simm.s32 $0x0  }
0x36: {  	[tilespmem:s30], [sflag:$0x1] =	stream.linear.gather [hbm4b:s18+s3], $0x2800, $0x38;
	[tilespmem:$0x1D340] =	vst v63  }
.LBB2_2:
0x37: {  	p1 =	sne.s32 s14, $0x7CC0;
	[tilespmem:s15+$0xF800] =	vst v24;
	s15 =	smov.u32 s14;
	s14 =	sadd.s32 $0x40, s14  }
.Ltmp0:
0x38: {  	(pc) =	sbr.rel @p1 .LBB2_2-.Ltmp0, $2  }
0x39: {  	_ =	sdelay $0x2  }
0x3a: {  	s15 =	sshra.s32 s15, $0x2  }
0x3b: {  	[tilespmem:s15+$0xF800] =	vst v24  }
0x3c: {  	[spmem:s10] =	stream.linear.scatter [tilespmem:s31], [sflag:$0x3], $0x1F40, $0x38;
	[tilespmem:$0x1D340] =	vst v63  }
0x3d: {  	_ = 	snop  }
0x3e: {  	[spmem:s23] =	stream.linear.scatter [tilespmem:s31], [sflag:$0x3], $0x1F40, $0x38;
	[tilespmem:$0x1D340] =	vst v63  }
0x3f: {  	_ = 	snop  }
0x40: {  	[spmem:s24] =	stream.linear.scatter [tilespmem:s31], [sflag:$0x3], $0x1F40, $0x38;
	[tilespmem:$0x1D340] =	vst v63  }
0x41: {  	_ = 	snop  }
0x42: {  	[spmem:s25] =	stream.linear.scatter [tilespmem:s31], [sflag:$0x3], $0x1F40, $0x38;
	[tilespmem:$0x1D340] =	vst v63  }
0x43: {  	_ = 	snop  }
0x44: {  	[spmem:s26] =	stream.linear.scatter [tilespmem:s31], [sflag:$0x3], $0x1F40, $0x38;
	[tilespmem:$0x1D340] =	vst v63  }
0x45: {  	_ =	swait.ge [sflag:s7], $0x1F40  }
0x46: {  	[sflag:s7] =	ssyncset.done $0x0  }
0x47: {  	[sflag:s7] =	ssyncadd.s32 $0xFFFFE0C0  }
0x48: {  	_ =	swait.ge [sflag:s7], $0x1F40  }
0x49: {  	[sflag:s7] =	ssyncset.done $0x0  }
0x4a: {  	[sflag:s7] =	ssyncadd.s32 $0xFFFFE0C0  }
0x4b: {  	_ =	swait.ge [sflag:s7], $0x1F40  }
0x4c: {  	[sflag:s7] =	ssyncset.done $0x0  }
0x4d: {  	[sflag:s7] =	ssyncadd.s32 $0xFFFFE0C0  }
0x4e: {  	_ =	swait.ge [sflag:s7], $0x1F40  }
0x4f: {  	[sflag:s7] =	ssyncset.done $0x0  }
0x50: {  	[sflag:s7] =	ssyncadd.s32 $0xFFFFE0C0  }
0x51: {  	_ =	swait.ge [sflag:s7], $0x1F40  }
0x52: {  	[sflag:s7] =	ssyncset.done $0x0  }
0x53: {  	[sflag:s7] =	ssyncadd.s32 $0xFFFFE0C0  }
0x54: {  	_ =	swait.ge [sflag:s1], $0x2800  }
0x55: {  	[sflag:s1] =	ssyncset.done $0x0  }
0x56: {  	[sflag:s1] =	ssyncadd.s32 $0xFFFFD800  }
0x57: {  	_ =	swait.ge [sflag:s1], $0x2800  }
0x58: {  	[sflag:s1] =	ssyncset.done $0x0  }
0x59: {  	[sflag:s1] =	ssyncadd.s32 $0xFFFFD800  }
0x5a: {  	_ =	swait.ge [sflag:s1], $0x2800  }
0x5b: {  	[sflag:s1] =	ssyncset.done $0x0  }
0x5c: {  	[sflag:s1] =	ssyncadd.s32 $0xFFFFD800  }
0x5d: {  	_ =	swait.ge [sflag:s1], $0x2800  }
0x5e: {  	s14 =	simm.s32 $0x0;
	[sflag:s1] =	ssyncset.done $0x0  }
0x5f: {  	s15 =	simm.s32 $0xA000;
	s16 =	simm.s32 $0xCC00;
	[sflag:s1] =	ssyncadd.s32 $0xFFFFD800  }
0x60: {  	s17 =	simm.s32 $0x40;
	s18 =	simm.s32 $0x2840;
	[bflag:$0x0] =	sbarrier.arrive $0xFFFF  }
.LBB2_4:
0x61: {  	v25 =	vld [tilespmem:s18+$0xFFFFFFC0];
	_ =	sdelay $0x7  }
0x62: {  	v26 =	vld.idx.msk [tilespmem:v25+s30+$0x0], $0xffff  }
0x63: {  	v27 =	vld [tilespmem:s17+$0xFFFFFFC0]  }
0x64: {  	v25 =	vld.idx.msk [tilespmem:v25+s29+$0x0], $0xffff;
	_ =	sdelay $0x2  }
0x65: {  	v26 =	vmul.u32 $0x2710, v26;
	_ =	sdelay $0x1  }
0x66: {  	[tilespmem:s16+$0x0] =	vst v25;
	v25 =	vadd.s32 v27, v26  }
0x67: {  	[tilespmem:s15+$0x0] =	vst v25  }
0x68: {  	v25 =	vld [tilespmem:s18+$0xFFFFFFD0];
	_ =	sdelay $0x7  }
0x69: {  	v26 =	vld.idx.msk [tilespmem:v25+s30+$0x0], $0xffff  }
0x6a: {  	v27 =	vld [tilespmem:s17+$0xFFFFFFD0]  }
0x6b: {  	v25 =	vld.idx.msk [tilespmem:v25+s29+$0x0], $0xffff;
	_ =	sdelay $0x2  }
0x6c: {  	v26 =	vmul.u32 $0x2710, v26;
	_ =	sdelay $0x1  }
0x6d: {  	[tilespmem:s16+$0x10] =	vst v25;
	v25 =	vadd.s32 v27, v26  }
0x6e: {  	[tilespmem:s15+$0x10] =	vst v25  }
0x6f: {  	v25 =	vld [tilespmem:s18+$0xFFFFFFE0];
	_ =	sdelay $0x7  }
0x70: {  	v26 =	vld.idx.msk [tilespmem:v25+s30+$0x0], $0xffff  }
0x71: {  	v27 =	vld [tilespmem:s17+$0xFFFFFFE0]  }
0x72: {  	v25 =	vld.idx.msk [tilespmem:v25+s29+$0x0], $0xffff;
	_ =	sdelay $0x2  }
0x73: {  	v26 =	vmul.u32 $0x2710, v26;
	_ =	sdelay $0x1  }
0x74: {  	[tilespmem:s16+$0x20] =	vst v25;
	v25 =	vadd.s32 v27, v26  }
0x75: {  	[tilespmem:s15+$0x20] =	vst v25  }
0x76: {  	v25 =	vld [tilespmem:s18+$0xFFFFFFF0];
	_ =	sdelay $0x7  }
0x77: {  	v26 =	vld.idx.msk [tilespmem:v25+s30+$0x0], $0xffff  }
0x78: {  	v27 =	vld [tilespmem:s17+$0xFFFFFFF0]  }
0x79: {  	v25 =	vld.idx.msk [tilespmem:v25+s29+$0x0], $0xffff;
	_ =	sdelay $0x2  }
0x7a: {  	v26 =	vmul.u32 $0x2710, v26;
	_ =	sdelay $0x1  }
0x7b: {  	[tilespmem:s16+$0x30] =	vst v25;
	v25 =	vadd.s32 v27, v26  }
0x7c: {  	[tilespmem:s15+$0x30] =	vst v25  }
0x7d: {  	v25 =	vld [tilespmem:s18+$0x0];
	_ =	sdelay $0x7  }
0x7e: {  	v26 =	vld.idx.msk [tilespmem:v25+s30+$0x0], $0xffff  }
0x7f: {  	v27 =	vld [tilespmem:s17+$0x0]  }
0x80: {  	v25 =	vld.idx.msk [tilespmem:v25+s29+$0x0], $0xffff;
	_ =	sdelay $0x2  }
0x81: {  	v26 =	vmul.u32 $0x2710, v26;
	_ =	sdelay $0x1  }
0x82: {  	[tilespmem:s16+$0x40] =	vst v25;
	v25 =	vadd.s32 v27, v26  }
0x83: {  	[tilespmem:s15+$0x40] =	vst v25  }
0x84: {  	v25 =	vld [tilespmem:s18+$0x10];
	_ =	sdelay $0x7  }
0x85: {  	v26 =	vld.idx.msk [tilespmem:v25+s30+$0x0], $0xffff  }
0x86: {  	v27 =	vld [tilespmem:s17+$0x10]  }
0x87: {  	v25 =	vld.idx.msk [tilespmem:v25+s29+$0x0], $0xffff;
	_ =	sdelay $0x2  }
0x88: {  	v26 =	vmul.u32 $0x2710, v26;
	_ =	sdelay $0x1  }
0x89: {  	[tilespmem:s16+$0x50] =	vst v25;
	v25 =	vadd.s32 v27, v26  }
0x8a: {  	[tilespmem:s15+$0x50] =	vst v25  }
0x8b: {  	v25 =	vld [tilespmem:s18+$0x20];
	_ =	sdelay $0x7  }
0x8c: {  	v26 =	vld.idx.msk [tilespmem:v25+s30+$0x0], $0xffff  }
0x8d: {  	v27 =	vld [tilespmem:s17+$0x20]  }
0x8e: {  	v25 =	vld.idx.msk [tilespmem:v25+s29+$0x0], $0xffff;
	_ =	sdelay $0x2  }
0x8f: {  	v26 =	vmul.u32 $0x2710, v26;
	_ =	sdelay $0x1  }
0x90: {  	[tilespmem:s16+$0x60] =	vst v25;
	v25 =	vadd.s32 v27, v26  }
0x91: {  	[tilespmem:s15+$0x60] =	vst v25  }
0x92: {  	v25 =	vld [tilespmem:s18+$0x30];
	_ =	sdelay $0x7  }
0x93: {  	v26 =	vld.idx.msk [tilespmem:v25+s30+$0x0], $0xffff  }
0x94: {  	v27 =	vld [tilespmem:s17+$0x30]  }
0x95: {  	v25 =	vld.idx.msk [tilespmem:v25+s29+$0x0], $0xffff;
	_ =	sdelay $0x1  }
0x96: {  	s14 =	sadd.s32 $0x1, s14  }
0x97: {  	p1 =	slt.u32 s14, s6;
	v26 =	vmul.u32 $0x2710, v26  }
.Ltmp1:
0x98: {  	_ = 	snop;
	(pc) =	sbr.rel @p1 .LBB2_4-.Ltmp1, $4  }
0x99: {  	[tilespmem:s16+$0x70] =	vst v25;
	v25 =	vadd.s32 v27, v26  }
0x9a: {  	s17 =	sadd.s32 $0x80, s17;
	[tilespmem:s15+$0x70] =	vst v25  }
0x9b: {  	[spmem:s2] =	stream.indirect.scatter.add.f32 [tilespmem:s16], [sflag:$0x2], $0x1, s15, s0, $0xb8;
	[tilespmem:$0x1D340] =	vst v63  }
0x9c: {  	s18 =	sadd.s32 $0x80, s18;
	s15 =	sadd.s32 $0x80, s15;
	s16 =	sadd.s32 $0x80, s16  }
.Ltmp2:
0x9d: {  	(pc) =	sbr.rel @p0 .LBB2_7-.Ltmp2, $1  }
0x9e: {  	_ =	sdelay $0x3  }
0x9f: {  	_ =	sdelay $0x3  }
0xa0: {  	v25 =	vld.idx.msk [tilespmem:v0+s30+$0x0], $0xffff;
	_ =	sdelay $0x1  }
0xa1: {  	v26 =	vld.idx.msk [tilespmem:v0+s29+$0x0], $0xffff;
	_ =	sdelay $0x2  }
0xa2: {  	v25 =	vmul.u32 $0x2710, v25;
	_ =	sdelay $0x1  }
0xa3: {  	[tilespmem:$0xF400] =	vst v26;
	v25 =	vadd.s32 v0, v25  }
0xa4: {  	[tilespmem:$0xC800] =	vst v25  }
0xa5: {  	v25 =	vld.idx.msk [tilespmem:v1+s30+$0x0], $0xffff;
	_ =	sdelay $0x1  }
0xa6: {  	v26 =	vld.idx.msk [tilespmem:v1+s29+$0x0], $0xffff;
	_ =	sdelay $0x2  }
0xa7: {  	v25 =	vmul.u32 $0x2710, v25;
	_ =	sdelay $0x1  }
0xa8: {  	[tilespmem:$0xF410] =	vst v26;
	v25 =	vadd.s32 v1, v25  }
0xa9: {  	[tilespmem:$0xC810] =	vst v25  }
0xaa: {  	v25 =	vld.idx.msk [tilespmem:v2+s30+$0x0], $0xffff;
	_ =	sdelay $0x1  }
0xab: {  	v26 =	vld.idx.msk [tilespmem:v2+s29+$0x0], $0xffff;
	_ =	sdelay $0x2  }
0xac: {  	v25 =	vmul.u32 $0x2710, v25;
	_ =	sdelay $0x1  }
0xad: {  	[tilespmem:$0xF420] =	vst v26;
	v25 =	vadd.s32 v2, v25  }
0xae: {  	[tilespmem:$0xC820] =	vst v25  }
0xaf: {  	v25 =	vld.idx.msk [tilespmem:v3+s30+$0x0], $0xffff;
	_ =	sdelay $0x1  }
0xb0: {  	v26 =	vld.idx.msk [tilespmem:v3+s29+$0x0], $0xffff;
	_ =	sdelay $0x2  }
0xb1: {  	v25 =	vmul.u32 $0x2710, v25;
	_ =	sdelay $0x1  }
0xb2: {  	[tilespmem:$0xF430] =	vst v26;
	v25 =	vadd.s32 v3, v25  }
0xb3: {  	[tilespmem:$0xC830] =	vst v25  }
0xb4: {  	v25 =	vld.idx.msk [tilespmem:v4+s30+$0x0], $0xffff;
	_ =	sdelay $0x1  }
0xb5: {  	v26 =	vld.idx.msk [tilespmem:v4+s29+$0x0], $0xffff;
	_ =	sdelay $0x2  }
0xb6: {  	v25 =	vmul.u32 $0x2710, v25;
	_ =	sdelay $0x1  }
0xb7: {  	[tilespmem:$0xF440] =	vst v26;
	v25 =	vadd.s32 v4, v25  }
0xb8: {  	[tilespmem:$0xC840] =	vst v25  }
0xb9: {  	v25 =	vld.idx.msk [tilespmem:v5+s30+$0x0], $0xffff;
	_ =	sdelay $0x1  }
0xba: {  	v26 =	vld.idx.msk [tilespmem:v5+s29+$0x0], $0xffff;
	_ =	sdelay $0x2  }
0xbb: {  	v25 =	vmul.u32 $0x2710, v25;
	_ =	sdelay $0x1  }
0xbc: {  	[tilespmem:$0xF450] =	vst v26;
	v25 =	vadd.s32 v5, v25  }
0xbd: {  	[tilespmem:$0xC850] =	vst v25  }
0xbe: {  	v25 =	vld.idx.msk [tilespmem:v6+s30+$0x0], $0xffff;
	_ =	sdelay $0x1  }
0xbf: {  	v26 =	vld.idx.msk [tilespmem:v6+s29+$0x0], $0xffff;
	_ =	sdelay $0x2  }
0xc0: {  	v25 =	vmul.u32 $0x2710, v25;
	_ =	sdelay $0x1  }
0xc1: {  	[tilespmem:$0xF460] =	vst v26;
	v25 =	vadd.s32 v6, v25  }
0xc2: {  	[tilespmem:$0xC860] =	vst v25  }
0xc3: {  	v25 =	vld.idx.msk [tilespmem:v7+s30+$0x0], $0xffff;
	_ =	sdelay $0x1  }
0xc4: {  	v26 =	vld.idx.msk [tilespmem:v7+s29+$0x0], $0xffff;
	_ =	sdelay $0x2  }
0xc5: {  	v25 =	vmul.u32 $0x2710, v25;
	_ =	sdelay $0x1  }
0xc6: {  	[tilespmem:$0xF470] =	vst v26;
	v25 =	vadd.s32 v7, v25  }
0xc7: {  	s14 =	simm.s32 $0xC800;
	s15 =	simm.s32 $0xF400;
	[tilespmem:$0xC870] =	vst v25  }
0xc8: {  	[spmem:s2] =	stream.indirect.scatter.add.f32 [tilespmem:s15], [sflag:$0x2], $0x1, s14, s0, $0xb8;
	[tilespmem:$0x1D340] =	vst v63  }
0xc9: {  	v25 =	vld.idx.msk [tilespmem:v8+s30+$0x0], $0xffff;
	_ =	sdelay $0x1  }
0xca: {  	v26 =	vld.idx.msk [tilespmem:v8+s29+$0x0], $0xffff;
	_ =	sdelay $0x2  }
0xcb: {  	v25 =	vmul.u32 $0x2710, v25;
	_ =	sdelay $0x1  }
0xcc: {  	[tilespmem:$0xF480] =	vst v26;
	v25 =	vadd.s32 v8, v25  }
0xcd: {  	[tilespmem:$0xC880] =	vst v25  }
0xce: {  	v25 =	vld.idx.msk [tilespmem:v9+s30+$0x0], $0xffff;
	_ =	sdelay $0x1  }
0xcf: {  	v26 =	vld.idx.msk [tilespmem:v9+s29+$0x0], $0xffff;
	_ =	sdelay $0x2  }
0xd0: {  	v25 =	vmul.u32 $0x2710, v25;
	_ =	sdelay $0x1  }
0xd1: {  	[tilespmem:$0xF490] =	vst v26;
	v25 =	vadd.s32 v9, v25  }
0xd2: {  	[tilespmem:$0xC890] =	vst v25  }
0xd3: {  	v25 =	vld.idx.msk [tilespmem:v10+s30+$0x0], $0xffff;
	_ =	sdelay $0x1  }
0xd4: {  	v26 =	vld.idx.msk [tilespmem:v10+s29+$0x0], $0xffff;
	_ =	sdelay $0x2  }
0xd5: {  	v25 =	vmul.u32 $0x2710, v25;
	_ =	sdelay $0x1  }
0xd6: {  	[tilespmem:$0xF4A0] =	vst v26;
	v25 =	vadd.s32 v10, v25  }
0xd7: {  	[tilespmem:$0xC8A0] =	vst v25  }
0xd8: {  	v25 =	vld.idx.msk [tilespmem:v11+s30+$0x0], $0xffff;
	_ =	sdelay $0x1  }
0xd9: {  	v26 =	vld.idx.msk [tilespmem:v11+s29+$0x0], $0xffff;
	_ =	sdelay $0x2  }
0xda: {  	v25 =	vmul.u32 $0x2710, v25;
	_ =	sdelay $0x1  }
0xdb: {  	[tilespmem:$0xF4B0] =	vst v26;
	v25 =	vadd.s32 v11, v25  }
0xdc: {  	[tilespmem:$0xC8B0] =	vst v25  }
0xdd: {  	v25 =	vld.idx.msk [tilespmem:v12+s30+$0x0], $0xffff;
	_ =	sdelay $0x1  }
0xde: {  	v26 =	vld.idx.msk [tilespmem:v12+s29+$0x0], $0xffff;
	_ =	sdelay $0x2  }
0xdf: {  	v25 =	vmul.u32 $0x2710, v25;
	_ =	sdelay $0x1  }
0xe0: {  	[tilespmem:$0xF4C0] =	vst v26;
	v25 =	vadd.s32 v12, v25  }
0xe1: {  	[tilespmem:$0xC8C0] =	vst v25  }
0xe2: {  	v25 =	vld.idx.msk [tilespmem:v13+s30+$0x0], $0xffff;
	_ =	sdelay $0x1  }
0xe3: {  	v26 =	vld.idx.msk [tilespmem:v13+s29+$0x0], $0xffff;
	_ =	sdelay $0x2  }
0xe4: {  	v25 =	vmul.u32 $0x2710, v25;
	_ =	sdelay $0x1  }
0xe5: {  	[tilespmem:$0xF4D0] =	vst v26;
	v25 =	vadd.s32 v13, v25  }
0xe6: {  	[tilespmem:$0xC8D0] =	vst v25  }
0xe7: {  	v25 =	vld.idx.msk [tilespmem:v14+s30+$0x0], $0xffff;
	_ =	sdelay $0x1  }
0xe8: {  	v26 =	vld.idx.msk [tilespmem:v14+s29+$0x0], $0xffff;
	_ =	sdelay $0x2  }
0xe9: {  	v25 =	vmul.u32 $0x2710, v25;
	_ =	sdelay $0x1  }
0xea: {  	[tilespmem:$0xF4E0] =	vst v26;
	v25 =	vadd.s32 v14, v25  }
0xeb: {  	[tilespmem:$0xC8E0] =	vst v25  }
0xec: {  	v25 =	vld.idx.msk [tilespmem:v15+s30+$0x0], $0xffff;
	_ =	sdelay $0x1  }
0xed: {  	v26 =	vld.idx.msk [tilespmem:v15+s29+$0x0], $0xffff;
	_ =	sdelay $0x2  }
0xee: {  	v25 =	vmul.u32 $0x2710, v25;
	_ =	sdelay $0x1  }
0xef: {  	[tilespmem:$0xF4F0] =	vst v26;
	v25 =	vadd.s32 v15, v25  }
0xf0: {  	s16 =	simm.s32 $0xF480;
	s15 =	simm.s32 $0xC880;
	[tilespmem:$0xC8F0] =	vst v25  }
0xf1: {  	[spmem:s2] =	stream.indirect.scatter.add.f32 [tilespmem:s16], [sflag:$0x2], $0x1, s15, s0, $0xb8;
	[tilespmem:$0x1D340] =	vst v63  }
0xf2: {  	v25 =	vld.idx.msk [tilespmem:v16+s30+$0x0], $0xffff;
	_ =	sdelay $0x1  }
0xf3: {  	v26 =	vld.idx.msk [tilespmem:v16+s29+$0x0], $0xffff;
	_ =	sdelay $0x2  }
0xf4: {  	v25 =	vmul.u32 $0x2710, v25;
	_ =	sdelay $0x1  }
0xf5: {  	[tilespmem:$0xF500] =	vst v26;
	v25 =	vadd.s32 v16, v25  }
0xf6: {  	[tilespmem:$0xC900] =	vst v25  }
0xf7: {  	v25 =	vld.idx.msk [tilespmem:v17+s30+$0x0], $0xffff;
	_ =	sdelay $0x1  }
0xf8: {  	v26 =	vld.idx.msk [tilespmem:v17+s29+$0x0], $0xffff;
	_ =	sdelay $0x2  }
0xf9: {  	v25 =	vmul.u32 $0x2710, v25;
	_ =	sdelay $0x1  }
0xfa: {  	[tilespmem:$0xF510] =	vst v26;
	v25 =	vadd.s32 v17, v25  }
0xfb: {  	[tilespmem:$0xC910] =	vst v25  }
0xfc: {  	v25 =	vld.idx.msk [tilespmem:v18+s30+$0x0], $0xffff;
	_ =	sdelay $0x1  }
0xfd: {  	v26 =	vld.idx.msk [tilespmem:v18+s29+$0x0], $0xffff;
	_ =	sdelay $0x2  }
0xfe: {  	v25 =	vmul.u32 $0x2710, v25;
	_ =	sdelay $0x1  }
0xff: {  	[tilespmem:$0xF520] =	vst v26;
	v25 =	vadd.s32 v18, v25  }
0x100: {  	[tilespmem:$0xC920] =	vst v25  }
0x101: {  	v25 =	vld.idx.msk [tilespmem:v19+s30+$0x0], $0xffff;
	_ =	sdelay $0x1  }
0x102: {  	v26 =	vld.idx.msk [tilespmem:v19+s29+$0x0], $0xffff;
	_ =	sdelay $0x2  }
0x103: {  	v25 =	vmul.u32 $0x2710, v25;
	_ =	sdelay $0x1  }
0x104: {  	[tilespmem:$0xF530] =	vst v26;
	v25 =	vadd.s32 v19, v25  }
0x105: {  	[tilespmem:$0xC930] =	vst v25  }
0x106: {  	v25 =	vld.idx.msk [tilespmem:v20+s30+$0x0], $0xffff;
	_ =	sdelay $0x1  }
0x107: {  	v26 =	vld.idx.msk [tilespmem:v20+s29+$0x0], $0xffff;
	_ =	sdelay $0x2  }
0x108: {  	v25 =	vmul.u32 $0x2710, v25;
	_ =	sdelay $0x1  }
0x109: {  	[tilespmem:$0xF540] =	vst v26;
	v25 =	vadd.s32 v20, v25  }
0x10a: {  	[tilespmem:$0xC940] =	vst v25  }
0x10b: {  	v25 =	vld.idx.msk [tilespmem:v21+s30+$0x0], $0xffff;
	_ =	sdelay $0x1  }
0x10c: {  	v26 =	vld.idx.msk [tilespmem:v21+s29+$0x0], $0xffff;
	_ =	sdelay $0x2  }
0x10d: {  	v25 =	vmul.u32 $0x2710, v25;
	_ =	sdelay $0x1  }
0x10e: {  	[tilespmem:$0xF550] =	vst v26;
	v25 =	vadd.s32 v21, v25  }
0x10f: {  	[tilespmem:$0xC950] =	vst v25  }
0x110: {  	v25 =	vld.idx.msk [tilespmem:v22+s30+$0x0], $0xffff;
	_ =	sdelay $0x1  }
0x111: {  	v26 =	vld.idx.msk [tilespmem:v22+s29+$0x0], $0xffff;
	_ =	sdelay $0x2  }
0x112: {  	v25 =	vmul.u32 $0x2710, v25;
	_ =	sdelay $0x1  }
0x113: {  	[tilespmem:$0xF560] =	vst v26;
	v25 =	vadd.s32 v22, v25  }
0x114: {  	[tilespmem:$0xC960] =	vst v25  }
0x115: {  	v25 =	vld.idx.msk [tilespmem:v23+s30+$0x0], $0xffff;
	_ =	sdelay $0x1  }
0x116: {  	v26 =	vld.idx.msk [tilespmem:v23+s29+$0x0], $0xffff;
	_ =	sdelay $0x2  }
0x117: {  	v25 =	vmul.u32 $0x2710, v25;
	_ =	sdelay $0x1  }
0x118: {  	[tilespmem:$0xF570] =	vst v26;
	v25 =	vadd.s32 v23, v25  }
0x119: {  	s17 =	simm.s32 $0xC900;
	s18 =	simm.s32 $0xF500;
	[tilespmem:$0xC970] =	vst v25  }
0x11a: {  	[spmem:s2] =	stream.indirect.scatter.add.f32 [tilespmem:s18], [sflag:$0x2], $0x1, s17, s0, $0xb8;
	[tilespmem:$0x1D340] =	vst v63  }
.LBB2_7:
0x11b: {  	p1 =	sgt.u32 s11, $0x1  }
.Ltmp3:
0x11c: {  	_ = 	snop;
	(pc) =	sbr.rel @!p1 .LBB2_9-.Ltmp3, $3  }
0x11d: {  	_ =	sdelay $0x1  }
0x11e: {  	_ =	swait.ge [sflag:s28], $0x80  }
0x11f: {  	s14 =	simm.s32 $0x1;
	[sflag:s28] =	ssyncset.done $0x0  }
.LBB2_8:
0x120: {  	s14 =	sadd.s32 $0x1, s14  }
0x121: {  	[sflag:s28] =	ssyncadd.s32 $0xFFFFFF80;
	p1 =	slt.u32 s14, s11  }
.Ltmp4:
0x122: {  	(pc) =	sbr.rel @p1 .LBB2_8-.Ltmp4, $3  }
0x123: {  	_ =	sdelay $0x1  }
0x124: {  	_ =	swait.ge [sflag:s28], $0x80  }
0x125: {  	[sflag:s28] =	ssyncset.done $0x0  }
.LBB2_9:
0x126: {  	[sflag:s28] =	ssyncadd.s32 $0xFFFFFF80  }
0x127: {  	[bflag:$0x0] =	sbarrier.arrive $0xFFFF  }
0x128: {  	[tilespmem:s31], [sflag:$0x1] =	stream.linear.gather [spmem:s12], $0x1F40, $0x38;
	[tilespmem:$0x1D340] =	vst v63  }
0x129: {  	s14 =	rddreg [dreg:$0x7]  }
0x12a: {  	[tilespmem:s4], [sflag:$0x4] =	stream.linear.gather [spmem:s14], $0x1F40, $0x38;
	[tilespmem:$0x1D340] =	vst v63  }
0x12b: {  	_ =	swait.ge [sflag:s1], $0x1F40  }
0x12c: {  	[sflag:s1] =	ssyncset.done $0x0  }
0x12d: {  	s18 =	rddreg [dreg:$0x8];
	[sflag:s1] =	ssyncadd.s32 $0xFFFFE0C0  }
0x12e: {  	[hbm4b:s18+s3] =	stream.linear.scatter [tilespmem:s31], [sflag:$0x5], $0x1F40, $0x38;
	[tilespmem:$0x1D340] =	vst v63  }
0x12f: {  	_ =	swait.ge [sflag:s5], $0x1F40  }
0x130: {  	[sflag:s5] =	ssyncset.done $0x0  }
0x131: {  	s15 =	rddreg [dreg:$0x9];
	[sflag:s5] =	ssyncadd.s32 $0xFFFFE0C0  }
0x132: {  	[tilespmem:s31], [sflag:$0x1] =	stream.linear.gather [spmem:s15], $0x1F40, $0x38;
	[tilespmem:$0x1D340] =	vst v63  }
0x133: {  	_ =	swait.ge [sflag:s8], $0x1F40  }
0x134: {  	[sflag:s8] =	ssyncset.done $0x0  }
0x135: {  	s16 =	rddreg [dreg:$0xa];
	[sflag:s8] =	ssyncadd.s32 $0xFFFFE0C0  }
0x136: {  	[hbm4b:s16+s3] =	stream.linear.scatter [tilespmem:s4], [sflag:$0x6], $0x1F40, $0x38;
	[tilespmem:$0x1D340] =	vst v63  }
0x137: {  	_ =	swait.ge [sflag:s9], $0x1F40  }
0x138: {  	[sflag:s9] =	ssyncset.done $0x0  }
0x139: {  	s17 =	rddreg [dreg:$0xb];
	[sflag:s9] =	ssyncadd.s32 $0xFFFFE0C0  }
0x13a: {  	[tilespmem:s4], [sflag:$0x4] =	stream.linear.gather [spmem:s17], $0x1F40, $0x38;
	[tilespmem:$0x1D340] =	vst v63  }
0x13b: {  	_ =	swait.ge [sflag:s1], $0x1F40  }
0x13c: {  	[sflag:s1] =	ssyncset.done $0x0  }
0x13d: {  	s18 =	rddreg [dreg:$0xc];
	[sflag:s1] =	ssyncadd.s32 $0xFFFFE0C0  }
0x13e: {  	[hbm4b:s18+s3] =	stream.linear.scatter [tilespmem:s31], [sflag:$0x5], $0x1F40, $0x38;
	[tilespmem:$0x1D340] =	vst v63  }
0x13f: {  	_ =	swait.ge [sflag:s5], $0x1F40  }
0x140: {  	[sflag:s5] =	ssyncset.done $0x0  }
0x141: {  	[sflag:s5] =	ssyncadd.s32 $0xFFFFE0C0  }
0x142: {  	[tilespmem:s31], [sflag:$0x1] =	stream.linear.gather [spmem:s19], $0x1F40, $0x38;
	[tilespmem:$0x1D340] =	vst v63  }
0x143: {  	_ =	swait.ge [sflag:s8], $0x1F40  }
0x144: {  	[sflag:s8] =	ssyncset.done $0x0  }
0x145: {  	[sflag:s8] =	ssyncadd.s32 $0xFFFFE0C0  }
0x146: {  	[hbm4b:s20+s3] =	stream.linear.scatter [tilespmem:s4], [sflag:$0x6], $0x1F40, $0x38;
	[tilespmem:$0x1D340] =	vst v63  }
0x147: {  	_ =	swait.ge [sflag:s1], $0x1F40  }
0x148: {  	[sflag:s1] =	ssyncset.done $0x0  }
0x149: {  	s13 =	sadd.s32 $0x1, s13;
	[sflag:s1] =	ssyncadd.s32 $0xFFFFE0C0  }
0x14a: {  	[hbm4b:s21+s3] =	stream.linear.scatter [tilespmem:s31], [sflag:$0x5], $0x1F40, $0x38;
	[tilespmem:$0x1D340] =	vst v63  }
0x14b: {  	p1 =	sne.s32 s13, s22;
	_ =	swait.ge [sflag:s9], $0x1F40  }
.Ltmp5:
0x14c: {  	[sflag:s9] =	ssyncset.done $0x0;
	(pc) =	sbr.rel @p1 .LBB2_1-.Ltmp5, $4  }
0x14d: {  	[sflag:s9] =	ssyncadd.s32 $0xFFFFE0C0  }
0x14e: {  	_ =	swait.ge [sflag:s5], $0x1F40  }
0x14f: {  	[sflag:s5] =	ssyncset.done $0x0  }
0x150: {  	[sflag:s5] =	ssyncadd.s32 $0xFFFFE0C0  }
0x151: {  	_ =	sfence.sel $0x180000  }
0x152: {  	[bflag:$0x0] =	sbarrier.arrive $0xFFFF  }
0x153: {  	_ =	strace $0x9000004A  }
0x154: {  	s0 =	stileid.u32;
	[bflag:$0x2] =	sbarrier.arrive $0xFFFF  }
0x155: {  	p0 =	sne.s32 s0, $0x0;
	s0 =	rddreg [dreg:$0x2]  }
0x156: {  	s0 =	sadd.s32 @!p0 $0x100000, s0  }
0x157: {  	[sflag:s0] =	ssyncadd.tile.s32 @!p0 $0x1;
	_ =	shalt  }
.Lfunc_end2:
_tile_overlayer_lowered:
.L_overlay_start_2:
0x158: {  	(tag) =	ssettag $0x2  }
0x159: {  	s0 =	rddreg [dreg:$0x0];
	s2 =	stileid.u32  }
0x15a: {  	s1 =	rddreg [dreg:$0x1];
	p0 =	sne.s32 s2, $0x0  }
0x15b: {  	s3 =	rddreg [dreg:$0x2];
	[bflag:$0x3] =	sbarrier.arrive $0xFFFF;
	s2 =	simm.s32 @!p0 $0x1C07  }
0x15c: {  	[timem:s3], [sflag:s2] =	dma.local @!p0 [hbm:s0], s1  }
0x15d: {  	s0 =	simm.s32 @!p0 $0x7  }
0x15e: {  	_ =	swait.ge @!p0 [sflag:s0], s1  }
0x15f: {  	s1 =	ssub.s32 @!p0 $0x0, s1;
	[sflag:s0] =	ssyncset.done @!p0 $0x0  }
0x160: {  	[sflag:s0] =	ssyncadd.s32 @!p0 s1  }
0x161: {  	[bflag:$0x3] =	sbarrier.arrive $0xFFFF  }
0x162: {  	_ =	shalt  }

// kernel: kernel.7.cloned.1.call-start
scs
__scs_entry_jumppad:
0x0: {  	(pc) =	sbr.rel $0x88, $3  }
0x1: {  	(tag) =	ssettag $0x0;
	lr =	simm.s32 $0x1  }
0x2: {  	[smem:$0x3F9A] =	sst lr;
	_ =	strace $0xD0000000  }
0x3: {  	_ = 	snop  }
0x4: {  	_ = 	snop  }
0x5: {  	_ = 	snop  }
0x6: {  	_ = 	snop  }
0x7: {  	_ = 	snop  }
__scs_overlays_trampoline_lowered:
0x8: {  	[smem:$0x3FA9] =	sst s0  }
0x9: {  	[smem:$0x3FAA] =	sst s1  }
0xa: {  	[smem:$0x3FAB] =	sst s2  }
0xb: {  	[smem:$0x3FAC] =	sst s3  }
0xc: {  	[smem:$0x3FAD] =	sst s4  }
0xd: {  	[smem:$0x3FAE] =	sst s5  }
0xe: {  	[smem:$0x3FAF] =	sst s6  }
0xf: {  	[smem:$0x3FB0] =	sst s7  }
0x10: {  	[smem:$0x3FB1] =	sst s8  }
0x11: {  	[smem:$0x3FB2] =	sst s9;
	s0 =	simm.s32 @!p0 $0x0  }
0x12: {  	s1 =	sld [smem:$0x3F98];
	s0 =	simm.s32 @p0 $0x1  }
0x13: {  	[smem:$0x3FB3] =	sst s0;
	s0 =	simm.s32 @!p1 $0x0  }
0x14: {  	s2 =	sld [smem:$0x3F97];
	s0 =	simm.s32 @p1 $0x1  }
0x15: {  	[smem:$0x3FB4] =	sst s0;
	s0 =	simm.s32 @!p2 $0x0  }
0x16: {  	s3 =	sld [smem:$0x3FDB];
	s0 =	simm.s32 @p2 $0x1  }
0x17: {  	s4 =	simm.s32 $0x1BF5;
	[smem:$0x3FB6] =	sst s0  }
0x18: {  	s0 =	sld [smem:$0x3F99];
	_ =	swait.ge [sflag:s4], $0x0  }
0x19: {  	s7 =	sld [smem:$0x3F9A]  }
0x1a: {  	s8 =	sadd.s32 $0xFFFFE003, lr  }
0x1b: {  	s9 =	sadd.s32 $0xFFFFFEF7, lr;
	s5 =	simm.s32 $0xFFFFFFFF;
	p2 =	slt.u32 s8, $0xFFFFF086  }
0x1c: {  	p1 =	slt.u32 s9, $0xF7A;
	s5 =	simm.s32 @!p2 $0x0  }
0x1d: {  	s5 =	simm.s32 @p1 $0x1;
	p0 =	seq.s32 s7, s2  }
0x1e: {  	s7 =	smul.u32 @!p0 $0xF7A, s2;
	p2 =	seq.s32 @!p0 s5, $0x0  }
0x1f: {  	s9 =	smul.u32 $0xF7A, s1;
	s8 =	simm.s32 @!p0 $0x1BF5;
	p2 =	por !p2, p0  }
0x20: {  	[sflag:s8] =	ssyncset.s32 @!p0 $0xFFFFF086;
	s6 =	sadd.s32 @!p0 s3, s7;
	s7 =	simm.s32 @!p0 $0x108  }
0x21: {  	s3 =	sadd.s32 s3, s9;
	s6 =	sadd.s32 @!p0 $0x88, s6;
	s7 =	simm.s32 @p2 $0x1082  }
0x22: {  	[simem:s7], [sflag:s8] =	dma.local @!p0 [hbm:s6], $0xF7A  }
0x23: {  	s9 =	sor.u32 $0xD0000000, s2;
	s6 =	simm.s32 $0x108;
	_ =	swait.ge @!p0 [sflag:s8], $0x0  }
0x24: {  	s3 =	sadd.s32 $0x88, s3;
	s6 =	simm.s32 @!p1 $0x1082;
	[sflag:s4] =	ssyncset.s32 $0xFFFFF086  }
0x25: {  	[simem:s6], [sflag:s4] =	dma.local [hbm:s3], $0xF7A  }
0x26: {  	[smem:$0x3F9A] =	sst s1;
	(tag) =	ssettag s2;
	_ =	strace s9  }
0x27: {  	s1 =	sld [smem:$0x3FAA]  }
0x28: {  	s2 =	sld [smem:$0x3FAB]  }
0x29: {  	s4 =	sld [smem:$0x3FAD]  }
0x2a: {  	p0 =	seq.s32 s5, $0x0;
	s5 =	sld [smem:$0x3FAE]  }
0x2b: {  	s6 =	sld [smem:$0x3FAF]  }
0x2c: {  	s7 =	sld [smem:$0x3FB0]  }
0x2d: {  	s3 =	simm.s32 $0x108;
	s8 =	sld [smem:$0x3FB1]  }
0x2e: {  	s3 =	simm.s32 @!p0 $0x1082;
	s9 =	sld [smem:$0x3FB2]  }
0x2f: {  	lr =	sadd.s32 s0, s3;
	s0 =	sld [smem:$0x3FA9]  }
0x30: {  	s3 =	sld [smem:$0x3FAC]  }
0x31: {  	[smem:$0x3FB5] =	sst s10  }
0x32: {  	s10 =	sld [smem:$0x3FB3];
	_ =	sdelay $0x3  }
0x33: {  	p0 =	seq.s32 s10, $0x1;
	s10 =	sld [smem:$0x3FB5];
	_ =	sdelay $0x3  }
0x34: {  	[smem:$0x3FB5] =	sst s10  }
0x35: {  	s10 =	sld [smem:$0x3FB4];
	_ =	sdelay $0x3  }
0x36: {  	p1 =	seq.s32 s10, $0x1;
	s10 =	sld [smem:$0x3FB5];
	_ =	sdelay $0x3  }
0x37: {  	[smem:$0x3FB5] =	sst s10  }
0x38: {  	s10 =	sld [smem:$0x3FB6]  }
0x39: {  	_ = 	snop;
	(pc) =	sbr.ind lr, $3  }
0x3a: {  	_ = 	snop  }
0x3b: {  	_ = 	snop  }
0x3c: {  	p2 =	seq.s32 s10, $0x1;
	s10 =	sld [smem:$0x3FB5]  }
0x3d: {  	_ =	shalt  }
0x3e: {  	_ =	shalt  }
0x3f: {  	_ =	shalt  }
0x40: {  	_ =	shalt  }
0x41: {  	_ =	shalt  }
0x42: {  	_ =	shalt  }
0x43: {  	_ =	shalt  }
0x44: {  	_ =	shalt  }
0x45: {  	_ =	shalt  }
0x46: {  	_ =	shalt  }
0x47: {  	_ =	shalt  }
0x48: {  	_ =	shalt  }
0x49: {  	_ =	shalt  }
0x4a: {  	_ =	shalt  }
0x4b: {  	_ =	shalt  }
0x4c: {  	_ =	shalt  }
0x4d: {  	_ =	shalt  }
0x4e: {  	_ =	shalt  }
0x4f: {  	_ =	shalt  }
0x50: {  	_ =	shalt  }
0x51: {  	_ =	shalt  }
0x52: {  	_ =	shalt  }
0x53: {  	_ =	shalt  }
0x54: {  	_ =	shalt  }
0x55: {  	_ =	shalt  }
0x56: {  	_ =	shalt  }
0x57: {  	_ =	shalt  }
0x58: {  	_ =	shalt  }
0x59: {  	_ =	shalt  }
0x5a: {  	_ =	shalt  }
0x5b: {  	_ =	shalt  }
0x5c: {  	_ =	shalt  }
0x5d: {  	_ =	shalt  }
0x5e: {  	_ =	shalt  }
0x5f: {  	_ =	shalt  }
0x60: {  	_ =	shalt  }
0x61: {  	_ =	shalt  }
0x62: {  	_ =	shalt  }
0x63: {  	_ =	shalt  }
0x64: {  	_ =	shalt  }
0x65: {  	_ =	shalt  }
0x66: {  	_ =	shalt  }
0x67: {  	_ =	shalt  }
0x68: {  	_ =	shalt  }
0x69: {  	_ =	shalt  }
0x6a: {  	_ =	shalt  }
0x6b: {  	_ =	shalt  }
0x6c: {  	_ =	shalt  }
0x6d: {  	_ =	shalt  }
0x6e: {  	_ =	shalt  }
0x6f: {  	_ =	shalt  }
0x70: {  	_ =	shalt  }
0x71: {  	_ =	shalt  }
0x72: {  	_ =	shalt  }
0x73: {  	_ =	shalt  }
0x74: {  	_ =	shalt  }
0x75: {  	_ =	shalt  }
0x76: {  	_ =	shalt  }
0x77: {  	_ =	shalt  }
0x78: {  	_ =	shalt  }
0x79: {  	_ =	shalt  }
0x7a: {  	_ =	shalt  }
0x7b: {  	_ =	shalt  }
0x7c: {  	_ =	shalt  }
0x7d: {  	_ =	shalt  }
0x7e: {  	_ =	shalt  }
0x7f: {  	_ =	shalt  }
0x80: {  	_ =	shalt  }
0x81: {  	_ =	shalt  }
0x82: {  	_ =	shalt  }
0x83: {  	_ =	shalt  }
0x84: {  	_ =	shalt  }
0x85: {  	_ =	shalt  }
0x86: {  	_ =	shalt  }
0x87: {  	_ =	shalt  }
.Lfunc_end0:
.L_simem_size_0:
called_computation_lowered:
.L_overlay_start_0:
0x88: {  	s2 =	sld [smem:$0x3FD9]  }
0x89: {  	s3 =	sld [smem:$0x3FFE];
	_ =	sdelay $0x1  }
0x8a: {  	s1 =	srdreg.scid  }
0x8b: {  	s0 =	sand.u32 $0x1, s1  }
0x8c: {  	s16 =	sshll.u32 s0, $0xA;
	s2 =	sadd.s32 s3, s2  }
0x8d: {  	s2 =	sadd.s32 s2, s16  }
0x8e: {  	[smem:$0x3FC1] =	sst s2  }
0x8f: {  	_ = 	snop  }
0x90: {  	(tm) =	ssettm $0x1  }
0x91: {  	s17 =	sld [smem:$0x3FFB];
	_ =	sdelay $0x3  }
0x92: {  	_ =	strace s17  }
0x93: {  	s2 =	sld [smem:$0x3FFC];
	_ =	sdelay $0x3  }
0x94: {  	_ =	strace s2  }
0x95: {  	s2 =	sld [smem:$0x3FFD];
	_ =	sdelay $0x3  }
0x96: {  	_ =	strace s2  }
0x97: {  	_ =	strace $0x8FFFFFFF  }
0x98: {  	s18 =	sld [smem:$0x3FDB];
	_ =	sdelay $0x1  }
0x99: {  	s19 =	simm.s32 $_scs_section_size  }
0x9a: {  	s4 =	simm.s32 $_size__tile_overlayer_lowered;
	s5 =	simm.s32 $_tile_overlayer_lowered  }
0x9b: {  	s22 =	simm.s32 $0x1BFF;
	s21 =	sshll.u32 s5, $0x1;
	s2 =	sadd.s32 s19, s18  }
0x9c: {  	s6 =	simm.s32 $0x0;
	s20 =	sshll.u32 s4, $0x1;
	s4 =	sadd.s32 s21, s2  }
0x9d: {  	[timem:s6], [sflag:s22] =	dma.local [hbm:s4], s20  }
0x9e: {  	_ =	swait.ge [sflag:s22], s20  }
0x9f: {  	s3 =	ssub.s32 $0x0, s20;
	[sflag:s22] =	ssyncset.done $0x0  }
0xa0: {  	[sflag:s22] =	ssyncadd.s32 s3;
	_ =	sdelay $0x1  }
0xa1: {  	s23 =	simm.s32 $0x1B8B  }
0xa2: {  	_ =	swait.ge [sflag:s23], $0x1  }
0xa3: {  	[sflag:s23] =	ssyncset.done $0x0  }
0xa4: {  	s25 =	simm.s32 $0x1B8E;
	s24 =	sld [smem:$0x3FFE];
	[sflag:s23] =	ssyncadd.s32 $0xFFFFFFFF  }
0xa5: {  	s26 =	simm.s32 $execute0_lowered;
	[smem:$0x3FD2] =	sst s25  }
0xa6: {  	s4 =	sshll.u32 s26, $0x1;
	_ =	strace $0x80000046;
	[dreg:$0x1] =	wrdreg $0xFFFFFFFF  }
0xa7: {  	s28 =	simm.s32 $_size_execute0_lowered;
	s2 =	sadd.s32 s2, s4;
	[dreg:$0x0] =	wrdreg $0x0  }
0xa8: {  	s4 =	sshll.u32 s28, $0x1;
	[dreg:$0x2] =	wrdreg s2  }
0xa9: {  	[dreg:$0x3] =	wrdreg s4  }
0xaa: {  	[dreg:$0x4] =	wrdreg $0xC0  }
0xab: {  	_ =	task [dreg:s6], $0x5FFFF  }
0xac: {  	[dreg:$0x1] =	wrdreg $0xFFFFFFFF  }
0xad: {  	[dreg:$0x0] =	wrdreg $0x60  }
0xae: {  	[dreg:$0x2] =	wrdreg s24  }
0xaf: {  	[dreg:$0x3] =	wrdreg $0x2B000  }
0xb0: {  	[dreg:$0x4] =	wrdreg $0x9  }
0xb1: {  	_ =	task.clear_ibuf [dreg:s6], $0x5FFFF;
	_ =	strace $0x90000046  }
0xb2: {  	s29 =	simm.s32 $0x9;
	_ =	strace $0x80000048  }
0xb3: {  	_ =	swait.ge [sflag:s29], $0x1  }
0xb4: {  	[sflag:s29] =	ssyncadd.s32 $0xFFFFFFFF  }
0xb5: {  	_ =	strace $0x90000048  }
0xb6: {  	_ =	sfence  }
0xb7: {  	s30 =	sld [smem:$0x0];
	_ =	sdelay $0x2  }
0xb8: {  	s31 =	sshll.u32 s1, $0xD;
	s1 =	sshrl.u32 s1, $0x2  }
0xb9: {  	s3 =	sand.u32 $0x4000, s31;
	s1 =	sadd.s32 s1, s30  }
0xba: {  	s0 =	sor.u32 s3, s0;
	s1 =	sshll.u32 s1, $0x11  }
0xbb: {  	s0 =	sor.u32 s1, s0  }
0xbc: {  	s0 =	sadd.s32 $0x8F2B, s0  }
0xbd: {  	[sflag:s0] =	ssyncadd.remote.s32 $0x1  }
0xbe: {  	_ =	sfence.sel $0xFFFF  }
0xbf: {  	[dreg:$0x0] =	wrdreg $0xFFFFFFFF;
	(pc) =	sbr.abs _section_cstart, $3  }
0xc0: {  	[dreg:$0x1] =	wrdreg $0xFFFFFFFF  }
0xc1: {  	_ =	task.clear_ibuf [dreg:s6], $0x2FFFF;
	_ =	strace $0x9FFFFFFF  }
0xc2: {  	(tm) =	ssettm $0x7FFFFFFF  }
0xc3: {  	_ =	shalt  }
tec
execute0_lowered:
.L_overlay_start_1:
0x0: {  	(tag) =	ssettag $0x1  }
0x1: {  	s1 =	srdreg.scid;
	s4 =	rddreg [dreg:$0x0]  }
0x2: {  	s0 =	stileid.u32;
	s2 =	rddreg [dreg:$0x1]  }
0x3: {  	s11 =	simm.s32 $0x1;
	s12 =	simm.s32 $0x80;
	s13 =	simm.s32 $0x2800  }
0x4: {  	s14 =	simm.s32 $0x2;
	s15 =	simm.s32 $0x0;
	s5 =	sand.u32 $0x1, s1  }
0x5: {  	s6 =	smul.u32 $0x280, s0;
	s3 =	sshll.u32 s0, $0x1;
	s1 =	rddreg [dreg:$0x2]  }
0x6: {  	s7 =	smul.u32 $0x2800, s5;
	s8 =	sor.u32 s5, s3;
	s3 =	simm.s32 $0x0  }
0x7: {  	s5 =	ssub.s32 $0x2, s5;
	s9 =	smul.u32 $0xFFFFFFB0, s8;
	[smem:$0x7FF] =	sst s3  }
0x8: {  	s8 =	smul.u32 $0x2800, s8;
	s10 =	sshrl.u32 s5, $0x1;
	s7 =	sadd.s32 s6, s7  }
0x9: {  	_ =	strace $0x80000047;
	s10 =	ssub.s32 s5, s10;
	s6 =	sadd.s32 s6, s2  }
0xa: {  	s7 =	sshrl.u32 s7, $0x3;
	p0 =	slt.s32 s9, $0xFFFFF68C;
	s8 =	sshrl.u32 s8, $0x3  }
0xb: {  	s7 =	sadd.s32 s7, s4;
	s9 =	simm.s32 @!p0 $0xFFFFF68C;
	s31 =	sadd.s32 s4, s8  }
0xc: {  	s8 =	smax.u32 s10, $0x1;
	s10 =	simm.s32 $0x3;
	s4 =	sadd.s32 $0x9C4, s9  }
0xd: {  	v0 =	vimm.f32 $1.000000000e+00;
	v1 =	vimm.f32 $0.0e+00;
	s5 =	sadd.s32 $0xC000, s31;
	s7 =	sadd.s32 $0x16000, s7;
	s9 =	simm.s32 $0x2880  }
.LBB2_1:
0xe: {  	[tilespmem:s3], [sflag:$0x1] =	stream.linear.gather [hbm4b:s5+s3], $0x2800, $0x38;
	[tilespmem:$0x2D80] =	vst v63  }
0xf: {  	[tilespmem:$0x2800] =	vst v0  }
0x10: {  	[tilespmem:$0x2880] =	vst v1  }
0x11: {  	[tilespmem:$0x2810] =	vst v0  }
0x12: {  	[tilespmem:$0x2890] =	vst v1  }
0x13: {  	[tilespmem:$0x2820] =	vst v0  }
0x14: {  	[tilespmem:$0x28A0] =	vst v1  }
0x15: {  	[tilespmem:$0x2830] =	vst v0  }
0x16: {  	[tilespmem:$0x28B0] =	vst v1  }
0x17: {  	[tilespmem:$0x2840] =	vst v0  }
0x18: {  	[tilespmem:$0x28C0] =	vst v1  }
0x19: {  	[tilespmem:$0x2850] =	vst v0  }
0x1a: {  	[tilespmem:$0x28D0] =	vst v1  }
0x1b: {  	[tilespmem:$0x2860] =	vst v0  }
0x1c: {  	[tilespmem:$0x28E0] =	vst v1  }
0x1d: {  	[tilespmem:$0x2870] =	vst v0  }
0x1e: {  	s16 =	simm.s32 $0x10;
	s17 =	sand.u32 $0x1F0, s3;
	[tilespmem:$0x28F0] =	vst v1  }
.LBB2_2:
0x1f: {  	p0 =	sne.s32 s16, $0x1F0;
	[tilespmem:s17+$0x2900] =	vst v1;
	s17 =	smov.u32 s16;
	s16 =	sadd.s32 $0x10, s16  }
.Ltmp0:
0x20: {  	(pc) =	sbr.rel @p0 .LBB2_2-.Ltmp0, $2  }
0x21: {  	_ =	sdelay $0x2  }
0x22: {  	s17 =	sand.u32 $0x1F0, s17  }
0x23: {  	[tilespmem:s17+$0x2900] =	vst v1  }
0x24: {  	[spmem:s6] =	stream.linear.scatter [tilespmem:s9], [sflag:$0x3], $0x280, $0x38;
	[tilespmem:$0x2D80] =	vst v63  }
0x25: {  	_ =	swait.ge [sflag:s10], $0x280  }
0x26: {  	[sflag:s10] =	ssyncset.done $0x0  }
0x27: {  	p0 =	sgt.u32 s4, $0x1;
	[sflag:s10] =	ssyncadd.s32 $0xFFFFFD80  }
.Ltmp1:
0x28: {  	_ =	swait.ge [sflag:s11], $0x2800;
	(pc) =	sbr.rel @!p0 .LBB2_5-.Ltmp1, $4  }
0x29: {  	[sflag:s11] =	ssyncset.done $0x0  }
0x2a: {  	[sflag:s11] =	ssyncadd.s32 $0xFFFFD800  }
0x2b: {  	s16 =	simm.s32 $0x0;
	s17 =	simm.s32 $0x1;
	[bflag:$0x0] =	sbarrier.arrive $0xFFFF  }
0x2c: {  	[spmem:s2] =	stream.indirect.scatter.add.f32 [tilespmem:s13], [sflag:$0x2], $0x1, s16, s12, $0xb8;
	[tilespmem:$0x2D80] =	vst v63  }
.LBB2_4:
0x2d: {  	s17 =	sadd.s32 $0x1, s17  }
0x2e: {  	p0 =	slt.u32 s17, s4  }
.Ltmp2:
0x2f: {  	_ = 	snop;
	(pc) =	sbr.rel @p0 .LBB2_4-.Ltmp2, $3  }
0x30: {  	_ = 	snop  }
0x31: {  	s16 =	sadd.s32 $0x80, s16;
	_ =	sdelay $0x1  }
0x32: {  	[spmem:s2] =	stream.indirect.scatter.add.f32 [tilespmem:s13], [sflag:$0x2], $0x1, s16, s12, $0xb8;
	[tilespmem:$0x2D80] =	vst v63  }
.LBB2_5:
0x33: {  	p0 =	sgt.u32 s4, $0x1  }
.Ltmp3:
0x34: {  	_ = 	snop;
	(pc) =	sbr.rel @!p0 .LBB2_7-.Ltmp3, $3  }
0x35: {  	_ =	sdelay $0x1  }
0x36: {  	_ =	swait.ge [sflag:s14], $0x80  }
0x37: {  	s16 =	simm.s32 $0x1;
	[sflag:s14] =	ssyncset.done $0x0  }
.LBB2_6:
0x38: {  	s16 =	sadd.s32 $0x1, s16  }
0x39: {  	[sflag:s14] =	ssyncadd.s32 $0xFFFFFF80;
	p0 =	slt.u32 s16, s4  }
.Ltmp4:
0x3a: {  	(pc) =	sbr.rel @p0 .LBB2_6-.Ltmp4, $3  }
0x3b: {  	_ =	sdelay $0x1  }
0x3c: {  	_ =	swait.ge [sflag:s14], $0x80  }
0x3d: {  	[sflag:s14] =	ssyncset.done $0x0  }
.LBB2_7:
0x3e: {  	[sflag:s14] =	ssyncadd.s32 $0xFFFFFF80  }
0x3f: {  	[bflag:$0x0] =	sbarrier.arrive $0xFFFF  }
0x40: {  	[tilespmem:s9], [sflag:$0x3] =	stream.linear.gather [spmem:s6], $0x280, $0x38;
	[tilespmem:$0x2D80] =	vst v63  }
0x41: {  	s15 =	sadd.s32 $0x1, s15;
	_ =	swait.ge [sflag:s10], $0x280  }
0x42: {  	p0 =	sne.s32 s15, s8;
	[sflag:s10] =	ssyncset.done $0x0  }
.Ltmp5:
0x43: {  	[sflag:s10] =	ssyncadd.s32 $0xFFFFFD80;
	(pc) =	sbr.rel @p0 .LBB2_1-.Ltmp5, $4  }
0x44: {  	[hbm4b:s7+s3] =	stream.linear.scatter [tilespmem:s9], [sflag:$0x3], $0x280, $0x38;
	[tilespmem:$0x2D80] =	vst v63  }
0x45: {  	_ =	swait.ge [sflag:s10], $0x280  }
0x46: {  	[sflag:s10] =	ssyncset.done $0x0  }
0x47: {  	[sflag:s10] =	ssyncadd.s32 $0xFFFFFD80  }
0x48: {  	_ =	sfence.sel $0x180000  }
0x49: {  	[bflag:$0x0] =	sbarrier.arrive $0xFFFF  }
0x4a: {  	p0 =	sne.s32 s0, $0x0;
	_ =	strace $0x90000047  }
0x4b: {  	s0 =	sadd.s32 @!p0 $0x100000, s1;
	[bflag:$0x2] =	sbarrier.arrive $0xFFFF  }
0x4c: {  	[sflag:s0] =	ssyncadd.tile.s32 @!p0 $0x1;
	_ =	shalt  }
.Lfunc_end2:
_tile_overlayer_lowered:
.L_overlay_start_2:
0x4d: {  	(tag) =	ssettag $0x2  }
0x4e: {  	s0 =	rddreg [dreg:$0x0];
	s2 =	stileid.u32  }
0x4f: {  	s1 =	rddreg [dreg:$0x1];
	p0 =	sne.s32 s2, $0x0  }
0x50: {  	s3 =	rddreg [dreg:$0x2];
	[bflag:$0x3] =	sbarrier.arrive $0xFFFF;
	s2 =	simm.s32 @!p0 $0x1C03  }
0x51: {  	[timem:s3], [sflag:s2] =	dma.local @!p0 [hbm:s0], s1  }
0x52: {  	s0 =	simm.s32 @!p0 $0x3  }
0x53: {  	_ =	swait.ge @!p0 [sflag:s0], s1  }
0x54: {  	s1 =	ssub.s32 @!p0 $0x0, s1;
	[sflag:s0] =	ssyncset.done @!p0 $0x0  }
0x55: {  	[sflag:s0] =	ssyncadd.s32 @!p0 s1  }
0x56: {  	[bflag:$0x3] =	sbarrier.arrive $0xFFFF  }
0x57: {  	_ =	shalt  }

</sc_bundles>
